<compile_context>
chip_gen: v7x
topology: tpu7x:2x2x1
jax: 0.10.2.dev20260603
libtpu: 0.0.44.dev20260713+nightly
codegen_flags: <defaults>
</compile_context>

<pallas_src>
import functools

import jax
import jax.numpy as jnp
import numpy as np
from jax import lax
from jax.experimental import pallas as pl
from jax.experimental.pallas import tpu as pltpu
from jax.experimental.pallas import tpu_sc as plsc

S, B, C = 200, 1024, 64
TOK = S * B
TSCALE = 0.005
EPS = 1e-5

NC, NS = 2, 16
NW = NC * NS
GRP = 128
GPW = TOK // (NW * GRP)
TPW = TOK // NW



_MMEAN = np.zeros((128, 128), np.float32)
_MMEAN[:64, :64] = 1.0 / 64.0
_MMEAN[64:, 64:] = 1.0 / 64.0


def _half_ln(x, w2, b2, mm):
    mu = jnp.dot(x, mm, preferred_element_type=jnp.float32)
    c = x - mu
    var = jnp.dot(c * c, mm, preferred_element_type=jnp.float32)
    return c * lax.rsqrt(var + EPS) * w2 + b2


def _ln_rows_body(t_ref, w_ref, b_ref, mm_ref, o_ref):
    o_ref[...] = _half_ln(t_ref[...], w_ref[...], b_ref[...], mm_ref[...])


def _prenorm(table, w, b, block):
    n = table.shape[0]
    t2 = table.reshape(n // 2, 2 * C)
    w2 = jnp.concatenate([w, w]).reshape(1, 2 * C)
    b2 = jnp.concatenate([b, b]).reshape(1, 2 * C)
    out2 = pl.pallas_call(
        _ln_rows_body,
        grid=(n // 2 // block,),
        in_specs=[
            pl.BlockSpec((block, 2 * C), lambda i: (i, 0)),
            pl.BlockSpec((1, 2 * C), lambda i: (0, 0)),
            pl.BlockSpec((1, 2 * C), lambda i: (0, 0)),
            pl.BlockSpec((2 * C, 2 * C), lambda i: (0, 0)),
        ],
        out_specs=pl.BlockSpec((block, 2 * C), lambda i: (i, 0)),
        out_shape=jax.ShapeDtypeStruct((n // 2, 2 * C), jnp.float32),
    )(t2, w2, b2, jnp.asarray(_MMEAN))
    return out2.reshape(n, C)



def _make_gather_sum():
    mesh = plsc.VectorSubcoreMesh(core_axis_name="c", subcore_axis_name="s")

    @functools.partial(
        pl.kernel,
        mesh=mesh,
        compiler_params=pltpu.CompilerParams(use_tc_tiling_on_sc=False),
        out_type=jax.ShapeDtypeStruct((TOK, C), jnp.float32),
        scratch_types=[
            pltpu.VMEM((TPW,), jnp.int32),
            pltpu.VMEM((TPW,), jnp.int32),
            pltpu.VMEM((TPW,), jnp.int32),
            pltpu.VMEM((TPW,), jnp.int32),
            pltpu.VMEM((2, GRP, C), jnp.float32),
            pltpu.VMEM((2, GRP, C), jnp.float32),
            pltpu.VMEM((2, GRP, C), jnp.float32),
            pltpu.VMEM((2, GRP, C), jnp.float32),
            pltpu.SemaphoreType.DMA,
            pltpu.SemaphoreType.DMA,
        ],
    )
    def gather_sum(st, ct, nt, tt, ixs, ixc, ixn, ixt, out,
                   vs, vc, vn, vt, rs, rc, rn, rt, semA, semB):
        cid = lax.axis_index("c")
        sid = lax.axis_index("s")
        wid = sid * NC + cid
        tok0 = wid * TPW

        pltpu.sync_copy(ixs.at[pl.ds(tok0, TPW)], vs)
        pltpu.sync_copy(ixc.at[pl.ds(tok0, TPW)], vc)
        pltpu.sync_copy(ixn.at[pl.ds(tok0, TPW)], vn)
        pltpu.sync_copy(ixt.at[pl.ds(tok0, TPW)], vt)

        sems = (semA, semB)

        def issue(g, b):
            off = g * GRP
            pltpu.async_copy(st.at[vs.at[pl.ds(off, GRP)]], rs.at[b], sems[b])
            pltpu.async_copy(ct.at[vc.at[pl.ds(off, GRP)]], rc.at[b], sems[b])
            pltpu.async_copy(nt.at[vn.at[pl.ds(off, GRP)]], rn.at[b], sems[b])
            pltpu.async_copy(tt.at[vt.at[pl.ds(off, GRP)]], rt.at[b], sems[b])

        def drain(b):
            for dst in (rs, rc, rn, rt):
                pltpu.make_async_copy(st.at[pl.ds(0, GRP)], dst.at[b],
                                      sems[b]).wait()

        def consume(g, b):
            drain(b)

            def tok_body(j, cc):
                for jj in range(8):
                    row = j * 8 + jj
                    for q in range(C // 16):
                        sl = pl.ds(q * 16, 16)
                        v = (rc[b, row, sl] + rn[b, row, sl]
                             + rt[b, row, sl])
                        plsc.addupdate(rs.at[b, row, sl], v)
                return cc

            lax.fori_loop(0, GRP // 8, tok_body, 0)
            pltpu.sync_copy(rs.at[b], out.at[pl.ds(tok0 + g * GRP, GRP)])

        issue(0, 0)

        def pair(h, carry):
            g0 = 2 * h
            issue(g0 + 1, 1)
            consume(g0, 0)

            @pl.when(h < GPW // 2 - 1)
            def _():
                issue(g0 + 2, 0)

            consume(g0 + 1, 1)
            return carry

        lax.fori_loop(0, GPW // 2, pair, 0)

    return gather_sum


_gather_sum = _make_gather_sum()




def _pose_body(p_ref, part_ref, W_ref, pb_ref, w_ref, b_ref, sc_ref, mm_ref,
               o_ref):
    x = p_ref[...] * sc_ref[...]
    pe = jnp.dot(x, W_ref[...], preferred_element_type=jnp.float32) + pb_ref[...]
    o_ref[...] = _half_ln(pe, w_ref[...], b_ref[...], mm_ref[...]) + part_ref[...]


_POSE_R = 2048


def _pose_add(pose2, partial2, W2, pb2, pw2, pbb2, scale2):
    n2 = TOK // 2
    return pl.pallas_call(
        _pose_body,
        grid=(n2 // _POSE_R,),
        in_specs=[
            pl.BlockSpec((_POSE_R, 32), lambda i: (i, 0)),
            pl.BlockSpec((_POSE_R, 2 * C), lambda i: (i, 0)),
            pl.BlockSpec((32, 2 * C), lambda i: (0, 0)),
            pl.BlockSpec((1, 2 * C), lambda i: (0, 0)),
            pl.BlockSpec((1, 2 * C), lambda i: (0, 0)),
            pl.BlockSpec((1, 2 * C), lambda i: (0, 0)),
            pl.BlockSpec((1, 32), lambda i: (0, 0)),
            pl.BlockSpec((2 * C, 2 * C), lambda i: (0, 0)),
        ],
        out_specs=pl.BlockSpec((_POSE_R, 2 * C), lambda i: (i, 0)),
        out_shape=jax.ShapeDtypeStruct((n2, 2 * C), jnp.float32),
    )(pose2, partial2, W2, pb2, pw2, pbb2, scale2, jnp.asarray(_MMEAN))


_SCALE32 = np.ones((1, 32), np.float32)
_SCALE32[0, [3, 7, 11, 19, 23, 27]] = TSCALE


def kernel(shape, color, pose, instance_id, t, pad,
           shape_table, color_table, inst_table, temp_table,
           pose_W, pose_b,
           sn_w, sn_b, cn_w, cn_b, pn_w, pn_b, in_w, in_b, tn_w, tn_b):
    del pad

    ixs = shape.reshape(TOK).astype(jnp.int32)
    ixc = color.reshape(TOK).astype(jnp.int32)
    ixn = instance_id.reshape(TOK).astype(jnp.int32)
    ixt = t.reshape(TOK).astype(jnp.int32)

    stn = _prenorm(shape_table, sn_w, sn_b, 1000)
    ctn = _prenorm(color_table, cn_w, cn_b, 1000)
    n_inst = inst_table.shape[0]
    inst_padded = jnp.concatenate(
        [inst_table, jnp.zeros((1024 - n_inst, C), jnp.float32)], axis=0)
    ntn = _prenorm(inst_padded, in_w, in_b, 512)
    ttn = _prenorm(temp_table, tn_w, tn_b, 512)

    partial = _gather_sum(stn, ctn, ntn, ttn, ixs, ixc, ixn, ixt)

    W2 = (jnp.zeros((32, 2 * C), jnp.float32)
          .at[:12, :C].set(pose_W)
          .at[16:28, C:].set(pose_W))
    pose16 = pose.reshape(TOK, 16)
    pose2 = lax.optimization_barrier(pose16).reshape(TOK // 2, 32)
    partial2 = partial.reshape(TOK // 2, 2 * C)
    pb2 = jnp.concatenate([pose_b, pose_b]).reshape(1, 2 * C)
    pw2 = jnp.concatenate([pn_w, pn_w]).reshape(1, 2 * C)
    pbb2 = jnp.concatenate([pn_b, pn_b]).reshape(1, 2 * C)
    out = _pose_add(pose2, partial2, W2, pb2, pw2, pbb2,
                    jnp.asarray(_SCALE32))
    return out.reshape(S, B, C)

# --- scband reference (transcript-rebuilt; emitter-appended) ---
"""Pipeline reference for scband-assembly-embedding-86071144612041 (READ-ONLY COPY).

The authoritative reference and input builder live on the scoring server;
editing this copy changes nothing except your own understanding.
"""

import jax, jax.numpy as jnp
import numpy as np

S, B, C = 200, 1024, 64
NUM_SHAPES = 100000
NUM_COLORS = 100000
MAX_INST = 1000
MAX_T = 1024
TSCALE = 0.005


def _ln(x, w, b, eps=1e-5):
    mu = jnp.mean(x, axis=-1, keepdims=True)
    var = jnp.mean((x - mu) ** 2, axis=-1, keepdims=True)
    return (x - mu) / jnp.sqrt(var + eps) * w + b


def setup_inputs(seed: int = 0) -> dict:
    key = jax.random.key(seed)
    ks = jax.random.split(key, 12)
    inp = {}
    inp["shape"] = jax.random.randint(ks[0], (S, B), 0, NUM_SHAPES)
    inp["color"] = jax.random.randint(ks[1], (S, B), 0, NUM_COLORS)
    inp["pose"] = jax.random.normal(ks[2], (S, B, 4, 4), dtype=jnp.float32)
    inp["instance_id"] = jax.random.randint(ks[3], (S, B), 0, MAX_INST + 1)
    inp["t"] = jax.random.randint(ks[4], (S, B), 0, MAX_T)
    inp["pad"] = jax.random.randint(ks[5], (B,), 0, S)
    inp["shape_table"] = jax.random.normal(ks[6], (NUM_SHAPES, C), dtype=jnp.float32) * 0.02
    inp["color_table"] = jax.random.normal(ks[7], (NUM_COLORS, C), dtype=jnp.float32) * 0.02
    inp["inst_table"] = jax.random.normal(ks[8], (MAX_INST + 1, C), dtype=jnp.float32) * 0.02
    inp["temp_table"] = jax.random.normal(ks[9], (MAX_T, C), dtype=jnp.float32) * 0.02
    inp["pose_W"] = jax.random.normal(ks[10], (12, C), dtype=jnp.float32) * (1.0 / np.sqrt(12.0))
    inp["pose_b"] = jnp.zeros((C,), dtype=jnp.float32)
    for nm in ["sn", "cn", "pn", "in", "tn"]:
        inp[nm + "_w"] = jnp.ones((C,), dtype=jnp.float32)
        inp[nm + "_b"] = jnp.zeros((C,), dtype=jnp.float32)
    return inp


def reference(shape, color, pose, instance_id, t, pad,
              shape_table, color_table, inst_table, temp_table,
              pose_W, pose_b,
              sn_w, sn_b, cn_w, cn_b, pn_w, pn_b, in_w, in_b, tn_w, tn_b):
    # shape embedding + LayerNorm
    se = _ln(jnp.take(shape_table, shape, axis=0), sn_w, sn_b)
    # color embedding + LayerNorm
    ce = _ln(jnp.take(color_table, color, axis=0), cn_w, cn_b)
    # PoseEmbedding: take top 3 rows of 4x4 pose, scale translation column, flatten to 12, Linear
    p = pose[..., :3, :]
    p = p.at[..., -1].multiply(TSCALE)
    p = p.reshape(p.shape[:-2] + (12,))
    pe = _ln(p @ pose_W + pose_b, pn_w, pn_b)
    # instance id embedding + LayerNorm
    ie = _ln(jnp.take(inst_table, instance_id, axis=0), in_w, in_b)
    # temporal embedding + LayerNorm
    te = _ln(jnp.take(temp_table, t, axis=0), tn_w, tn_b)
    # dropout p=0.0 -> identity
    return se + ce + pe + ie + te

if __name__ == "__main__":
    import jax
    _d = setup_inputs()
    print(jax.jit(kernel)(*tuple(_d.values())))

</pallas_src>

<mosaic_0001>
#map = affine_map<(d0, d1) -> (0, 0)>
#map1 = affine_map<(d0, d1) -> (0)>
module attributes {stable_mosaic.version = 14 : i64} {
  func.func @gather_sum(%arg0: i32, %arg1: i32, %arg2: memref<100000x64xf32, #tpu.memory_space<hbm>>, %arg3: memref<100000x64xf32, #tpu.memory_space<hbm>>, %arg4: memref<1024x64xf32, #tpu.memory_space<hbm>>, %arg5: memref<1024x64xf32, #tpu.memory_space<hbm>>, %arg6: memref<204800xi32, #tpu.memory_space<hbm>>, %arg7: memref<204800xi32, #tpu.memory_space<hbm>>, %arg8: memref<204800xi32, #tpu.memory_space<hbm>>, %arg9: memref<204800xi32, #tpu.memory_space<hbm>>, %arg10: memref<204800x64xf32, #tpu.memory_space<hbm>>, %arg11: memref<6400xi32, #tpu.memory_space<vmem>>, %arg12: memref<6400xi32, #tpu.memory_space<vmem>>, %arg13: memref<6400xi32, #tpu.memory_space<vmem>>, %arg14: memref<6400xi32, #tpu.memory_space<vmem>>, %arg15: memref<2x128x64xf32, #tpu.memory_space<vmem>>, %arg16: memref<2x128x64xf32, #tpu.memory_space<vmem>>, %arg17: memref<2x128x64xf32, #tpu.memory_space<vmem>>, %arg18: memref<2x128x64xf32, #tpu.memory_space<vmem>>, %arg19: memref<!tpu.dma_semaphore, #tpu.memory_space<semaphore_mem>>, %arg20: memref<!tpu.dma_semaphore, #tpu.memory_space<semaphore_mem>>) attributes {dimension_semantics = [#tpu.dimension_semantics<core_parallel>, #tpu.dimension_semantics<subcore_parallel>], iteration_bounds = array<i64: 2, 16>, scalar_prefetch = 0 : i64, scratch_operands = 10 : i64, tpu.core_type = #tpu.core_type<sc_vector_subcore>, window_params = [{transform_indices = #map}, {transform_indices = #map}, {transform_indices = #map}, {transform_indices = #map}, {transform_indices = #map1}, {transform_indices = #map1}, {transform_indices = #map1}, {transform_indices = #map1}, {transform_indices = #map}]} {
    %mul3A = arith.constant 2 : i32
    %mul3A_0 = arith.muli %arg1, %mul3A : i32
    %add3A = arith.addi %mul3A_0, %arg0 : i32
    %mul3A_1 = arith.constant 6400 : i32
    %mul3A_2 = arith.muli %add3A, %mul3A_1 : i32
    "tpu.region"() ({
      %run_scoped3A = tpu.sem_alloc : memref<!tpu.dma_semaphore, #tpu.memory_space<semaphore_mem>>
      %dma_start3A_47 = tpu.memref_slice %arg6[%mul3A_2] : memref<204800xi32, #tpu.memory_space<hbm>> -> memref<6400xi32, #tpu.memory_space<hbm>>
      %dma_start3A_48 = tpu.memref_slice %arg6[%mul3A_2] : memref<204800xi32, #tpu.memory_space<hbm>> -> memref<6400xi32, #tpu.memory_space<hbm>>
      tpu.enqueue_dma source(%dma_start3A_48 : memref<6400xi32, #tpu.memory_space<hbm>>) target(%arg11 : memref<6400xi32, #tpu.memory_space<vmem>>) target_semaphore(%run_scoped3A : memref<!tpu.dma_semaphore, #tpu.memory_space<semaphore_mem>>)
      %dma_wait3A = tpu.memref_slice %arg6[%mul3A_2] : memref<204800xi32, #tpu.memory_space<hbm>> -> memref<6400xi32, #tpu.memory_space<hbm>>
      %dma_wait3A_49 = tpu.memref_slice %arg6[%mul3A_2] : memref<204800xi32, #tpu.memory_space<hbm>> -> memref<6400xi32, #tpu.memory_space<hbm>>
      tpu.wait_dma2 semaphore(%run_scoped3A : memref<!tpu.dma_semaphore, #tpu.memory_space<semaphore_mem>>) src(%dma_wait3A_49 : memref<6400xi32, #tpu.memory_space<hbm>>) dst(%arg11 : memref<6400xi32, #tpu.memory_space<vmem>>)
      tpu.yield
    }) : () -> ()
    "tpu.region"() ({
      %run_scoped3A = tpu.sem_alloc : memref<!tpu.dma_semaphore, #tpu.memory_space<semaphore_mem>>
      %dma_start3A_47 = tpu.memref_slice %arg7[%mul3A_2] : memref<204800xi32, #tpu.memory_space<hbm>> -> memref<6400xi32, #tpu.memory_space<hbm>>
      %dma_start3A_48 = tpu.memref_slice %arg7[%mul3A_2] : memref<204800xi32, #tpu.memory_space<hbm>> -> memref<6400xi32, #tpu.memory_space<hbm>>
      tpu.enqueue_dma source(%dma_start3A_48 : memref<6400xi32, #tpu.memory_space<hbm>>) target(%arg12 : memref<6400xi32, #tpu.memory_space<vmem>>) target_semaphore(%run_scoped3A : memref<!tpu.dma_semaphore, #tpu.memory_space<semaphore_mem>>)
      %dma_wait3A = tpu.memref_slice %arg7[%mul3A_2] : memref<204800xi32, #tpu.memory_space<hbm>> -> memref<6400xi32, #tpu.memory_space<hbm>>
      %dma_wait3A_49 = tpu.memref_slice %arg7[%mul3A_2] : memref<204800xi32, #tpu.memory_space<hbm>> -> memref<6400xi32, #tpu.memory_space<hbm>>
      tpu.wait_dma2 semaphore(%run_scoped3A : memref<!tpu.dma_semaphore, #tpu.memory_space<semaphore_mem>>) src(%dma_wait3A_49 : memref<6400xi32, #tpu.memory_space<hbm>>) dst(%arg12 : memref<6400xi32, #tpu.memory_space<vmem>>)
      tpu.yield
    }) : () -> ()
    "tpu.region"() ({
      %run_scoped3A = tpu.sem_alloc : memref<!tpu.dma_semaphore, #tpu.memory_space<semaphore_mem>>
      %dma_start3A_47 = tpu.memref_slice %arg8[%mul3A_2] : memref<204800xi32, #tpu.memory_space<hbm>> -> memref<6400xi32, #tpu.memory_space<hbm>>
      %dma_start3A_48 = tpu.memref_slice %arg8[%mul3A_2] : memref<204800xi32, #tpu.memory_space<hbm>> -> memref<6400xi32, #tpu.memory_space<hbm>>
      tpu.enqueue_dma source(%dma_start3A_48 : memref<6400xi32, #tpu.memory_space<hbm>>) target(%arg13 : memref<6400xi32, #tpu.memory_space<vmem>>) target_semaphore(%run_scoped3A : memref<!tpu.dma_semaphore, #tpu.memory_space<semaphore_mem>>)
      %dma_wait3A = tpu.memref_slice %arg8[%mul3A_2] : memref<204800xi32, #tpu.memory_space<hbm>> -> memref<6400xi32, #tpu.memory_space<hbm>>
      %dma_wait3A_49 = tpu.memref_slice %arg8[%mul3A_2] : memref<204800xi32, #tpu.memory_space<hbm>> -> memref<6400xi32, #tpu.memory_space<hbm>>
      tpu.wait_dma2 semaphore(%run_scoped3A : memref<!tpu.dma_semaphore, #tpu.memory_space<semaphore_mem>>) src(%dma_wait3A_49 : memref<6400xi32, #tpu.memory_space<hbm>>) dst(%arg13 : memref<6400xi32, #tpu.memory_space<vmem>>)
      tpu.yield
    }) : () -> ()
    "tpu.region"() ({
      %run_scoped3A = tpu.sem_alloc : memref<!tpu.dma_semaphore, #tpu.memory_space<semaphore_mem>>
      %dma_start3A_47 = tpu.memref_slice %arg9[%mul3A_2] : memref<204800xi32, #tpu.memory_space<hbm>> -> memref<6400xi32, #tpu.memory_space<hbm>>
      %dma_start3A_48 = tpu.memref_slice %arg9[%mul3A_2] : memref<204800xi32, #tpu.memory_space<hbm>> -> memref<6400xi32, #tpu.memory_space<hbm>>
      tpu.enqueue_dma source(%dma_start3A_48 : memref<6400xi32, #tpu.memory_space<hbm>>) target(%arg14 : memref<6400xi32, #tpu.memory_space<vmem>>) target_semaphore(%run_scoped3A : memref<!tpu.dma_semaphore, #tpu.memory_space<semaphore_mem>>)
      %dma_wait3A = tpu.memref_slice %arg9[%mul3A_2] : memref<204800xi32, #tpu.memory_space<hbm>> -> memref<6400xi32, #tpu.memory_space<hbm>>
      %dma_wait3A_49 = tpu.memref_slice %arg9[%mul3A_2] : memref<204800xi32, #tpu.memory_space<hbm>> -> memref<6400xi32, #tpu.memory_space<hbm>>
      tpu.wait_dma2 semaphore(%run_scoped3A : memref<!tpu.dma_semaphore, #tpu.memory_space<semaphore_mem>>) src(%dma_wait3A_49 : memref<6400xi32, #tpu.memory_space<hbm>>) dst(%arg14 : memref<6400xi32, #tpu.memory_space<vmem>>)
      tpu.yield
    }) : () -> ()
    %dma_start3A = arith.constant 0 : i32
    %dma_start3A_3 = arith.constant 0 : i32
    %dma_start3A_4 = arith.constant 0 : i32
    %dma_start3A_5 = tpu.memref_slice %arg15[%dma_start3A, %dma_start3A_3, %dma_start3A_4] : memref<2x128x64xf32, #tpu.memory_space<vmem>> -> memref<1x128x64xf32, #tpu.memory_space<vmem>>
    %dma_start3A_6 = tpu.memref_squeeze %dma_start3A_5 : memref<1x128x64xf32, #tpu.memory_space<vmem>> -> memref<128x64xf32, #tpu.memory_space<vmem>>
    %dma_start3A_7 = arith.constant 0 : i32
    %dma_start3A_8 = tpu.memref_slice %arg11[%dma_start3A_7] : memref<6400xi32, #tpu.memory_space<vmem>> -> memref<128xi32, #tpu.memory_space<vmem>>
    %dma_start3A_9 = arith.constant 0 : i32
    %dma_start3A_10 = arith.constant 0 : i32
    %dma_start3A_11 = tpu.memref_slice %arg2[%dma_start3A_9, %dma_start3A_10] : memref<100000x64xf32, #tpu.memory_space<hbm>> -> memref<100000x64xf32, #tpu.memory_space<hbm>>
    tpu.enqueue_indirect_dma source(%dma_start3A_11 : memref<100000x64xf32, #tpu.memory_space<hbm>>) target(%dma_start3A_6 : memref<128x64xf32, #tpu.memory_space<vmem>>) offsets(%dma_start3A_8 : memref<128xi32, #tpu.memory_space<vmem>>) semaphore(%arg19 : memref<!tpu.dma_semaphore, #tpu.memory_space<semaphore_mem>>)
    %dma_start3A_12 = arith.constant 0 : i32
    %dma_start3A_13 = arith.constant 0 : i32
    %dma_start3A_14 = arith.constant 0 : i32
    %dma_start3A_15 = tpu.memref_slice %arg16[%dma_start3A_12, %dma_start3A_13, %dma_start3A_14] : memref<2x128x64xf32, #tpu.memory_space<vmem>> -> memref<1x128x64xf32, #tpu.memory_space<vmem>>
    %dma_start3A_16 = tpu.memref_squeeze %dma_start3A_15 : memref<1x128x64xf32, #tpu.memory_space<vmem>> -> memref<128x64xf32, #tpu.memory_space<vmem>>
    %dma_start3A_17 = arith.constant 0 : i32
    %dma_start3A_18 = tpu.memref_slice %arg12[%dma_start3A_17] : memref<6400xi32, #tpu.memory_space<vmem>> -> memref<128xi32, #tpu.memory_space<vmem>>
    %dma_start3A_19 = arith.constant 0 : i32
    %dma_start3A_20 = arith.constant 0 : i32
    %dma_start3A_21 = tpu.memref_slice %arg3[%dma_start3A_19, %dma_start3A_20] : memref<100000x64xf32, #tpu.memory_space<hbm>> -> memref<100000x64xf32, #tpu.memory_space<hbm>>
    tpu.enqueue_indirect_dma source(%dma_start3A_21 : memref<100000x64xf32, #tpu.memory_space<hbm>>) target(%dma_start3A_16 : memref<128x64xf32, #tpu.memory_space<vmem>>) offsets(%dma_start3A_18 : memref<128xi32, #tpu.memory_space<vmem>>) semaphore(%arg19 : memref<!tpu.dma_semaphore, #tpu.memory_space<semaphore_mem>>)
    %dma_start3A_22 = arith.constant 0 : i32
    %dma_start3A_23 = arith.constant 0 : i32
    %dma_start3A_24 = arith.constant 0 : i32
    %dma_start3A_25 = tpu.memref_slice %arg17[%dma_start3A_22, %dma_start3A_23, %dma_start3A_24] : memref<2x128x64xf32, #tpu.memory_space<vmem>> -> memref<1x128x64xf32, #tpu.memory_space<vmem>>
    %dma_start3A_26 = tpu.memref_squeeze %dma_start3A_25 : memref<1x128x64xf32, #tpu.memory_space<vmem>> -> memref<128x64xf32, #tpu.memory_space<vmem>>
    %dma_start3A_27 = arith.constant 0 : i32
    %dma_start3A_28 = tpu.memref_slice %arg13[%dma_start3A_27] : memref<6400xi32, #tpu.memory_space<vmem>> -> memref<128xi32, #tpu.memory_space<vmem>>
    %dma_start3A_29 = arith.constant 0 : i32
    %dma_start3A_30 = arith.constant 0 : i32
    %dma_start3A_31 = tpu.memref_slice %arg4[%dma_start3A_29, %dma_start3A_30] : memref<1024x64xf32, #tpu.memory_space<hbm>> -> memref<1024x64xf32, #tpu.memory_space<hbm>>
    tpu.enqueue_indirect_dma source(%dma_start3A_31 : memref<1024x64xf32, #tpu.memory_space<hbm>>) target(%dma_start3A_26 : memref<128x64xf32, #tpu.memory_space<vmem>>) offsets(%dma_start3A_28 : memref<128xi32, #tpu.memory_space<vmem>>) semaphore(%arg19 : memref<!tpu.dma_semaphore, #tpu.memory_space<semaphore_mem>>)
    %dma_start3A_32 = arith.constant 0 : i32
    %dma_start3A_33 = arith.constant 0 : i32
    %dma_start3A_34 = arith.constant 0 : i32
    %dma_start3A_35 = tpu.memref_slice %arg18[%dma_start3A_32, %dma_start3A_33, %dma_start3A_34] : memref<2x128x64xf32, #tpu.memory_space<vmem>> -> memref<1x128x64xf32, #tpu.memory_space<vmem>>
    %dma_start3A_36 = tpu.memref_squeeze %dma_start3A_35 : memref<1x128x64xf32, #tpu.memory_space<vmem>> -> memref<128x64xf32, #tpu.memory_space<vmem>>
    %dma_start3A_37 = arith.constant 0 : i32
    %dma_start3A_38 = tpu.memref_slice %arg14[%dma_start3A_37] : memref<6400xi32, #tpu.memory_space<vmem>> -> memref<128xi32, #tpu.memory_space<vmem>>
    %dma_start3A_39 = arith.constant 0 : i32
    %dma_start3A_40 = arith.constant 0 : i32
    %dma_start3A_41 = tpu.memref_slice %arg5[%dma_start3A_39, %dma_start3A_40] : memref<1024x64xf32, #tpu.memory_space<hbm>> -> memref<1024x64xf32, #tpu.memory_space<hbm>>
    tpu.enqueue_indirect_dma source(%dma_start3A_41 : memref<1024x64xf32, #tpu.memory_space<hbm>>) target(%dma_start3A_36 : memref<128x64xf32, #tpu.memory_space<vmem>>) offsets(%dma_start3A_38 : memref<128xi32, #tpu.memory_space<vmem>>) semaphore(%arg19 : memref<!tpu.dma_semaphore, #tpu.memory_space<semaphore_mem>>)
    %scan3A = arith.constant 0 : i32
    %scan3A_42 = arith.constant 0 : i32
    %scan3A_43 = arith.constant 25 : i32
    %scan3A_44 = arith.addi %scan3A_42, %scan3A_43 : i32
    %scan3A_45 = arith.constant 1 : i32
    scf.for %scan3A_47 = %scan3A_42 to %scan3A_44 step %scan3A_45  : i32 {
      %mul3A_48 = arith.constant 2 : i32
      %mul3A_49 = arith.muli %mul3A_48, %scan3A_47 : i32
      %add3A_50 = arith.constant 1 : i32
      %add3A_51 = arith.addi %mul3A_49, %add3A_50 : i32
      %mul3A_52 = arith.constant 128 : i32
      %mul3A_53 = arith.muli %add3A_51, %mul3A_52 : i32
      %dma_start3A_54 = arith.constant 1 : i32
      %dma_start3A_55 = arith.constant 0 : i32
      %dma_start3A_56 = arith.constant 0 : i32
      %dma_start3A_57 = tpu.memref_slice %arg15[%dma_start3A_54, %dma_start3A_55, %dma_start3A_56] : memref<2x128x64xf32, #tpu.memory_space<vmem>> -> memref<1x128x64xf32, #tpu.memory_space<vmem>>
      %dma_start3A_58 = tpu.memref_squeeze %dma_start3A_57 : memref<1x128x64xf32, #tpu.memory_space<vmem>> -> memref<128x64xf32, #tpu.memory_space<vmem>>
      %dma_start3A_59 = tpu.memref_slice %arg11[%mul3A_53] : memref<6400xi32, #tpu.memory_space<vmem>> -> memref<128xi32, #tpu.memory_space<vmem>>
      %dma_start3A_60 = arith.constant 0 : i32
      %dma_start3A_61 = arith.constant 0 : i32
      %dma_start3A_62 = tpu.memref_slice %arg2[%dma_start3A_60, %dma_start3A_61] : memref<100000x64xf32, #tpu.memory_space<hbm>> -> memref<100000x64xf32, #tpu.memory_space<hbm>>
      tpu.enqueue_indirect_dma source(%dma_start3A_62 : memref<100000x64xf32, #tpu.memory_space<hbm>>) target(%dma_start3A_58 : memref<128x64xf32, #tpu.memory_space<vmem>>) offsets(%dma_start3A_59 : memref<128xi32, #tpu.memory_space<vmem>>) semaphore(%arg20 : memref<!tpu.dma_semaphore, #tpu.memory_space<semaphore_mem>>)
      %dma_start3A_63 = arith.constant 1 : i32
      %dma_start3A_64 = arith.constant 0 : i32
      %dma_start3A_65 = arith.constant 0 : i32
      %dma_start3A_66 = tpu.memref_slice %arg16[%dma_start3A_63, %dma_start3A_64, %dma_start3A_65] : memref<2x128x64xf32, #tpu.memory_space<vmem>> -> memref<1x128x64xf32, #tpu.memory_space<vmem>>
      %dma_start3A_67 = tpu.memref_squeeze %dma_start3A_66 : memref<1x128x64xf32, #tpu.memory_space<vmem>> -> memref<128x64xf32, #tpu.memory_space<vmem>>
      %dma_start3A_68 = tpu.memref_slice %arg12[%mul3A_53] : memref<6400xi32, #tpu.memory_space<vmem>> -> memref<128xi32, #tpu.memory_space<vmem>>
      %dma_start3A_69 = arith.constant 0 : i32
      %dma_start3A_70 = arith.constant 0 : i32
      %dma_start3A_71 = tpu.memref_slice %arg3[%dma_start3A_69, %dma_start3A_70] : memref<100000x64xf32, #tpu.memory_space<hbm>> -> memref<100000x64xf32, #tpu.memory_space<hbm>>
      tpu.enqueue_indirect_dma source(%dma_start3A_71 : memref<100000x64xf32, #tpu.memory_space<hbm>>) target(%dma_start3A_67 : memref<128x64xf32, #tpu.memory_space<vmem>>) offsets(%dma_start3A_68 : memref<128xi32, #tpu.memory_space<vmem>>) semaphore(%arg20 : memref<!tpu.dma_semaphore, #tpu.memory_space<semaphore_mem>>)
      %dma_start3A_72 = arith.constant 1 : i32
      %dma_start3A_73 = arith.constant 0 : i32
      %dma_start3A_74 = arith.constant 0 : i32
      %dma_start3A_75 = tpu.memref_slice %arg17[%dma_start3A_72, %dma_start3A_73, %dma_start3A_74] : memref<2x128x64xf32, #tpu.memory_space<vmem>> -> memref<1x128x64xf32, #tpu.memory_space<vmem>>
      %dma_start3A_76 = tpu.memref_squeeze %dma_start3A_75 : memref<1x128x64xf32, #tpu.memory_space<vmem>> -> memref<128x64xf32, #tpu.memory_space<vmem>>
      %dma_start3A_77 = tpu.memref_slice %arg13[%mul3A_53] : memref<6400xi32, #tpu.memory_space<vmem>> -> memref<128xi32, #tpu.memory_space<vmem>>
      %dma_start3A_78 = arith.constant 0 : i32
      %dma_start3A_79 = arith.constant 0 : i32
      %dma_start3A_80 = tpu.memref_slice %arg4[%dma_start3A_78, %dma_start3A_79] : memref<1024x64xf32, #tpu.memory_space<hbm>> -> memref<1024x64xf32, #tpu.memory_space<hbm>>
      tpu.enqueue_indirect_dma source(%dma_start3A_80 : memref<1024x64xf32, #tpu.memory_space<hbm>>) target(%dma_start3A_76 : memref<128x64xf32, #tpu.memory_space<vmem>>) offsets(%dma_start3A_77 : memref<128xi32, #tpu.memory_space<vmem>>) semaphore(%arg20 : memref<!tpu.dma_semaphore, #tpu.memory_space<semaphore_mem>>)
      %dma_start3A_81 = arith.constant 1 : i32
      %dma_start3A_82 = arith.constant 0 : i32
      %dma_start3A_83 = arith.constant 0 : i32
      %dma_start3A_84 = tpu.memref_slice %arg18[%dma_start3A_81, %dma_start3A_82, %dma_start3A_83] : memref<2x128x64xf32, #tpu.memory_space<vmem>> -> memref<1x128x64xf32, #tpu.memory_space<vmem>>
      %dma_start3A_85 = tpu.memref_squeeze %dma_start3A_84 : memref<1x128x64xf32, #tpu.memory_space<vmem>> -> memref<128x64xf32, #tpu.memory_space<vmem>>
      %dma_start3A_86 = tpu.memref_slice %arg14[%mul3A_53] : memref<6400xi32, #tpu.memory_space<vmem>> -> memref<128xi32, #tpu.memory_space<vmem>>
      %dma_start3A_87 = arith.constant 0 : i32
      %dma_start3A_88 = arith.constant 0 : i32
      %dma_start3A_89 = tpu.memref_slice %arg5[%dma_start3A_87, %dma_start3A_88] : memref<1024x64xf32, #tpu.memory_space<hbm>> -> memref<1024x64xf32, #tpu.memory_space<hbm>>
      tpu.enqueue_indirect_dma source(%dma_start3A_89 : memref<1024x64xf32, #tpu.memory_space<hbm>>) target(%dma_start3A_85 : memref<128x64xf32, #tpu.memory_space<vmem>>) offsets(%dma_start3A_86 : memref<128xi32, #tpu.memory_space<vmem>>) semaphore(%arg20 : memref<!tpu.dma_semaphore, #tpu.memory_space<semaphore_mem>>)
      %dma_wait3A = arith.constant 0 : i32
      %dma_wait3A_90 = arith.constant 0 : i32
      %dma_wait3A_91 = arith.constant 0 : i32
      %dma_wait3A_92 = tpu.memref_slice %arg15[%dma_wait3A, %dma_wait3A_90, %dma_wait3A_91] : memref<2x128x64xf32, #tpu.memory_space<vmem>> -> memref<1x128x64xf32, #tpu.memory_space<vmem>>
      %dma_wait3A_93 = tpu.memref_squeeze %dma_wait3A_92 : memref<1x128x64xf32, #tpu.memory_space<vmem>> -> memref<128x64xf32, #tpu.memory_space<vmem>>
      %dma_wait3A_94 = arith.constant 0 : i32
      %dma_wait3A_95 = arith.constant 0 : i32
      %dma_wait3A_96 = tpu.memref_slice %arg2[%dma_wait3A_94, %dma_wait3A_95] : memref<100000x64xf32, #tpu.memory_space<hbm>> -> memref<128x64xf32, #tpu.memory_space<hbm>>
      %dma_wait3A_97 = arith.constant 0 : i32
      %dma_wait3A_98 = arith.constant 0 : i32
      %dma_wait3A_99 = tpu.memref_slice %arg15[%dma_wait3A, %dma_wait3A_97, %dma_wait3A_98] : memref<2x128x64xf32, #tpu.memory_space<vmem>> -> memref<1x128x64xf32, #tpu.memory_space<vmem>>
      %dma_wait3A_100 = tpu.memref_squeeze %dma_wait3A_99 : memref<1x128x64xf32, #tpu.memory_space<vmem>> -> memref<128x64xf32, #tpu.memory_space<vmem>>
      %dma_wait3A_101 = arith.constant 0 : i32
      %dma_wait3A_102 = arith.constant 0 : i32
      %dma_wait3A_103 = tpu.memref_slice %arg2[%dma_wait3A_101, %dma_wait3A_102] : memref<100000x64xf32, #tpu.memory_space<hbm>> -> memref<128x64xf32, #tpu.memory_space<hbm>>
      tpu.wait_dma2 semaphore(%arg19 : memref<!tpu.dma_semaphore, #tpu.memory_space<semaphore_mem>>) src(%dma_wait3A_103 : memref<128x64xf32, #tpu.memory_space<hbm>>) dst(%dma_wait3A_100 : memref<128x64xf32, #tpu.memory_space<vmem>>)
      %dma_wait3A_104 = arith.constant 0 : i32
      %dma_wait3A_105 = arith.constant 0 : i32
      %dma_wait3A_106 = arith.constant 0 : i32
      %dma_wait3A_107 = tpu.memref_slice %arg16[%dma_wait3A_104, %dma_wait3A_105, %dma_wait3A_106] : memref<2x128x64xf32, #tpu.memory_space<vmem>> -> memref<1x128x64xf32, #tpu.memory_space<vmem>>
      %dma_wait3A_108 = tpu.memref_squeeze %dma_wait3A_107 : memref<1x128x64xf32, #tpu.memory_space<vmem>> -> memref<128x64xf32, #tpu.memory_space<vmem>>
      %dma_wait3A_109 = arith.constant 0 : i32
      %dma_wait3A_110 = arith.constant 0 : i32
      %dma_wait3A_111 = tpu.memref_slice %arg2[%dma_wait3A_109, %dma_wait3A_110] : memref<100000x64xf32, #tpu.memory_space<hbm>> -> memref<128x64xf32, #tpu.memory_space<hbm>>
      %dma_wait3A_112 = arith.constant 0 : i32
      %dma_wait3A_113 = arith.constant 0 : i32
      %dma_wait3A_114 = tpu.memref_slice %arg16[%dma_wait3A_104, %dma_wait3A_112, %dma_wait3A_113] : memref<2x128x64xf32, #tpu.memory_space<vmem>> -> memref<1x128x64xf32, #tpu.memory_space<vmem>>
      %dma_wait3A_115 = tpu.memref_squeeze %dma_wait3A_114 : memref<1x128x64xf32, #tpu.memory_space<vmem>> -> memref<128x64xf32, #tpu.memory_space<vmem>>
      %dma_wait3A_116 = arith.constant 0 : i32
      %dma_wait3A_117 = arith.constant 0 : i32
      %dma_wait3A_118 = tpu.memref_slice %arg2[%dma_wait3A_116, %dma_wait3A_117] : memref<100000x64xf32, #tpu.memory_space<hbm>> -> memref<128x64xf32, #tpu.memory_space<hbm>>
      tpu.wait_dma2 semaphore(%arg19 : memref<!tpu.dma_semaphore, #tpu.memory_space<semaphore_mem>>) src(%dma_wait3A_118 : memref<128x64xf32, #tpu.memory_space<hbm>>) dst(%dma_wait3A_115 : memref<128x64xf32, #tpu.memory_space<vmem>>)
      %dma_wait3A_119 = arith.constant 0 : i32
      %dma_wait3A_120 = arith.constant 0 : i32
      %dma_wait3A_121 = arith.constant 0 : i32
      %dma_wait3A_122 = tpu.memref_slice %arg17[%dma_wait3A_119, %dma_wait3A_120, %dma_wait3A_121] : memref<2x128x64xf32, #tpu.memory_space<vmem>> -> memref<1x128x64xf32, #tpu.memory_space<vmem>>
      %dma_wait3A_123 = tpu.memref_squeeze %dma_wait3A_122 : memref<1x128x64xf32, #tpu.memory_space<vmem>> -> memref<128x64xf32, #tpu.memory_space<vmem>>
      %dma_wait3A_124 = arith.constant 0 : i32
      %dma_wait3A_125 = arith.constant 0 : i32
      %dma_wait3A_126 = tpu.memref_slice %arg2[%dma_wait3A_124, %dma_wait3A_125] : memref<100000x64xf32, #tpu.memory_space<hbm>> -> memref<128x64xf32, #tpu.memory_space<hbm>>
      %dma_wait3A_127 = arith.constant 0 : i32
      %dma_wait3A_128 = arith.constant 0 : i32
      %dma_wait3A_129 = tpu.memref_slice %arg17[%dma_wait3A_119, %dma_wait3A_127, %dma_wait3A_128] : memref<2x128x64xf32, #tpu.memory_space<vmem>> -> memref<1x128x64xf32, #tpu.memory_space<vmem>>
      %dma_wait3A_130 = tpu.memref_squeeze %dma_wait3A_129 : memref<1x128x64xf32, #tpu.memory_space<vmem>> -> memref<128x64xf32, #tpu.memory_space<vmem>>
      %dma_wait3A_131 = arith.constant 0 : i32
      %dma_wait3A_132 = arith.constant 0 : i32
      %dma_wait3A_133 = tpu.memref_slice %arg2[%dma_wait3A_131, %dma_wait3A_132] : memref<100000x64xf32, #tpu.memory_space<hbm>> -> memref<128x64xf32, #tpu.memory_space<hbm>>
      tpu.wait_dma2 semaphore(%arg19 : memref<!tpu.dma_semaphore, #tpu.memory_space<semaphore_mem>>) src(%dma_wait3A_133 : memref<128x64xf32, #tpu.memory_space<hbm>>) dst(%dma_wait3A_130 : memref<128x64xf32, #tpu.memory_space<vmem>>)
      %dma_wait3A_134 = arith.constant 0 : i32
      %dma_wait3A_135 = arith.constant 0 : i32
      %dma_wait3A_136 = arith.constant 0 : i32
      %dma_wait3A_137 = tpu.memref_slice %arg18[%dma_wait3A_134, %dma_wait3A_135, %dma_wait3A_136] : memref<2x128x64xf32, #tpu.memory_space<vmem>> -> memref<1x128x64xf32, #tpu.memory_space<vmem>>
      %dma_wait3A_138 = tpu.memref_squeeze %dma_wait3A_137 : memref<1x128x64xf32, #tpu.memory_space<vmem>> -> memref<128x64xf32, #tpu.memory_space<vmem>>
      %dma_wait3A_139 = arith.constant 0 : i32
      %dma_wait3A_140 = arith.constant 0 : i32
      %dma_wait3A_141 = tpu.memref_slice %arg2[%dma_wait3A_139, %dma_wait3A_140] : memref<100000x64xf32, #tpu.memory_space<hbm>> -> memref<128x64xf32, #tpu.memory_space<hbm>>
      %dma_wait3A_142 = arith.constant 0 : i32
      %dma_wait3A_143 = arith.constant 0 : i32
      %dma_wait3A_144 = tpu.memref_slice %arg18[%dma_wait3A_134, %dma_wait3A_142, %dma_wait3A_143] : memref<2x128x64xf32, #tpu.memory_space<vmem>> -> memref<1x128x64xf32, #tpu.memory_space<vmem>>
      %dma_wait3A_145 = tpu.memref_squeeze %dma_wait3A_144 : memref<1x128x64xf32, #tpu.memory_space<vmem>> -> memref<128x64xf32, #tpu.memory_space<vmem>>
      %dma_wait3A_146 = arith.constant 0 : i32
      %dma_wait3A_147 = arith.constant 0 : i32
      %dma_wait3A_148 = tpu.memref_slice %arg2[%dma_wait3A_146, %dma_wait3A_147] : memref<100000x64xf32, #tpu.memory_space<hbm>> -> memref<128x64xf32, #tpu.memory_space<hbm>>
      tpu.wait_dma2 semaphore(%arg19 : memref<!tpu.dma_semaphore, #tpu.memory_space<semaphore_mem>>) src(%dma_wait3A_148 : memref<128x64xf32, #tpu.memory_space<hbm>>) dst(%dma_wait3A_145 : memref<128x64xf32, #tpu.memory_space<vmem>>)
      %scan3A_149 = arith.constant 0 : i32
      %scan3A_150 = arith.constant 0 : i32
      %scan3A_151 = arith.constant 16 : i32
      %scan3A_152 = arith.addi %scan3A_150, %scan3A_151 : i32
      %scan3A_153 = arith.constant 1 : i32
      scf.for %scan3A_232 = %scan3A_150 to %scan3A_152 step %scan3A_153  : i32 {
        %mul3A_233 = arith.constant 8 : i32
        %mul3A_234 = arith.muli %scan3A_232, %mul3A_233 : i32
        %add3A_235 = arith.constant 0 : i32
        %add3A_236 = arith.addi %mul3A_234, %add3A_235 : i32
        %get3A = arith.constant 0 : i32
        %get3A_237 = arith.index_cast %get3A : i32 to index
        %get3A_238 = arith.index_cast %add3A_236 : i32 to index
        %get3A_239 = arith.constant 0 : index
        %get3A_240 = tpu.vector_load %arg16[%get3A_237, %get3A_238, %get3A_239] {strides = array<i32>} : memref<2x128x64xf32, #tpu.memory_space<vmem>>, vector<1x1x16xf32>,
        %get3A_241 = vector.shape_cast %get3A_240 : vector<1x1x16xf32> to vector<16xf32>
        %get3A_242 = arith.constant 0 : i32
        %get3A_243 = arith.index_cast %get3A_242 : i32 to index
        %get3A_244 = arith.index_cast %add3A_236 : i32 to index
        %get3A_245 = arith.constant 0 : index
        %get3A_246 = tpu.vector_load %arg17[%get3A_243, %get3A_244, %get3A_245] {strides = array<i32>} : memref<2x128x64xf32, #tpu.memory_space<vmem>>, vector<1x1x16xf32>,
        %get3A_247 = vector.shape_cast %get3A_246 : vector<1x1x16xf32> to vector<16xf32>
        %add3A_248 = arith.addf %get3A_241, %get3A_247 : vector<16xf32>
        %get3A_249 = arith.constant 0 : i32
        %get3A_250 = arith.index_cast %get3A_249 : i32 to index
        %get3A_251 = arith.index_cast %add3A_236 : i32 to index
        %get3A_252 = arith.constant 0 : index
        %get3A_253 = tpu.vector_load %arg18[%get3A_250, %get3A_251, %get3A_252] {strides = array<i32>} : memref<2x128x64xf32, #tpu.memory_space<vmem>>, vector<1x1x16xf32>,
        %get3A_254 = vector.shape_cast %get3A_253 : vector<1x1x16xf32> to vector<16xf32>
        %add3A_255 = arith.addf %add3A_248, %get3A_254 : vector<16xf32>
        %swap3A = arith.constant 0 : i32
        %swap3A_256 = arith.index_cast %swap3A : i32 to index
        %swap3A_257 = arith.index_cast %add3A_236 : i32 to index
        %swap3A_258 = arith.constant 0 : index
        %swap3A_259 = tpu.vector_load %arg15[%swap3A_256, %swap3A_257, %swap3A_258] {strides = array<i32>} : memref<2x128x64xf32, #tpu.memory_space<vmem>>, vector<1x1x16xf32>,
        %swap3A_260 = vector.shape_cast %swap3A_259 : vector<1x1x16xf32> to vector<16xf32>
        %swap3A_261 = vector.shape_cast %add3A_255 : vector<16xf32> to vector<1x1x16xf32>
        tpu.vector_store %arg15[%swap3A_256, %swap3A_257, %swap3A_258], %swap3A_261 {add = true, strides = array<i32>} : memref<2x128x64xf32, #tpu.memory_space<vmem>>, vector<1x1x16xf32>,
        %get3A_262 = arith.constant 0 : i32
        %get3A_263 = arith.index_cast %get3A_262 : i32 to index
        %get3A_264 = arith.index_cast %add3A_236 : i32 to index
        %get3A_265 = arith.constant 16 : index
        %get3A_266 = tpu.vector_load %arg16[%get3A_263, %get3A_264, %get3A_265] {strides = array<i32>} : memref<2x128x64xf32, #tpu.memory_space<vmem>>, vector<1x1x16xf32>,
        %get3A_267 = vector.shape_cast %get3A_266 : vector<1x1x16xf32> to vector<16xf32>
        %get3A_268 = arith.constant 0 : i32
        %get3A_269 = arith.index_cast %get3A_268 : i32 to index
        %get3A_270 = arith.index_cast %add3A_236 : i32 to index
        %get3A_271 = arith.constant 16 : index
        %get3A_272 = tpu.vector_load %arg17[%get3A_269, %get3A_270, %get3A_271] {strides = array<i32>} : memref<2x128x64xf32, #tpu.memory_space<vmem>>, vector<1x1x16xf32>,
        %get3A_273 = vector.shape_cast %get3A_272 : vector<1x1x16xf32> to vector<16xf32>
        %add3A_274 = arith.addf %get3A_267, %get3A_273 : vector<16xf32>
        %get3A_275 = arith.constant 0 : i32
        %get3A_276 = arith.index_cast %get3A_275 : i32 to index
        %get3A_277 = arith.index_cast %add3A_236 : i32 to index
        %get3A_278 = arith.constant 16 : index
        %get3A_279 = tpu.vector_load %arg18[%get3A_276, %get3A_277, %get3A_278] {strides = array<i32>} : memref<2x128x64xf32, #tpu.memory_space<vmem>>, vector<1x1x16xf32>,
        %get3A_280 = vector.shape_cast %get3A_279 : vector<1x1x16xf32> to vector<16xf32>
        %add3A_281 = arith.addf %add3A_274, %get3A_280 : vector<16xf32>
        %swap3A_282 = arith.constant 0 : i32
        %swap3A_283 = arith.index_cast %swap3A_282 : i32 to index
        %swap3A_284 = arith.index_cast %add3A_236 : i32 to index
        %swap3A_285 = arith.constant 16 : index
        %swap3A_286 = tpu.vector_load %arg15[%swap3A_283, %swap3A_284, %swap3A_285] {strides = array<i32>} : memref<2x128x64xf32, #tpu.memory_space<vmem>>, vector<1x1x16xf32>,
        %swap3A_287 = vector.shape_cast %swap3A_286 : vector<1x1x16xf32> to vector<16xf32>
        %swap3A_288 = vector.shape_cast %add3A_281 : vector<16xf32> to vector<1x1x16xf32>
        tpu.vector_store %arg15[%swap3A_283, %swap3A_284, %swap3A_285], %swap3A_288 {add = true, strides = array<i32>} : memref<2x128x64xf32, #tpu.memory_space<vmem>>, vector<1x1x16xf32>,
        %get3A_289 = arith.constant 0 : i32
        %get3A_290 = arith.index_cast %get3A_289 : i32 to index
        %get3A_291 = arith.index_cast %add3A_236 : i32 to index
        %get3A_292 = arith.constant 32 : index
        %get3A_293 = tpu.vector_load %arg16[%get3A_290, %get3A_291, %get3A_292] {strides = array<i32>} : memref<2x128x64xf32, #tpu.memory_space<vmem>>, vector<1x1x16xf32>,
        %get3A_294 = vector.shape_cast %get3A_293 : vector<1x1x16xf32> to vector<16xf32>
        %get3A_295 = arith.constant 0 : i32
        %get3A_296 = arith.index_cast %get3A_295 : i32 to index
        %get3A_297 = arith.index_cast %add3A_236 : i32 to index
        %get3A_298 = arith.constant 32 : index
        %get3A_299 = tpu.vector_load %arg17[%get3A_296, %get3A_297, %get3A_298] {strides = array<i32>} : memref<2x128x64xf32, #tpu.memory_space<vmem>>, vector<1x1x16xf32>,
        %get3A_300 = vector.shape_cast %get3A_299 : vector<1x1x16xf32> to vector<16xf32>
        %add3A_301 = arith.addf %get3A_294, %get3A_300 : vector<16xf32>
        %get3A_302 = arith.constant 0 : i32
        %get3A_303 = arith.index_cast %get3A_302 : i32 to index
        %get3A_304 = arith.index_cast %add3A_236 : i32 to index
        %get3A_305 = arith.constant 32 : index
        %get3A_306 = tpu.vector_load %arg18[%get3A_303, %get3A_304, %get3A_305] {strides = array<i32>} : memref<2x128x64xf32, #tpu.memory_space<vmem>>, vector<1x1x16xf32>,
        %get3A_307 = vector.shape_cast %get3A_306 : vector<1x1x16xf32> to vector<16xf32>
        %add3A_308 = arith.addf %add3A_301, %get3A_307 : vector<16xf32>
        %swap3A_309 = arith.constant 0 : i32
        %swap3A_310 = arith.index_cast %swap3A_309 : i32 to index
        %swap3A_311 = arith.index_cast %add3A_236 : i32 to index
        %swap3A_312 = arith.constant 32 : index
        %swap3A_313 = tpu.vector_load %arg15[%swap3A_310, %swap3A_311, %swap3A_312] {strides = array<i32>} : memref<2x128x64xf32, #tpu.memory_space<vmem>>, vector<1x1x16xf32>,
        %swap3A_314 = vector.shape_cast %swap3A_313 : vector<1x1x16xf32> to vector<16xf32>
        %swap3A_315 = vector.shape_cast %add3A_308 : vector<16xf32> to vector<1x1x16xf32>
        tpu.vector_store %arg15[%swap3A_310, %swap3A_311, %swap3A_312], %swap3A_315 {add = true, strides = array<i32>} : memref<2x128x64xf32, #tpu.memory_space<vmem>>, vector<1x1x16xf32>,
        %get3A_316 = arith.constant 0 : i32
        %get3A_317 = arith.index_cast %get3A_316 : i32 to index
        %get3A_318 = arith.index_cast %add3A_236 : i32 to index
        %get3A_319 = arith.constant 48 : index
        %get3A_320 = tpu.vector_load %arg16[%get3A_317, %get3A_318, %get3A_319] {strides = array<i32>} : memref<2x128x64xf32, #tpu.memory_space<vmem>>, vector<1x1x16xf32>,
        %get3A_321 = vector.shape_cast %get3A_320 : vector<1x1x16xf32> to vector<16xf32>
        %get3A_322 = arith.constant 0 : i32
        %get3A_323 = arith.index_cast %get3A_322 : i32 to index
        %get3A_324 = arith.index_cast %add3A_236 : i32 to index
        %get3A_325 = arith.constant 48 : index
        %get3A_326 = tpu.vector_load %arg17[%get3A_323, %get3A_324, %get3A_325] {strides = array<i32>} : memref<2x128x64xf32, #tpu.memory_space<vmem>>, vector<1x1x16xf32>,
        %get3A_327 = vector.shape_cast %get3A_326 : vector<1x1x16xf32> to vector<16xf32>
        %add3A_328 = arith.addf %get3A_321, %get3A_327 : vector<16xf32>
        %get3A_329 = arith.constant 0 : i32
        %get3A_330 = arith.index_cast %get3A_329 : i32 to index
        %get3A_331 = arith.index_cast %add3A_236 : i32 to index
        %get3A_332 = arith.constant 48 : index
        %get3A_333 = tpu.vector_load %arg18[%get3A_330, %get3A_331, %get3A_332] {strides = array<i32>} : memref<2x128x64xf32, #tpu.memory_space<vmem>>, vector<1x1x16xf32>,
        %get3A_334 = vector.shape_cast %get3A_333 : vector<1x1x16xf32> to vector<16xf32>
        %add3A_335 = arith.addf %add3A_328, %get3A_334 : vector<16xf32>
        %swap3A_336 = arith.constant 0 : i32
        %swap3A_337 = arith.index_cast %swap3A_336 : i32 to index
        %swap3A_338 = arith.index_cast %add3A_236 : i32 to index
        %swap3A_339 = arith.constant 48 : index
        %swap3A_340 = tpu.vector_load %arg15[%swap3A_337, %swap3A_338, %swap3A_339] {strides = array<i32>} : memref<2x128x64xf32, #tpu.memory_space<vmem>>, vector<1x1x16xf32>,
        %swap3A_341 = vector.shape_cast %swap3A_340 : vector<1x1x16xf32> to vector<16xf32>
        %swap3A_342 = vector.shape_cast %add3A_335 : vector<16xf32> to vector<1x1x16xf32>
        tpu.vector_store %arg15[%swap3A_337, %swap3A_338, %swap3A_339], %swap3A_342 {add = true, strides = array<i32>} : memref<2x128x64xf32, #tpu.memory_space<vmem>>, vector<1x1x16xf32>,
        %mul3A_343 = arith.constant 8 : i32
        %mul3A_344 = arith.muli %scan3A_232, %mul3A_343 : i32
        %add3A_345 = arith.constant 1 : i32
        %add3A_346 = arith.addi %mul3A_344, %add3A_345 : i32
        %get3A_347 = arith.constant 0 : i32
        %get3A_348 = arith.index_cast %get3A_347 : i32 to index
        %get3A_349 = arith.index_cast %add3A_346 : i32 to index
        %get3A_350 = arith.constant 0 : index
        %get3A_351 = tpu.vector_load %arg16[%get3A_348, %get3A_349, %get3A_350] {strides = array<i32>} : memref<2x128x64xf32, #tpu.memory_space<vmem>>, vector<1x1x16xf32>,
        %get3A_352 = vector.shape_cast %get3A_351 : vector<1x1x16xf32> to vector<16xf32>
        %get3A_353 = arith.constant 0 : i32
        %get3A_354 = arith.index_cast %get3A_353 : i32 to index
        %get3A_355 = arith.index_cast %add3A_346 : i32 to index
        %get3A_356 = arith.constant 0 : index
        %get3A_357 = tpu.vector_load %arg17[%get3A_354, %get3A_355, %get3A_356] {strides = array<i32>} : memref<2x128x64xf32, #tpu.memory_space<vmem>>, vector<1x1x16xf32>,
        %get3A_358 = vector.shape_cast %get3A_357 : vector<1x1x16xf32> to vector<16xf32>
        %add3A_359 = arith.addf %get3A_352, %get3A_358 : vector<16xf32>
        %get3A_360 = arith.constant 0 : i32
        %get3A_361 = arith.index_cast %get3A_360 : i32 to index
        %get3A_362 = arith.index_cast %add3A_346 : i32 to index
        %get3A_363 = arith.constant 0 : index
        %get3A_364 = tpu.vector_load %arg18[%get3A_361, %get3A_362, %get3A_363] {strides = array<i32>} : memref<2x128x64xf32, #tpu.memory_space<vmem>>, vector<1x1x16xf32>,
        %get3A_365 = vector.shape_cast %get3A_364 : vector<1x1x16xf32> to vector<16xf32>
        %add3A_366 = arith.addf %add3A_359, %get3A_365 : vector<16xf32>
        %swap3A_367 = arith.constant 0 : i32
        %swap3A_368 = arith.index_cast %swap3A_367 : i32 to index
        %swap3A_369 = arith.index_cast %add3A_346 : i32 to index
        %swap3A_370 = arith.constant 0 : index
        %swap3A_371 = tpu.vector_load %arg15[%swap3A_368, %swap3A_369, %swap3A_370] {strides = array<i32>} : memref<2x128x64xf32, #tpu.memory_space<vmem>>, vector<1x1x16xf32>,
        %swap3A_372 = vector.shape_cast %swap3A_371 : vector<1x1x16xf32> to vector<16xf32>
        %swap3A_373 = vector.shape_cast %add3A_366 : vector<16xf32> to vector<1x1x16xf32>
        tpu.vector_store %arg15[%swap3A_368, %swap3A_369, %swap3A_370], %swap3A_373 {add = true, strides = array<i32>} : memref<2x128x64xf32, #tpu.memory_space<vmem>>, vector<1x1x16xf32>,
        %get3A_374 = arith.constant 0 : i32
        %get3A_375 = arith.index_cast %get3A_374 : i32 to index
        %get3A_376 = arith.index_cast %add3A_346 : i32 to index
        %get3A_377 = arith.constant 16 : index
        %get3A_378 = tpu.vector_load %arg16[%get3A_375, %get3A_376, %get3A_377] {strides = array<i32>} : memref<2x128x64xf32, #tpu.memory_space<vmem>>, vector<1x1x16xf32>,
        %get3A_379 = vector.shape_cast %get3A_378 : vector<1x1x16xf32> to vector<16xf32>
        %get3A_380 = arith.constant 0 : i32
        %get3A_381 = arith.index_cast %get3A_380 : i32 to index
        %get3A_382 = arith.index_cast %add3A_346 : i32 to index
        %get3A_383 = arith.constant 16 : index
        %get3A_384 = tpu.vector_load %arg17[%get3A_381, %get3A_382, %get3A_383] {strides = array<i32>} : memref<2x128x64xf32, #tpu.memory_space<vmem>>, vector<1x1x16xf32>,
        %get3A_385 = vector.shape_cast %get3A_384 : vector<1x1x16xf32> to vector<16xf32>
        %add3A_386 = arith.addf %get3A_379, %get3A_385 : vector<16xf32>
        %get3A_387 = arith.constant 0 : i32
        %get3A_388 = arith.index_cast %get3A_387 : i32 to index
        %get3A_389 = arith.index_cast %add3A_346 : i32 to index
        %get3A_390 = arith.constant 16 : index
        %get3A_391 = tpu.vector_load %arg18[%get3A_388, %get3A_389, %get3A_390] {strides = array<i32>} : memref<2x128x64xf32, #tpu.memory_space<vmem>>, vector<1x1x16xf32>,
        %get3A_392 = vector.shape_cast %get3A_391 : vector<1x1x16xf32> to vector<16xf32>
        %add3A_393 = arith.addf %add3A_386, %get3A_392 : vector<16xf32>
        %swap3A_394 = arith.constant 0 : i32
        %swap3A_395 = arith.index_cast %swap3A_394 : i32 to index
        %swap3A_396 = arith.index_cast %add3A_346 : i32 to index
        %swap3A_397 = arith.constant 16 : index
        %swap3A_398 = tpu.vector_load %arg15[%swap3A_395, %swap3A_396, %swap3A_397] {strides = array<i32>} : memref<2x128x64xf32, #tpu.memory_space<vmem>>, vector<1x1x16xf32>,
        %swap3A_399 = vector.shape_cast %swap3A_398 : vector<1x1x16xf32> to vector<16xf32>
        %swap3A_400 = vector.shape_cast %add3A_393 : vector<16xf32> to vector<1x1x16xf32>
        tpu.vector_store %arg15[%swap3A_395, %swap3A_396, %swap3A_397], %swap3A_400 {add = true, strides = array<i32>} : memref<2x128x64xf32, #tpu.memory_space<vmem>>, vector<1x1x16xf32>,
        %get3A_401 = arith.constant 0 : i32
        %get3A_402 = arith.index_cast %get3A_401 : i32 to index
        %get3A_403 = arith.index_cast %add3A_346 : i32 to index
        %get3A_404 = arith.constant 32 : index
        %get3A_405 = tpu.vector_load %arg16[%get3A_402, %get3A_403, %get3A_404] {strides = array<i32>} : memref<2x128x64xf32, #tpu.memory_space<vmem>>, vector<1x1x16xf32>,
        %get3A_406 = vector.shape_cast %get3A_405 : vector<1x1x16xf32> to vector<16xf32>
        %get3A_407 = arith.constant 0 : i32
        %get3A_408 = arith.index_cast %get3A_407 : i32 to index
        %get3A_409 = arith.index_cast %add3A_346 : i32 to index
        %get3A_410 = arith.constant 32 : index
        %get3A_411 = tpu.vector_load %arg17[%get3A_408, %get3A_409, %get3A_410] {strides = array<i32>} : memref<2x128x64xf32, #tpu.memory_space<vmem>>, vector<1x1x16xf32>,
        %get3A_412 = vector.shape_cast %get3A_411 : vector<1x1x16xf32> to vector<16xf32>
        %add3A_413 = arith.addf %get3A_406, %get3A_412 : vector<16xf32>
        %get3A_414 = arith.constant 0 : i32
        %get3A_415 = arith.index_cast %get3A_414 : i32 to index
        %get3A_416 = arith.index_cast %add3A_346 : i32 to index
        %get3A_417 = arith.constant 32 : index
        %get3A_418 = tpu.vector_load %arg18[%get3A_415, %get3A_416, %get3A_417] {strides = array<i32>} : memref<2x128x64xf32, #tpu.memory_space<vmem>>, vector<1x1x16xf32>,
        %get3A_419 = vector.shape_cast %get3A_418 : vector<1x1x16xf32> to vector<16xf32>
        %add3A_420 = arith.addf %add3A_413, %get3A_419 : vector<16xf32>
        %swap3A_421 = arith.constant 0 : i32
        %swap3A_422 = arith.index_cast %swap3A_421 : i32 to index
        %swap3A_423 = arith.index_cast %add3A_346 : i32 to index
        %swap3A_424 = arith.constant 32 : index
        %swap3A_425 = tpu.vector_load %arg15[%swap3A_422, %swap3A_423, %swap3A_424] {strides = array<i32>} : memref<2x128x64xf32, #tpu.memory_space<vmem>>, vector<1x1x16xf32>,
        %swap3A_426 = vector.shape_cast %swap3A_425 : vector<1x1x16xf32> to vector<16xf32>
        %swap3A_427 = vector.shape_cast %add3A_420 : vector<16xf32> to vector<1x1x16xf32>
        tpu.vector_store %arg15[%swap3A_422, %swap3A_423, %swap3A_424], %swap3A_427 {add = true, strides = array<i32>} : memref<2x128x64xf32, #tpu.memory_space<vmem>>, vector<1x1x16xf32>,
        %get3A_428 = arith.constant 0 : i32
        %get3A_429 = arith.index_cast %get3A_428 : i32 to index
        %get3A_430 = arith.index_cast %add3A_346 : i32 to index
        %get3A_431 = arith.constant 48 : index
        %get3A_432 = tpu.vector_load %arg16[%get3A_429, %get3A_430, %get3A_431] {strides = array<i32>} : memref<2x128x64xf32, #tpu.memory_space<vmem>>, vector<1x1x16xf32>,
        %get3A_433 = vector.shape_cast %get3A_432 : vector<1x1x16xf32> to vector<16xf32>
        %get3A_434 = arith.constant 0 : i32
        %get3A_435 = arith.index_cast %get3A_434 : i32 to index
        %get3A_436 = arith.index_cast %add3A_346 : i32 to index
        %get3A_437 = arith.constant 48 : index
        %get3A_438 = tpu.vector_load %arg17[%get3A_435, %get3A_436, %get3A_437] {strides = array<i32>} : memref<2x128x64xf32, #tpu.memory_space<vmem>>, vector<1x1x16xf32>,
        %get3A_439 = vector.shape_cast %get3A_438 : vector<1x1x16xf32> to vector<16xf32>
        %add3A_440 = arith.addf %get3A_433, %get3A_439 : vector<16xf32>
        %get3A_441 = arith.constant 0 : i32
        %get3A_442 = arith.index_cast %get3A_441 : i32 to index
        %get3A_443 = arith.index_cast %add3A_346 : i32 to index
        %get3A_444 = arith.constant 48 : index
        %get3A_445 = tpu.vector_load %arg18[%get3A_442, %get3A_443, %get3A_444] {strides = array<i32>} : memref<2x128x64xf32, #tpu.memory_space<vmem>>, vector<1x1x16xf32>,
        %get3A_446 = vector.shape_cast %get3A_445 : vector<1x1x16xf32> to vector<16xf32>
        %add3A_447 = arith.addf %add3A_440, %get3A_446 : vector<16xf32>
        %swap3A_448 = arith.constant 0 : i32
        %swap3A_449 = arith.index_cast %swap3A_448 : i32 to index
        %swap3A_450 = arith.index_cast %add3A_346 : i32 to index
        %swap3A_451 = arith.constant 48 : index
        %swap3A_452 = tpu.vector_load %arg15[%swap3A_449, %swap3A_450, %swap3A_451] {strides = array<i32>} : memref<2x128x64xf32, #tpu.memory_space<vmem>>, vector<1x1x16xf32>,
        %swap3A_453 = vector.shape_cast %swap3A_452 : vector<1x1x16xf32> to vector<16xf32>
        %swap3A_454 = vector.shape_cast %add3A_447 : vector<16xf32> to vector<1x1x16xf32>
        tpu.vector_store %arg15[%swap3A_449, %swap3A_450, %swap3A_451], %swap3A_454 {add = true, strides = array<i32>} : memref<2x128x64xf32, #tpu.memory_space<vmem>>, vector<1x1x16xf32>,
        %mul3A_455 = arith.constant 8 : i32
        %mul3A_456 = arith.muli %scan3A_232, %mul3A_455 : i32
        %add3A_457 = arith.constant 2 : i32
        %add3A_458 = arith.addi %mul3A_456, %add3A_457 : i32
        %get3A_459 = arith.constant 0 : i32
        %get3A_460 = arith.index_cast %get3A_459 : i32 to index
        %get3A_461 = arith.index_cast %add3A_458 : i32 to index
        %get3A_462 = arith.constant 0 : index
        %get3A_463 = tpu.vector_load %arg16[%get3A_460, %get3A_461, %get3A_462] {strides = array<i32>} : memref<2x128x64xf32, #tpu.memory_space<vmem>>, vector<1x1x16xf32>,
        %get3A_464 = vector.shape_cast %get3A_463 : vector<1x1x16xf32> to vector<16xf32>
        %get3A_465 = arith.constant 0 : i32
        %get3A_466 = arith.index_cast %get3A_465 : i32 to index
        %get3A_467 = arith.index_cast %add3A_458 : i32 to index
        %get3A_468 = arith.constant 0 : index
        %get3A_469 = tpu.vector_load %arg17[%get3A_466, %get3A_467, %get3A_468] {strides = array<i32>} : memref<2x128x64xf32, #tpu.memory_space<vmem>>, vector<1x1x16xf32>,
        %get3A_470 = vector.shape_cast %get3A_469 : vector<1x1x16xf32> to vector<16xf32>
        %add3A_471 = arith.addf %get3A_464, %get3A_470 : vector<16xf32>
        %get3A_472 = arith.constant 0 : i32
        %get3A_473 = arith.index_cast %get3A_472 : i32 to index
        %get3A_474 = arith.index_cast %add3A_458 : i32 to index
        %get3A_475 = arith.constant 0 : index
        %get3A_476 = tpu.vector_load %arg18[%get3A_473, %get3A_474, %get3A_475] {strides = array<i32>} : memref<2x128x64xf32, #tpu.memory_space<vmem>>, vector<1x1x16xf32>,
        %get3A_477 = vector.shape_cast %get3A_476 : vector<1x1x16xf32> to vector<16xf32>
        %add3A_478 = arith.addf %add3A_471, %get3A_477 : vector<16xf32>
        %swap3A_479 = arith.constant 0 : i32
        %swap3A_480 = arith.index_cast %swap3A_479 : i32 to index
        %swap3A_481 = arith.index_cast %add3A_458 : i32 to index
        %swap3A_482 = arith.constant 0 : index
        %swap3A_483 = tpu.vector_load %arg15[%swap3A_480, %swap3A_481, %swap3A_482] {strides = array<i32>} : memref<2x128x64xf32, #tpu.memory_space<vmem>>, vector<1x1x16xf32>,
        %swap3A_484 = vector.shape_cast %swap3A_483 : vector<1x1x16xf32> to vector<16xf32>
        %swap3A_485 = vector.shape_cast %add3A_478 : vector<16xf32> to vector<1x1x16xf32>
        tpu.vector_store %arg15[%swap3A_480, %swap3A_481, %swap3A_482], %swap3A_485 {add = true, strides = array<i32>} : memref<2x128x64xf32, #tpu.memory_space<vmem>>, vector<1x1x16xf32>,
        %get3A_486 = arith.constant 0 : i32
        %get3A_487 = arith.index_cast %get3A_486 : i32 to index
        %get3A_488 = arith.index_cast %add3A_458 : i32 to index
        %get3A_489 = arith.constant 16 : index
        %get3A_490 = tpu.vector_load %arg16[%get3A_487, %get3A_488, %get3A_489] {strides = array<i32>} : memref<2x128x64xf32, #tpu.memory_space<vmem>>, vector<1x1x16xf32>,
        %get3A_491 = vector.shape_cast %get3A_490 : vector<1x1x16xf32> to vector<16xf32>
        %get3A_492 = arith.constant 0 : i32
        %get3A_493 = arith.index_cast %get3A_492 : i32 to index
        %get3A_494 = arith.index_cast %add3A_458 : i32 to index
        %get3A_495 = arith.constant 16 : index
        %get3A_496 = tpu.vector_load %arg17[%get3A_493, %get3A_494, %get3A_495] {strides = array<i32>} : memref<2x128x64xf32, #tpu.memory_space<vmem>>, vector<1x1x16xf32>,
        %get3A_497 = vector.shape_cast %get3A_496 : vector<1x1x16xf32> to vector<16xf32>
        %add3A_498 = arith.addf %get3A_491, %get3A_497 : vector<16xf32>
        %get3A_499 = arith.constant 0 : i32
        %get3A_500 = arith.index_cast %get3A_499 : i32 to index
        %get3A_501 = arith.index_cast %add3A_458 : i32 to index
        %get3A_502 = arith.constant 16 : index
        %get3A_503 = tpu.vector_load %arg18[%get3A_500, %get3A_501, %get3A_502] {strides = array<i32>} : memref<2x128x64xf32, #tpu.memory_space<vmem>>, vector<1x1x16xf32>,
        %get3A_504 = vector.shape_cast %get3A_503 : vector<1x1x16xf32> to vector<16xf32>
        %add3A_505 = arith.addf %add3A_498, %get3A_504 : vector<16xf32>
        %swap3A_506 = arith.constant 0 : i32
        %swap3A_507 = arith.index_cast %swap3A_506 : i32 to index
        %swap3A_508 = arith.index_cast %add3A_458 : i32 to index
        %swap3A_509 = arith.constant 16 : index
        %swap3A_510 = tpu.vector_load %arg15[%swap3A_507, %swap3A_508, %swap3A_509] {strides = array<i32>} : memref<2x128x64xf32, #tpu.memory_space<vmem>>, vector<1x1x16xf32>,
        %swap3A_511 = vector.shape_cast %swap3A_510 : vector<1x1x16xf32> to vector<16xf32>
        %swap3A_512 = vector.shape_cast %add3A_505 : vector<16xf32> to vector<1x1x16xf32>
        tpu.vector_store %arg15[%swap3A_507, %swap3A_508, %swap3A_509], %swap3A_512 {add = true, strides = array<i32>} : memref<2x128x64xf32, #tpu.memory_space<vmem>>, vector<1x1x16xf32>,
        %get3A_513 = arith.constant 0 : i32
        %get3A_514 = arith.index_cast %get3A_513 : i32 to index
        %get3A_515 = arith.index_cast %add3A_458 : i32 to index
        %get3A_516 = arith.constant 32 : index
        %get3A_517 = tpu.vector_load %arg16[%get3A_514, %get3A_515, %get3A_516] {strides = array<i32>} : memref<2x128x64xf32, #tpu.memory_space<vmem>>, vector<1x1x16xf32>,
        %get3A_518 = vector.shape_cast %get3A_517 : vector<1x1x16xf32> to vector<16xf32>
        %get3A_519 = arith.constant 0 : i32
        %get3A_520 = arith.index_cast %get3A_519 : i32 to index
        %get3A_521 = arith.index_cast %add3A_458 : i32 to index
        %get3A_522 = arith.constant 32 : index
        %get3A_523 = tpu.vector_load %arg17[%get3A_520, %get3A_521, %get3A_522] {strides = array<i32>} : memref<2x128x64xf32, #tpu.memory_space<vmem>>, vector<1x1x16xf32>,
        %get3A_524 = vector.shape_cast %get3A_523 : vector<1x1x16xf32> to vector<16xf32>
        %add3A_525 = arith.addf %get3A_518, %get3A_524 : vector<16xf32>
        %get3A_526 = arith.constant 0 : i32
        %get3A_527 = arith.index_cast %get3A_526 : i32 to index
        %get3A_528 = arith.index_cast %add3A_458 : i32 to index
        %get3A_529 = arith.constant 32 : index
        %get3A_530 = tpu.vector_load %arg18[%get3A_527, %get3A_528, %get3A_529] {strides = array<i32>} : memref<2x128x64xf32, #tpu.memory_space<vmem>>, vector<1x1x16xf32>,
        %get3A_531 = vector.shape_cast %get3A_530 : vector<1x1x16xf32> to vector<16xf32>
        %add3A_532 = arith.addf %add3A_525, %get3A_531 : vector<16xf32>
        %swap3A_533 = arith.constant 0 : i32
        %swap3A_534 = arith.index_cast %swap3A_533 : i32 to index
        %swap3A_535 = arith.index_cast %add3A_458 : i32 to index
        %swap3A_536 = arith.constant 32 : index
        %swap3A_537 = tpu.vector_load %arg15[%swap3A_534, %swap3A_535, %swap3A_536] {strides = array<i32>} : memref<2x128x64xf32, #tpu.memory_space<vmem>>, vector<1x1x16xf32>,
        %swap3A_538 = vector.shape_cast %swap3A_537 : vector<1x1x16xf32> to vector<16xf32>
        %swap3A_539 = vector.shape_cast %add3A_532 : vector<16xf32> to vector<1x1x16xf32>
        tpu.vector_store %arg15[%swap3A_534, %swap3A_535, %swap3A_536], %swap3A_539 {add = true, strides = array<i32>} : memref<2x128x64xf32, #tpu.memory_space<vmem>>, vector<1x1x16xf32>,
        %get3A_540 = arith.constant 0 : i32
        %get3A_541 = arith.index_cast %get3A_540 : i32 to index
        %get3A_542 = arith.index_cast %add3A_458 : i32 to index
        %get3A_543 = arith.constant 48 : index
        %get3A_544 = tpu.vector_load %arg16[%get3A_541, %get3A_542, %get3A_543] {strides = array<i32>} : memref<2x128x64xf32, #tpu.memory_space<vmem>>, vector<1x1x16xf32>,
        %get3A_545 = vector.shape_cast %get3A_544 : vector<1x1x16xf32> to vector<16xf32>
        %get3A_546 = arith.constant 0 : i32
        %get3A_547 = arith.index_cast %get3A_546 : i32 to index
        %get3A_548 = arith.index_cast %add3A_458 : i32 to index
        %get3A_549 = arith.constant 48 : index
        %get3A_550 = tpu.vector_load %arg17[%get3A_547, %get3A_548, %get3A_549] {strides = array<i32>} : memref<2x128x64xf32, #tpu.memory_space<vmem>>, vector<1x1x16xf32>,
        %get3A_551 = vector.shape_cast %get3A_550 : vector<1x1x16xf32> to vector<16xf32>
        %add3A_552 = arith.addf %get3A_545, %get3A_551 : vector<16xf32>
        %get3A_553 = arith.constant 0 : i32
        %get3A_554 = arith.index_cast %get3A_553 : i32 to index
        %get3A_555 = arith.index_cast %add3A_458 : i32 to index
        %get3A_556 = arith.constant 48 : index
        %get3A_557 = tpu.vector_load %arg18[%get3A_554, %get3A_555, %get3A_556] {strides = array<i32>} : memref<2x128x64xf32, #tpu.memory_space<vmem>>, vector<1x1x16xf32>,
        %get3A_558 = vector.shape_cast %get3A_557 : vector<1x1x16xf32> to vector<16xf32>
        %add3A_559 = arith.addf %add3A_552, %get3A_558 : vector<16xf32>
        %swap3A_560 = arith.constant 0 : i32
        %swap3A_561 = arith.index_cast %swap3A_560 : i32 to index
        %swap3A_562 = arith.index_cast %add3A_458 : i32 to index
        %swap3A_563 = arith.constant 48 : index
        %swap3A_564 = tpu.vector_load %arg15[%swap3A_561, %swap3A_562, %swap3A_563] {strides = array<i32>} : memref<2x128x64xf32, #tpu.memory_space<vmem>>, vector<1x1x16xf32>,
        %swap3A_565 = vector.shape_cast %swap3A_564 : vector<1x1x16xf32> to vector<16xf32>
        %swap3A_566 = vector.shape_cast %add3A_559 : vector<16xf32> to vector<1x1x16xf32>
        tpu.vector_store %arg15[%swap3A_561, %swap3A_562, %swap3A_563], %swap3A_566 {add = true, strides = array<i32>} : memref<2x128x64xf32, #tpu.memory_space<vmem>>, vector<1x1x16xf32>,
        %mul3A_567 = arith.constant 8 : i32
        %mul3A_568 = arith.muli %scan3A_232, %mul3A_567 : i32
        %add3A_569 = arith.constant 3 : i32
        %add3A_570 = arith.addi %mul3A_568, %add3A_569 : i32
        %get3A_571 = arith.constant 0 : i32
        %get3A_572 = arith.index_cast %get3A_571 : i32 to index
        %get3A_573 = arith.index_cast %add3A_570 : i32 to index
        %get3A_574 = arith.constant 0 : index
        %get3A_575 = tpu.vector_load %arg16[%get3A_572, %get3A_573, %get3A_574] {strides = array<i32>} : memref<2x128x64xf32, #tpu.memory_space<vmem>>, vector<1x1x16xf32>,
        %get3A_576 = vector.shape_cast %get3A_575 : vector<1x1x16xf32> to vector<16xf32>
        %get3A_577 = arith.constant 0 : i32
        %get3A_578 = arith.index_cast %get3A_577 : i32 to index
        %get3A_579 = arith.index_cast %add3A_570 : i32 to index
        %get3A_580 = arith.constant 0 : index
        %get3A_581 = tpu.vector_load %arg17[%get3A_578, %get3A_579, %get3A_580] {strides = array<i32>} : memref<2x128x64xf32, #tpu.memory_space<vmem>>, vector<1x1x16xf32>,
        %get3A_582 = vector.shape_cast %get3A_581 : vector<1x1x16xf32> to vector<16xf32>
        %add3A_583 = arith.addf %get3A_576, %get3A_582 : vector<16xf32>
        %get3A_584 = arith.constant 0 : i32
        %get3A_585 = arith.index_cast %get3A_584 : i32 to index
        %get3A_586 = arith.index_cast %add3A_570 : i32 to index
        %get3A_587 = arith.constant 0 : index
        %get3A_588 = tpu.vector_load %arg18[%get3A_585, %get3A_586, %get3A_587] {strides = array<i32>} : memref<2x128x64xf32, #tpu.memory_space<vmem>>, vector<1x1x16xf32>,
        %get3A_589 = vector.shape_cast %get3A_588 : vector<1x1x16xf32> to vector<16xf32>
        %add3A_590 = arith.addf %add3A_583, %get3A_589 : vector<16xf32>
        %swap3A_591 = arith.constant 0 : i32
        %swap3A_592 = arith.index_cast %swap3A_591 : i32 to index
        %swap3A_593 = arith.index_cast %add3A_570 : i32 to index
        %swap3A_594 = arith.constant 0 : index
        %swap3A_595 = tpu.vector_load %arg15[%swap3A_592, %swap3A_593, %swap3A_594] {strides = array<i32>} : memref<2x128x64xf32, #tpu.memory_space<vmem>>, vector<1x1x16xf32>,
        %swap3A_596 = vector.shape_cast %swap3A_595 : vector<1x1x16xf32> to vector<16xf32>
        %swap3A_597 = vector.shape_cast %add3A_590 : vector<16xf32> to vector<1x1x16xf32>
        tpu.vector_store %arg15[%swap3A_592, %swap3A_593, %swap3A_594], %swap3A_597 {add = true, strides = array<i32>} : memref<2x128x64xf32, #tpu.memory_space<vmem>>, vector<1x1x16xf32>,
        %get3A_598 = arith.constant 0 : i32
        %get3A_599 = arith.index_cast %get3A_598 : i32 to index
        %get3A_600 = arith.index_cast %add3A_570 : i32 to index
        %get3A_601 = arith.constant 16 : index
        %get3A_602 = tpu.vector_load %arg16[%get3A_599, %get3A_600, %get3A_601] {strides = array<i32>} : memref<2x128x64xf32, #tpu.memory_space<vmem>>, vector<1x1x16xf32>,
        %get3A_603 = vector.shape_cast %get3A_602 : vector<1x1x16xf32> to vector<16xf32>
        %get3A_604 = arith.constant 0 : i32
        %get3A_605 = arith.index_cast %get3A_604 : i32 to index
        %get3A_606 = arith.index_cast %add3A_570 : i32 to index
        %get3A_607 = arith.constant 16 : index
        %get3A_608 = tpu.vector_load %arg17[%get3A_605, %get3A_606, %get3A_607] {strides = array<i32>} : memref<2x128x64xf32, #tpu.memory_space<vmem>>, vector<1x1x16xf32>,
        %get3A_609 = vector.shape_cast %get3A_608 : vector<1x1x16xf32> to vector<16xf32>
        %add3A_610 = arith.addf %get3A_603, %get3A_609 : vector<16xf32>
        %get3A_611 = arith.constant 0 : i32
        %get3A_612 = arith.index_cast %get3A_611 : i32 to index
        %get3A_613 = arith.index_cast %add3A_570 : i32 to index
        %get3A_614 = arith.constant 16 : index
        %get3A_615 = tpu.vector_load %arg18[%get3A_612, %get3A_613, %get3A_614] {strides = array<i32>} : memref<2x128x64xf32, #tpu.memory_space<vmem>>, vector<1x1x16xf32>,
        %get3A_616 = vector.shape_cast %get3A_615 : vector<1x1x16xf32> to vector<16xf32>
        %add3A_617 = arith.addf %add3A_610, %get3A_616 : vector<16xf32>
        %swap3A_618 = arith.constant 0 : i32
        %swap3A_619 = arith.index_cast %swap3A_618 : i32 to index
        %swap3A_620 = arith.index_cast %add3A_570 : i32 to index
        %swap3A_621 = arith.constant 16 : index
        %swap3A_622 = tpu.vector_load %arg15[%swap3A_619, %swap3A_620, %swap3A_621] {strides = array<i32>} : memref<2x128x64xf32, #tpu.memory_space<vmem>>, vector<1x1x16xf32>,
        %swap3A_623 = vector.shape_cast %swap3A_622 : vector<1x1x16xf32> to vector<16xf32>
        %swap3A_624 = vector.shape_cast %add3A_617 : vector<16xf32> to vector<1x1x16xf32>
        tpu.vector_store %arg15[%swap3A_619, %swap3A_620, %swap3A_621], %swap3A_624 {add = true, strides = array<i32>} : memref<2x128x64xf32, #tpu.memory_space<vmem>>, vector<1x1x16xf32>,
        %get3A_625 = arith.constant 0 : i32
        %get3A_626 = arith.index_cast %get3A_625 : i32 to index
        %get3A_627 = arith.index_cast %add3A_570 : i32 to index
        %get3A_628 = arith.constant 32 : index
        %get3A_629 = tpu.vector_load %arg16[%get3A_626, %get3A_627, %get3A_628] {strides = array<i32>} : memref<2x128x64xf32, #tpu.memory_space<vmem>>, vector<1x1x16xf32>,
        %get3A_630 = vector.shape_cast %get3A_629 : vector<1x1x16xf32> to vector<16xf32>
        %get3A_631 = arith.constant 0 : i32
        %get3A_632 = arith.index_cast %get3A_631 : i32 to index
        %get3A_633 = arith.index_cast %add3A_570 : i32 to index
        %get3A_634 = arith.constant 32 : index
        %get3A_635 = tpu.vector_load %arg17[%get3A_632, %get3A_633, %get3A_634] {strides = array<i32>} : memref<2x128x64xf32, #tpu.memory_space<vmem>>, vector<1x1x16xf32>,
        %get3A_636 = vector.shape_cast %get3A_635 : vector<1x1x16xf32> to vector<16xf32>
        %add3A_637 = arith.addf %get3A_630, %get3A_636 : vector<16xf32>
        %get3A_638 = arith.constant 0 : i32
        %get3A_639 = arith.index_cast %get3A_638 : i32 to index
        %get3A_640 = arith.index_cast %add3A_570 : i32 to index
        %get3A_641 = arith.constant 32 : index
        %get3A_642 = tpu.vector_load %arg18[%get3A_639, %get3A_640, %get3A_641] {strides = array<i32>} : memref<2x128x64xf32, #tpu.memory_space<vmem>>, vector<1x1x16xf32>,
        %get3A_643 = vector.shape_cast %get3A_642 : vector<1x1x16xf32> to vector<16xf32>
        %add3A_644 = arith.addf %add3A_637, %get3A_643 : vector<16xf32>
        %swap3A_645 = arith.constant 0 : i32
        %swap3A_646 = arith.index_cast %swap3A_645 : i32 to index
        %swap3A_647 = arith.index_cast %add3A_570 : i32 to index
        %swap3A_648 = arith.constant 32 : index
        %swap3A_649 = tpu.vector_load %arg15[%swap3A_646, %swap3A_647, %swap3A_648] {strides = array<i32>} : memref<2x128x64xf32, #tpu.memory_space<vmem>>, vector<1x1x16xf32>,
        %swap3A_650 = vector.shape_cast %swap3A_649 : vector<1x1x16xf32> to vector<16xf32>
        %swap3A_651 = vector.shape_cast %add3A_644 : vector<16xf32> to vector<1x1x16xf32>
        tpu.vector_store %arg15[%swap3A_646, %swap3A_647, %swap3A_648], %swap3A_651 {add = true, strides = array<i32>} : memref<2x128x64xf32, #tpu.memory_space<vmem>>, vector<1x1x16xf32>,
        %get3A_652 = arith.constant 0 : i32
        %get3A_653 = arith.index_cast %get3A_652 : i32 to index
        %get3A_654 = arith.index_cast %add3A_570 : i32 to index
        %get3A_655 = arith.constant 48 : index
        %get3A_656 = tpu.vector_load %arg16[%get3A_653, %get3A_654, %get3A_655] {strides = array<i32>} : memref<2x128x64xf32, #tpu.memory_space<vmem>>, vector<1x1x16xf32>,
        %get3A_657 = vector.shape_cast %get3A_656 : vector<1x1x16xf32> to vector<16xf32>
        %get3A_658 = arith.constant 0 : i32
        %get3A_659 = arith.index_cast %get3A_658 : i32 to index
        %get3A_660 = arith.index_cast %add3A_570 : i32 to index
        %get3A_661 = arith.constant 48 : index
        %get3A_662 = tpu.vector_load %arg17[%get3A_659, %get3A_660, %get3A_661] {strides = array<i32>} : memref<2x128x64xf32, #tpu.memory_space<vmem>>, vector<1x1x16xf32>,
        %get3A_663 = vector.shape_cast %get3A_662 : vector<1x1x16xf32> to vector<16xf32>
        %add3A_664 = arith.addf %get3A_657, %get3A_663 : vector<16xf32>
        %get3A_665 = arith.constant 0 : i32
        %get3A_666 = arith.index_cast %get3A_665 : i32 to index
        %get3A_667 = arith.index_cast %add3A_570 : i32 to index
        %get3A_668 = arith.constant 48 : index
        %get3A_669 = tpu.vector_load %arg18[%get3A_666, %get3A_667, %get3A_668] {strides = array<i32>} : memref<2x128x64xf32, #tpu.memory_space<vmem>>, vector<1x1x16xf32>,
        %get3A_670 = vector.shape_cast %get3A_669 : vector<1x1x16xf32> to vector<16xf32>
        %add3A_671 = arith.addf %add3A_664, %get3A_670 : vector<16xf32>
        %swap3A_672 = arith.constant 0 : i32
        %swap3A_673 = arith.index_cast %swap3A_672 : i32 to index
        %swap3A_674 = arith.index_cast %add3A_570 : i32 to index
        %swap3A_675 = arith.constant 48 : index
        %swap3A_676 = tpu.vector_load %arg15[%swap3A_673, %swap3A_674, %swap3A_675] {strides = array<i32>} : memref<2x128x64xf32, #tpu.memory_space<vmem>>, vector<1x1x16xf32>,
        %swap3A_677 = vector.shape_cast %swap3A_676 : vector<1x1x16xf32> to vector<16xf32>
        %swap3A_678 = vector.shape_cast %add3A_671 : vector<16xf32> to vector<1x1x16xf32>
        tpu.vector_store %arg15[%swap3A_673, %swap3A_674, %swap3A_675], %swap3A_678 {add = true, strides = array<i32>} : memref<2x128x64xf32, #tpu.memory_space<vmem>>, vector<1x1x16xf32>,
        %mul3A_679 = arith.constant 8 : i32
        %mul3A_680 = arith.muli %scan3A_232, %mul3A_679 : i32
        %add3A_681 = arith.constant 4 : i32
        %add3A_682 = arith.addi %mul3A_680, %add3A_681 : i32
        %get3A_683 = arith.constant 0 : i32
        %get3A_684 = arith.index_cast %get3A_683 : i32 to index
        %get3A_685 = arith.index_cast %add3A_682 : i32 to index
        %get3A_686 = arith.constant 0 : index
        %get3A_687 = tpu.vector_load %arg16[%get3A_684, %get3A_685, %get3A_686] {strides = array<i32>} : memref<2x128x64xf32, #tpu.memory_space<vmem>>, vector<1x1x16xf32>,
        %get3A_688 = vector.shape_cast %get3A_687 : vector<1x1x16xf32> to vector<16xf32>
        %get3A_689 = arith.constant 0 : i32
        %get3A_690 = arith.index_cast %get3A_689 : i32 to index
        %get3A_691 = arith.index_cast %add3A_682 : i32 to index
        %get3A_692 = arith.constant 0 : index
        %get3A_693 = tpu.vector_load %arg17[%get3A_690, %get3A_691, %get3A_692] {strides = array<i32>} : memref<2x128x64xf32, #tpu.memory_space<vmem>>, vector<1x1x16xf32>,
        %get3A_694 = vector.shape_cast %get3A_693 : vector<1x1x16xf32> to vector<16xf32>
        %add3A_695 = arith.addf %get3A_688, %get3A_694 : vector<16xf32>
        %get3A_696 = arith.constant 0 : i32
        %get3A_697 = arith.index_cast %get3A_696 : i32 to index
        %get3A_698 = arith.index_cast %add3A_682 : i32 to index
        %get3A_699 = arith.constant 0 : index
        %get3A_700 = tpu.vector_load %arg18[%get3A_697, %get3A_698, %get3A_699] {strides = array<i32>} : memref<2x128x64xf32, #tpu.memory_space<vmem>>, vector<1x1x16xf32>,
        %get3A_701 = vector.shape_cast %get3A_700 : vector<1x1x16xf32> to vector<16xf32>
        %add3A_702 = arith.addf %add3A_695, %get3A_701 : vector<16xf32>
        %swap3A_703 = arith.constant 0 : i32
        %swap3A_704 = arith.index_cast %swap3A_703 : i32 to index
        %swap3A_705 = arith.index_cast %add3A_682 : i32 to index
        %swap3A_706 = arith.constant 0 : index
        %swap3A_707 = tpu.vector_load %arg15[%swap3A_704, %swap3A_705, %swap3A_706] {strides = array<i32>} : memref<2x128x64xf32, #tpu.memory_space<vmem>>, vector<1x1x16xf32>,
        %swap3A_708 = vector.shape_cast %swap3A_707 : vector<1x1x16xf32> to vector<16xf32>
        %swap3A_709 = vector.shape_cast %add3A_702 : vector<16xf32> to vector<1x1x16xf32>
        tpu.vector_store %arg15[%swap3A_704, %swap3A_705, %swap3A_706], %swap3A_709 {add = true, strides = array<i32>} : memref<2x128x64xf32, #tpu.memory_space<vmem>>, vector<1x1x16xf32>,
        %get3A_710 = arith.constant 0 : i32
        %get3A_711 = arith.index_cast %get3A_710 : i32 to index
        %get3A_712 = arith.index_cast %add3A_682 : i32 to index
        %get3A_713 = arith.constant 16 : index
        %get3A_714 = tpu.vector_load %arg16[%get3A_711, %get3A_712, %get3A_713] {strides = array<i32>} : memref<2x128x64xf32, #tpu.memory_space<vmem>>, vector<1x1x16xf32>,
        %get3A_715 = vector.shape_cast %get3A_714 : vector<1x1x16xf32> to vector<16xf32>
        %get3A_716 = arith.constant 0 : i32
        %get3A_717 = arith.index_cast %get3A_716 : i32 to index
        %get3A_718 = arith.index_cast %add3A_682 : i32 to index
        %get3A_719 = arith.constant 16 : index
        %get3A_720 = tpu.vector_load %arg17[%get3A_717, %get3A_718, %get3A_719] {strides = array<i32>} : memref<2x128x64xf32, #tpu.memory_space<vmem>>, vector<1x1x16xf32>,
        %get3A_721 = vector.shape_cast %get3A_720 : vector<1x1x16xf32> to vector<16xf32>
        %add3A_722 = arith.addf %get3A_715, %get3A_721 : vector<16xf32>
        %get3A_723 = arith.constant 0 : i32
        %get3A_724 = arith.index_cast %get3A_723 : i32 to index
        %get3A_725 = arith.index_cast %add3A_682 : i32 to index
        %get3A_726 = arith.constant 16 : index
        %get3A_727 = tpu.vector_load %arg18[%get3A_724, %get3A_725, %get3A_726] {strides = array<i32>} : memref<2x128x64xf32, #tpu.memory_space<vmem>>, vector<1x1x16xf32>,
        %get3A_728 = vector.shape_cast %get3A_727 : vector<1x1x16xf32> to vector<16xf32>
        %add3A_729 = arith.addf %add3A_722, %get3A_728 : vector<16xf32>
        %swap3A_730 = arith.constant 0 : i32
        %swap3A_731 = arith.index_cast %swap3A_730 : i32 to index
        %swap3A_732 = arith.index_cast %add3A_682 : i32 to index
        %swap3A_733 = arith.constant 16 : index
        %swap3A_734 = tpu.vector_load %arg15[%swap3A_731, %swap3A_732, %swap3A_733] {strides = array<i32>} : memref<2x128x64xf32, #tpu.memory_space<vmem>>, vector<1x1x16xf32>,
        %swap3A_735 = vector.shape_cast %swap3A_734 : vector<1x1x16xf32> to vector<16xf32>
        %swap3A_736 = vector.shape_cast %add3A_729 : vector<16xf32> to vector<1x1x16xf32>
        tpu.vector_store %arg15[%swap3A_731, %swap3A_732, %swap3A_733], %swap3A_736 {add = true, strides = array<i32>} : memref<2x128x64xf32, #tpu.memory_space<vmem>>, vector<1x1x16xf32>,
        %get3A_737 = arith.constant 0 : i32
        %get3A_738 = arith.index_cast %get3A_737 : i32 to index
        %get3A_739 = arith.index_cast %add3A_682 : i32 to index
        %get3A_740 = arith.constant 32 : index
        %get3A_741 = tpu.vector_load %arg16[%get3A_738, %get3A_739, %get3A_740] {strides = array<i32>} : memref<2x128x64xf32, #tpu.memory_space<vmem>>, vector<1x1x16xf32>,
        %get3A_742 = vector.shape_cast %get3A_741 : vector<1x1x16xf32> to vector<16xf32>
        %get3A_743 = arith.constant 0 : i32
        %get3A_744 = arith.index_cast %get3A_743 : i32 to index
        %get3A_745 = arith.index_cast %add3A_682 : i32 to index
        %get3A_746 = arith.constant 32 : index
        %get3A_747 = tpu.vector_load %arg17[%get3A_744, %get3A_745, %get3A_746] {strides = array<i32>} : memref<2x128x64xf32, #tpu.memory_space<vmem>>, vector<1x1x16xf32>,
        %get3A_748 = vector.shape_cast %get3A_747 : vector<1x1x16xf32> to vector<16xf32>
        %add3A_749 = arith.addf %get3A_742, %get3A_748 : vector<16xf32>
        %get3A_750 = arith.constant 0 : i32
        %get3A_751 = arith.index_cast %get3A_750 : i32 to index
        %get3A_752 = arith.index_cast %add3A_682 : i32 to index
        %get3A_753 = arith.constant 32 : index
        %get3A_754 = tpu.vector_load %arg18[%get3A_751, %get3A_752, %get3A_753] {strides = array<i32>} : memref<2x128x64xf32, #tpu.memory_space<vmem>>, vector<1x1x16xf32>,
        %get3A_755 = vector.shape_cast %get3A_754 : vector<1x1x16xf32> to vector<16xf32>
        %add3A_756 = arith.addf %add3A_749, %get3A_755 : vector<16xf32>
        %swap3A_757 = arith.constant 0 : i32
        %swap3A_758 = arith.index_cast %swap3A_757 : i32 to index
        %swap3A_759 = arith.index_cast %add3A_682 : i32 to index
        %swap3A_760 = arith.constant 32 : index
        %swap3A_761 = tpu.vector_load %arg15[%swap3A_758, %swap3A_759, %swap3A_760] {strides = array<i32>} : memref<2x128x64xf32, #tpu.memory_space<vmem>>, vector<1x1x16xf32>,
        %swap3A_762 = vector.shape_cast %swap3A_761 : vector<1x1x16xf32> to vector<16xf32>
        %swap3A_763 = vector.shape_cast %add3A_756 : vector<16xf32> to vector<1x1x16xf32>
        tpu.vector_store %arg15[%swap3A_758, %swap3A_759, %swap3A_760], %swap3A_763 {add = true, strides = array<i32>} : memref<2x128x64xf32, #tpu.memory_space<vmem>>, vector<1x1x16xf32>,
        %get3A_764 = arith.constant 0 : i32
        %get3A_765 = arith.index_cast %get3A_764 : i32 to index
        %get3A_766 = arith.index_cast %add3A_682 : i32 to index
        %get3A_767 = arith.constant 48 : index
        %get3A_768 = tpu.vector_load %arg16[%get3A_765, %get3A_766, %get3A_767] {strides = array<i32>} : memref<2x128x64xf32, #tpu.memory_space<vmem>>, vector<1x1x16xf32>,
        %get3A_769 = vector.shape_cast %get3A_768 : vector<1x1x16xf32> to vector<16xf32>
        %get3A_770 = arith.constant 0 : i32
        %get3A_771 = arith.index_cast %get3A_770 : i32 to index
        %get3A_772 = arith.index_cast %add3A_682 : i32 to index
        %get3A_773 = arith.constant 48 : index
        %get3A_774 = tpu.vector_load %arg17[%get3A_771, %get3A_772, %get3A_773] {strides = array<i32>} : memref<2x128x64xf32, #tpu.memory_space<vmem>>, vector<1x1x16xf32>,
        %get3A_775 = vector.shape_cast %get3A_774 : vector<1x1x16xf32> to vector<16xf32>
        %add3A_776 = arith.addf %get3A_769, %get3A_775 : vector<16xf32>
        %get3A_777 = arith.constant 0 : i32
        %get3A_778 = arith.index_cast %get3A_777 : i32 to index
        %get3A_779 = arith.index_cast %add3A_682 : i32 to index
        %get3A_780 = arith.constant 48 : index
        %get3A_781 = tpu.vector_load %arg18[%get3A_778, %get3A_779, %get3A_780] {strides = array<i32>} : memref<2x128x64xf32, #tpu.memory_space<vmem>>, vector<1x1x16xf32>,
        %get3A_782 = vector.shape_cast %get3A_781 : vector<1x1x16xf32> to vector<16xf32>
        %add3A_783 = arith.addf %add3A_776, %get3A_782 : vector<16xf32>
        %swap3A_784 = arith.constant 0 : i32
        %swap3A_785 = arith.index_cast %swap3A_784 : i32 to index
        %swap3A_786 = arith.index_cast %add3A_682 : i32 to index
        %swap3A_787 = arith.constant 48 : index
        %swap3A_788 = tpu.vector_load %arg15[%swap3A_785, %swap3A_786, %swap3A_787] {strides = array<i32>} : memref<2x128x64xf32, #tpu.memory_space<vmem>>, vector<1x1x16xf32>,
        %swap3A_789 = vector.shape_cast %swap3A_788 : vector<1x1x16xf32> to vector<16xf32>
        %swap3A_790 = vector.shape_cast %add3A_783 : vector<16xf32> to vector<1x1x16xf32>
        tpu.vector_store %arg15[%swap3A_785, %swap3A_786, %swap3A_787], %swap3A_790 {add = true, strides = array<i32>} : memref<2x128x64xf32, #tpu.memory_space<vmem>>, vector<1x1x16xf32>,
        %mul3A_791 = arith.constant 8 : i32
        %mul3A_792 = arith.muli %scan3A_232, %mul3A_791 : i32
        %add3A_793 = arith.constant 5 : i32
        %add3A_794 = arith.addi %mul3A_792, %add3A_793 : i32
        %get3A_795 = arith.constant 0 : i32
        %get3A_796 = arith.index_cast %get3A_795 : i32 to index
        %get3A_797 = arith.index_cast %add3A_794 : i32 to index
        %get3A_798 = arith.constant 0 : index
        %get3A_799 = tpu.vector_load %arg16[%get3A_796, %get3A_797, %get3A_798] {strides = array<i32>} : memref<2x128x64xf32, #tpu.memory_space<vmem>>, vector<1x1x16xf32>,
        %get3A_800 = vector.shape_cast %get3A_799 : vector<1x1x16xf32> to vector<16xf32>
        %get3A_801 = arith.constant 0 : i32
        %get3A_802 = arith.index_cast %get3A_801 : i32 to index
        %get3A_803 = arith.index_cast %add3A_794 : i32 to index
        %get3A_804 = arith.constant 0 : index
        %get3A_805 = tpu.vector_load %arg17[%get3A_802, %get3A_803, %get3A_804] {strides = array<i32>} : memref<2x128x64xf32, #tpu.memory_space<vmem>>, vector<1x1x16xf32>,
        %get3A_806 = vector.shape_cast %get3A_805 : vector<1x1x16xf32> to vector<16xf32>
        %add3A_807 = arith.addf %get3A_800, %get3A_806 : vector<16xf32>
        %get3A_808 = arith.constant 0 : i32
        %get3A_809 = arith.index_cast %get3A_808 : i32 to index
        %get3A_810 = arith.index_cast %add3A_794 : i32 to index
        %get3A_811 = arith.constant 0 : index
        %get3A_812 = tpu.vector_load %arg18[%get3A_809, %get3A_810, %get3A_811] {strides = array<i32>} : memref<2x128x64xf32, #tpu.memory_space<vmem>>, vector<1x1x16xf32>,
        %get3A_813 = vector.shape_cast %get3A_812 : vector<1x1x16xf32> to vector<16xf32>
        %add3A_814 = arith.addf %add3A_807, %get3A_813 : vector<16xf32>
        %swap3A_815 = arith.constant 0 : i32
        %swap3A_816 = arith.index_cast %swap3A_815 : i32 to index
        %swap3A_817 = arith.index_cast %add3A_794 : i32 to index
        %swap3A_818 = arith.constant 0 : index
        %swap3A_819 = tpu.vector_load %arg15[%swap3A_816, %swap3A_817, %swap3A_818] {strides = array<i32>} : memref<2x128x64xf32, #tpu.memory_space<vmem>>, vector<1x1x16xf32>,
        %swap3A_820 = vector.shape_cast %swap3A_819 : vector<1x1x16xf32> to vector<16xf32>
        %swap3A_821 = vector.shape_cast %add3A_814 : vector<16xf32> to vector<1x1x16xf32>
        tpu.vector_store %arg15[%swap3A_816, %swap3A_817, %swap3A_818], %swap3A_821 {add = true, strides = array<i32>} : memref<2x128x64xf32, #tpu.memory_space<vmem>>, vector<1x1x16xf32>,
        %get3A_822 = arith.constant 0 : i32
        %get3A_823 = arith.index_cast %get3A_822 : i32 to index
        %get3A_824 = arith.index_cast %add3A_794 : i32 to index
        %get3A_825 = arith.constant 16 : index
        %get3A_826 = tpu.vector_load %arg16[%get3A_823, %get3A_824, %get3A_825] {strides = array<i32>} : memref<2x128x64xf32, #tpu.memory_space<vmem>>, vector<1x1x16xf32>,
        %get3A_827 = vector.shape_cast %get3A_826 : vector<1x1x16xf32> to vector<16xf32>
        %get3A_828 = arith.constant 0 : i32
        %get3A_829 = arith.index_cast %get3A_828 : i32 to index
        %get3A_830 = arith.index_cast %add3A_794 : i32 to index
        %get3A_831 = arith.constant 16 : index
        %get3A_832 = tpu.vector_load %arg17[%get3A_829, %get3A_830, %get3A_831] {strides = array<i32>} : memref<2x128x64xf32, #tpu.memory_space<vmem>>, vector<1x1x16xf32>,
        %get3A_833 = vector.shape_cast %get3A_832 : vector<1x1x16xf32> to vector<16xf32>
        %add3A_834 = arith.addf %get3A_827, %get3A_833 : vector<16xf32>
        %get3A_835 = arith.constant 0 : i32
        %get3A_836 = arith.index_cast %get3A_835 : i32 to index
        %get3A_837 = arith.index_cast %add3A_794 : i32 to index
        %get3A_838 = arith.constant 16 : index
        %get3A_839 = tpu.vector_load %arg18[%get3A_836, %get3A_837, %get3A_838] {strides = array<i32>} : memref<2x128x64xf32, #tpu.memory_space<vmem>>, vector<1x1x16xf32>,
        %get3A_840 = vector.shape_cast %get3A_839 : vector<1x1x16xf32> to vector<16xf32>
        %add3A_841 = arith.addf %add3A_834, %get3A_840 : vector<16xf32>
        %swap3A_842 = arith.constant 0 : i32
        %swap3A_843 = arith.index_cast %swap3A_842 : i32 to index
        %swap3A_844 = arith.index_cast %add3A_794 : i32 to index
        %swap3A_845 = arith.constant 16 : index
        %swap3A_846 = tpu.vector_load %arg15[%swap3A_843, %swap3A_844, %swap3A_845] {strides = array<i32>} : memref<2x128x64xf32, #tpu.memory_space<vmem>>, vector<1x1x16xf32>,
        %swap3A_847 = vector.shape_cast %swap3A_846 : vector<1x1x16xf32> to vector<16xf32>
        %swap3A_848 = vector.shape_cast %add3A_841 : vector<16xf32> to vector<1x1x16xf32>
        tpu.vector_store %arg15[%swap3A_843, %swap3A_844, %swap3A_845], %swap3A_848 {add = true, strides = array<i32>} : memref<2x128x64xf32, #tpu.memory_space<vmem>>, vector<1x1x16xf32>,
        %get3A_849 = arith.constant 0 : i32
        %get3A_850 = arith.index_cast %get3A_849 : i32 to index
        %get3A_851 = arith.index_cast %add3A_794 : i32 to index
        %get3A_852 = arith.constant 32 : index
        %get3A_853 = tpu.vector_load %arg16[%get3A_850, %get3A_851, %get3A_852] {strides = array<i32>} : memref<2x128x64xf32, #tpu.memory_space<vmem>>, vector<1x1x16xf32>,
        %get3A_854 = vector.shape_cast %get3A_853 : vector<1x1x16xf32> to vector<16xf32>
        %get3A_855 = arith.constant 0 : i32
        %get3A_856 = arith.index_cast %get3A_855 : i32 to index
        %get3A_857 = arith.index_cast %add3A_794 : i32 to index
        %get3A_858 = arith.constant 32 : index
        %get3A_859 = tpu.vector_load %arg17[%get3A_856, %get3A_857, %get3A_858] {strides = array<i32>} : memref<2x128x64xf32, #tpu.memory_space<vmem>>, vector<1x1x16xf32>,
        %get3A_860 = vector.shape_cast %get3A_859 : vector<1x1x16xf32> to vector<16xf32>
        %add3A_861 = arith.addf %get3A_854, %get3A_860 : vector<16xf32>
        %get3A_862 = arith.constant 0 : i32
        %get3A_863 = arith.index_cast %get3A_862 : i32 to index
        %get3A_864 = arith.index_cast %add3A_794 : i32 to index
        %get3A_865 = arith.constant 32 : index
        %get3A_866 = tpu.vector_load %arg18[%get3A_863, %get3A_864, %get3A_865] {strides = array<i32>} : memref<2x128x64xf32, #tpu.memory_space<vmem>>, vector<1x1x16xf32>,
        %get3A_867 = vector.shape_cast %get3A_866 : vector<1x1x16xf32> to vector<16xf32>
        %add3A_868 = arith.addf %add3A_861, %get3A_867 : vector<16xf32>
        %swap3A_869 = arith.constant 0 : i32
        %swap3A_870 = arith.index_cast %swap3A_869 : i32 to index
        %swap3A_871 = arith.index_cast %add3A_794 : i32 to index
        %swap3A_872 = arith.constant 32 : index
        %swap3A_873 = tpu.vector_load %arg15[%swap3A_870, %swap3A_871, %swap3A_872] {strides = array<i32>} : memref<2x128x64xf32, #tpu.memory_space<vmem>>, vector<1x1x16xf32>,
        %swap3A_874 = vector.shape_cast %swap3A_873 : vector<1x1x16xf32> to vector<16xf32>
        %swap3A_875 = vector.shape_cast %add3A_868 : vector<16xf32> to vector<1x1x16xf32>
        tpu.vector_store %arg15[%swap3A_870, %swap3A_871, %swap3A_872], %swap3A_875 {add = true, strides = array<i32>} : memref<2x128x64xf32, #tpu.memory_space<vmem>>, vector<1x1x16xf32>,
        %get3A_876 = arith.constant 0 : i32
        %get3A_877 = arith.index_cast %get3A_876 : i32 to index
        %get3A_878 = arith.index_cast %add3A_794 : i32 to index
        %get3A_879 = arith.constant 48 : index
        %get3A_880 = tpu.vector_load %arg16[%get3A_877, %get3A_878, %get3A_879] {strides = array<i32>} : memref<2x128x64xf32, #tpu.memory_space<vmem>>, vector<1x1x16xf32>,
        %get3A_881 = vector.shape_cast %get3A_880 : vector<1x1x16xf32> to vector<16xf32>
        %get3A_882 = arith.constant 0 : i32
        %get3A_883 = arith.index_cast %get3A_882 : i32 to index
        %get3A_884 = arith.index_cast %add3A_794 : i32 to index
        %get3A_885 = arith.constant 48 : index
        %get3A_886 = tpu.vector_load %arg17[%get3A_883, %get3A_884, %get3A_885] {strides = array<i32>} : memref<2x128x64xf32, #tpu.memory_space<vmem>>, vector<1x1x16xf32>,
        %get3A_887 = vector.shape_cast %get3A_886 : vector<1x1x16xf32> to vector<16xf32>
        %add3A_888 = arith.addf %get3A_881, %get3A_887 : vector<16xf32>
        %get3A_889 = arith.constant 0 : i32
        %get3A_890 = arith.index_cast %get3A_889 : i32 to index
        %get3A_891 = arith.index_cast %add3A_794 : i32 to index
        %get3A_892 = arith.constant 48 : index
        %get3A_893 = tpu.vector_load %arg18[%get3A_890, %get3A_891, %get3A_892] {strides = array<i32>} : memref<2x128x64xf32, #tpu.memory_space<vmem>>, vector<1x1x16xf32>,
        %get3A_894 = vector.shape_cast %get3A_893 : vector<1x1x16xf32> to vector<16xf32>
        %add3A_895 = arith.addf %add3A_888, %get3A_894 : vector<16xf32>
        %swap3A_896 = arith.constant 0 : i32
        %swap3A_897 = arith.index_cast %swap3A_896 : i32 to index
        %swap3A_898 = arith.index_cast %add3A_794 : i32 to index
        %swap3A_899 = arith.constant 48 : index
        %swap3A_900 = tpu.vector_load %arg15[%swap3A_897, %swap3A_898, %swap3A_899] {strides = array<i32>} : memref<2x128x64xf32, #tpu.memory_space<vmem>>, vector<1x1x16xf32>,
        %swap3A_901 = vector.shape_cast %swap3A_900 : vector<1x1x16xf32> to vector<16xf32>
        %swap3A_902 = vector.shape_cast %add3A_895 : vector<16xf32> to vector<1x1x16xf32>
        tpu.vector_store %arg15[%swap3A_897, %swap3A_898, %swap3A_899], %swap3A_902 {add = true, strides = array<i32>} : memref<2x128x64xf32, #tpu.memory_space<vmem>>, vector<1x1x16xf32>,
        %mul3A_903 = arith.constant 8 : i32
        %mul3A_904 = arith.muli %scan3A_232, %mul3A_903 : i32
        %add3A_905 = arith.constant 6 : i32
        %add3A_906 = arith.addi %mul3A_904, %add3A_905 : i32
        %get3A_907 = arith.constant 0 : i32
        %get3A_908 = arith.index_cast %get3A_907 : i32 to index
        %get3A_909 = arith.index_cast %add3A_906 : i32 to index
        %get3A_910 = arith.constant 0 : index
        %get3A_911 = tpu.vector_load %arg16[%get3A_908, %get3A_909, %get3A_910] {strides = array<i32>} : memref<2x128x64xf32, #tpu.memory_space<vmem>>, vector<1x1x16xf32>,
        %get3A_912 = vector.shape_cast %get3A_911 : vector<1x1x16xf32> to vector<16xf32>
        %get3A_913 = arith.constant 0 : i32
        %get3A_914 = arith.index_cast %get3A_913 : i32 to index
        %get3A_915 = arith.index_cast %add3A_906 : i32 to index
        %get3A_916 = arith.constant 0 : index
        %get3A_917 = tpu.vector_load %arg17[%get3A_914, %get3A_915, %get3A_916] {strides = array<i32>} : memref<2x128x64xf32, #tpu.memory_space<vmem>>, vector<1x1x16xf32>,
        %get3A_918 = vector.shape_cast %get3A_917 : vector<1x1x16xf32> to vector<16xf32>
        %add3A_919 = arith.addf %get3A_912, %get3A_918 : vector<16xf32>
        %get3A_920 = arith.constant 0 : i32
        %get3A_921 = arith.index_cast %get3A_920 : i32 to index
        %get3A_922 = arith.index_cast %add3A_906 : i32 to index
        %get3A_923 = arith.constant 0 : index
        %get3A_924 = tpu.vector_load %arg18[%get3A_921, %get3A_922, %get3A_923] {strides = array<i32>} : memref<2x128x64xf32, #tpu.memory_space<vmem>>, vector<1x1x16xf32>,
        %get3A_925 = vector.shape_cast %get3A_924 : vector<1x1x16xf32> to vector<16xf32>
        %add3A_926 = arith.addf %add3A_919, %get3A_925 : vector<16xf32>
        %swap3A_927 = arith.constant 0 : i32
        %swap3A_928 = arith.index_cast %swap3A_927 : i32 to index
        %swap3A_929 = arith.index_cast %add3A_906 : i32 to index
        %swap3A_930 = arith.constant 0 : index
        %swap3A_931 = tpu.vector_load %arg15[%swap3A_928, %swap3A_929, %swap3A_930] {strides = array<i32>} : memref<2x128x64xf32, #tpu.memory_space<vmem>>, vector<1x1x16xf32>,
        %swap3A_932 = vector.shape_cast %swap3A_931 : vector<1x1x16xf32> to vector<16xf32>
        %swap3A_933 = vector.shape_cast %add3A_926 : vector<16xf32> to vector<1x1x16xf32>
        tpu.vector_store %arg15[%swap3A_928, %swap3A_929, %swap3A_930], %swap3A_933 {add = true, strides = array<i32>} : memref<2x128x64xf32, #tpu.memory_space<vmem>>, vector<1x1x16xf32>,
        %get3A_934 = arith.constant 0 : i32
        %get3A_935 = arith.index_cast %get3A_934 : i32 to index
        %get3A_936 = arith.index_cast %add3A_906 : i32 to index
        %get3A_937 = arith.constant 16 : index
        %get3A_938 = tpu.vector_load %arg16[%get3A_935, %get3A_936, %get3A_937] {strides = array<i32>} : memref<2x128x64xf32, #tpu.memory_space<vmem>>, vector<1x1x16xf32>,
        %get3A_939 = vector.shape_cast %get3A_938 : vector<1x1x16xf32> to vector<16xf32>
        %get3A_940 = arith.constant 0 : i32
        %get3A_941 = arith.index_cast %get3A_940 : i32 to index
        %get3A_942 = arith.index_cast %add3A_906 : i32 to index
        %get3A_943 = arith.constant 16 : index
        %get3A_944 = tpu.vector_load %arg17[%get3A_941, %get3A_942, %get3A_943] {strides = array<i32>} : memref<2x128x64xf32, #tpu.memory_space<vmem>>, vector<1x1x16xf32>,
        %get3A_945 = vector.shape_cast %get3A_944 : vector<1x1x16xf32> to vector<16xf32>
        %add3A_946 = arith.addf %get3A_939, %get3A_945 : vector<16xf32>
        %get3A_947 = arith.constant 0 : i32
        %get3A_948 = arith.index_cast %get3A_947 : i32 to index
        %get3A_949 = arith.index_cast %add3A_906 : i32 to index
        %get3A_950 = arith.constant 16 : index
        %get3A_951 = tpu.vector_load %arg18[%get3A_948, %get3A_949, %get3A_950] {strides = array<i32>} : memref<2x128x64xf32, #tpu.memory_space<vmem>>, vector<1x1x16xf32>,
        %get3A_952 = vector.shape_cast %get3A_951 : vector<1x1x16xf32> to vector<16xf32>
        %add3A_953 = arith.addf %add3A_946, %get3A_952 : vector<16xf32>
        %swap3A_954 = arith.constant 0 : i32
        %swap3A_955 = arith.index_cast %swap3A_954 : i32 to index
        %swap3A_956 = arith.index_cast %add3A_906 : i32 to index
        %swap3A_957 = arith.constant 16 : index
        %swap3A_958 = tpu.vector_load %arg15[%swap3A_955, %swap3A_956, %swap3A_957] {strides = array<i32>} : memref<2x128x64xf32, #tpu.memory_space<vmem>>, vector<1x1x16xf32>,
        %swap3A_959 = vector.shape_cast %swap3A_958 : vector<1x1x16xf32> to vector<16xf32>
        %swap3A_960 = vector.shape_cast %add3A_953 : vector<16xf32> to vector<1x1x16xf32>
        tpu.vector_store %arg15[%swap3A_955, %swap3A_956, %swap3A_957], %swap3A_960 {add = true, strides = array<i32>} : memref<2x128x64xf32, #tpu.memory_space<vmem>>, vector<1x1x16xf32>,
        %get3A_961 = arith.constant 0 : i32
        %get3A_962 = arith.index_cast %get3A_961 : i32 to index
        %get3A_963 = arith.index_cast %add3A_906 : i32 to index
        %get3A_964 = arith.constant 32 : index
        %get3A_965 = tpu.vector_load %arg16[%get3A_962, %get3A_963, %get3A_964] {strides = array<i32>} : memref<2x128x64xf32, #tpu.memory_space<vmem>>, vector<1x1x16xf32>,
        %get3A_966 = vector.shape_cast %get3A_965 : vector<1x1x16xf32> to vector<16xf32>
        %get3A_967 = arith.constant 0 : i32
        %get3A_968 = arith.index_cast %get3A_967 : i32 to index
        %get3A_969 = arith.index_cast %add3A_906 : i32 to index
        %get3A_970 = arith.constant 32 : index
        %get3A_971 = tpu.vector_load %arg17[%get3A_968, %get3A_969, %get3A_970] {strides = array<i32>} : memref<2x128x64xf32, #tpu.memory_space<vmem>>, vector<1x1x16xf32>,
        %get3A_972 = vector.shape_cast %get3A_971 : vector<1x1x16xf32> to vector<16xf32>
        %add3A_973 = arith.addf %get3A_966, %get3A_972 : vector<16xf32>
        %get3A_974 = arith.constant 0 : i32
        %get3A_975 = arith.index_cast %get3A_974 : i32 to index
        %get3A_976 = arith.index_cast %add3A_906 : i32 to index
        %get3A_977 = arith.constant 32 : index
        %get3A_978 = tpu.vector_load %arg18[%get3A_975, %get3A_976, %get3A_977] {strides = array<i32>} : memref<2x128x64xf32, #tpu.memory_space<vmem>>, vector<1x1x16xf32>,
        %get3A_979 = vector.shape_cast %get3A_978 : vector<1x1x16xf32> to vector<16xf32>
        %add3A_980 = arith.addf %add3A_973, %get3A_979 : vector<16xf32>
        %swap3A_981 = arith.constant 0 : i32
        %swap3A_982 = arith.index_cast %swap3A_981 : i32 to index
        %swap3A_983 = arith.index_cast %add3A_906 : i32 to index
        %swap3A_984 = arith.constant 32 : index
        %swap3A_985 = tpu.vector_load %arg15[%swap3A_982, %swap3A_983, %swap3A_984] {strides = array<i32>} : memref<2x128x64xf32, #tpu.memory_space<vmem>>, vector<1x1x16xf32>,
        %swap3A_986 = vector.shape_cast %swap3A_985 : vector<1x1x16xf32> to vector<16xf32>
        %swap3A_987 = vector.shape_cast %add3A_980 : vector<16xf32> to vector<1x1x16xf32>
        tpu.vector_store %arg15[%swap3A_982, %swap3A_983, %swap3A_984], %swap3A_987 {add = true, strides = array<i32>} : memref<2x128x64xf32, #tpu.memory_space<vmem>>, vector<1x1x16xf32>,
        %get3A_988 = arith.constant 0 : i32
        %get3A_989 = arith.index_cast %get3A_988 : i32 to index
        %get3A_990 = arith.index_cast %add3A_906 : i32 to index
        %get3A_991 = arith.constant 48 : index
        %get3A_992 = tpu.vector_load %arg16[%get3A_989, %get3A_990, %get3A_991] {strides = array<i32>} : memref<2x128x64xf32, #tpu.memory_space<vmem>>, vector<1x1x16xf32>,
        %get3A_993 = vector.shape_cast %get3A_992 : vector<1x1x16xf32> to vector<16xf32>
        %get3A_994 = arith.constant 0 : i32
        %get3A_995 = arith.index_cast %get3A_994 : i32 to index
        %get3A_996 = arith.index_cast %add3A_906 : i32 to index
        %get3A_997 = arith.constant 48 : index
        %get3A_998 = tpu.vector_load %arg17[%get3A_995, %get3A_996, %get3A_997] {strides = array<i32>} : memref<2x128x64xf32, #tpu.memory_space<vmem>>, vector<1x1x16xf32>,
        %get3A_999 = vector.shape_cast %get3A_998 : vector<1x1x16xf32> to vector<16xf32>
        %add3A_1000 = arith.addf %get3A_993, %get3A_999 : vector<16xf32>
        %get3A_1001 = arith.constant 0 : i32
        %get3A_1002 = arith.index_cast %get3A_1001 : i32 to index
        %get3A_1003 = arith.index_cast %add3A_906 : i32 to index
        %get3A_1004 = arith.constant 48 : index
        %get3A_1005 = tpu.vector_load %arg18[%get3A_1002, %get3A_1003, %get3A_1004] {strides = array<i32>} : memref<2x128x64xf32, #tpu.memory_space<vmem>>, vector<1x1x16xf32>,
        %get3A_1006 = vector.shape_cast %get3A_1005 : vector<1x1x16xf32> to vector<16xf32>
        %add3A_1007 = arith.addf %add3A_1000, %get3A_1006 : vector<16xf32>
        %swap3A_1008 = arith.constant 0 : i32
        %swap3A_1009 = arith.index_cast %swap3A_1008 : i32 to index
        %swap3A_1010 = arith.index_cast %add3A_906 : i32 to index
        %swap3A_1011 = arith.constant 48 : index
        %swap3A_1012 = tpu.vector_load %arg15[%swap3A_1009, %swap3A_1010, %swap3A_1011] {strides = array<i32>} : memref<2x128x64xf32, #tpu.memory_space<vmem>>, vector<1x1x16xf32>,
        %swap3A_1013 = vector.shape_cast %swap3A_1012 : vector<1x1x16xf32> to vector<16xf32>
        %swap3A_1014 = vector.shape_cast %add3A_1007 : vector<16xf32> to vector<1x1x16xf32>
        tpu.vector_store %arg15[%swap3A_1009, %swap3A_1010, %swap3A_1011], %swap3A_1014 {add = true, strides = array<i32>} : memref<2x128x64xf32, #tpu.memory_space<vmem>>, vector<1x1x16xf32>,
        %mul3A_1015 = arith.constant 8 : i32
        %mul3A_1016 = arith.muli %scan3A_232, %mul3A_1015 : i32
        %add3A_1017 = arith.constant 7 : i32
        %add3A_1018 = arith.addi %mul3A_1016, %add3A_1017 : i32
        %get3A_1019 = arith.constant 0 : i32
        %get3A_1020 = arith.index_cast %get3A_1019 : i32 to index
        %get3A_1021 = arith.index_cast %add3A_1018 : i32 to index
        %get3A_1022 = arith.constant 0 : index
        %get3A_1023 = tpu.vector_load %arg16[%get3A_1020, %get3A_1021, %get3A_1022] {strides = array<i32>} : memref<2x128x64xf32, #tpu.memory_space<vmem>>, vector<1x1x16xf32>,
        %get3A_1024 = vector.shape_cast %get3A_1023 : vector<1x1x16xf32> to vector<16xf32>
        %get3A_1025 = arith.constant 0 : i32
        %get3A_1026 = arith.index_cast %get3A_1025 : i32 to index
        %get3A_1027 = arith.index_cast %add3A_1018 : i32 to index
        %get3A_1028 = arith.constant 0 : index
        %get3A_1029 = tpu.vector_load %arg17[%get3A_1026, %get3A_1027, %get3A_1028] {strides = array<i32>} : memref<2x128x64xf32, #tpu.memory_space<vmem>>, vector<1x1x16xf32>,
        %get3A_1030 = vector.shape_cast %get3A_1029 : vector<1x1x16xf32> to vector<16xf32>
        %add3A_1031 = arith.addf %get3A_1024, %get3A_1030 : vector<16xf32>
        %get3A_1032 = arith.constant 0 : i32
        %get3A_1033 = arith.index_cast %get3A_1032 : i32 to index
        %get3A_1034 = arith.index_cast %add3A_1018 : i32 to index
        %get3A_1035 = arith.constant 0 : index
        %get3A_1036 = tpu.vector_load %arg18[%get3A_1033, %get3A_1034, %get3A_1035] {strides = array<i32>} : memref<2x128x64xf32, #tpu.memory_space<vmem>>, vector<1x1x16xf32>,
        %get3A_1037 = vector.shape_cast %get3A_1036 : vector<1x1x16xf32> to vector<16xf32>
        %add3A_1038 = arith.addf %add3A_1031, %get3A_1037 : vector<16xf32>
        %swap3A_1039 = arith.constant 0 : i32
        %swap3A_1040 = arith.index_cast %swap3A_1039 : i32 to index
        %swap3A_1041 = arith.index_cast %add3A_1018 : i32 to index
        %swap3A_1042 = arith.constant 0 : index
        %swap3A_1043 = tpu.vector_load %arg15[%swap3A_1040, %swap3A_1041, %swap3A_1042] {strides = array<i32>} : memref<2x128x64xf32, #tpu.memory_space<vmem>>, vector<1x1x16xf32>,
        %swap3A_1044 = vector.shape_cast %swap3A_1043 : vector<1x1x16xf32> to vector<16xf32>
        %swap3A_1045 = vector.shape_cast %add3A_1038 : vector<16xf32> to vector<1x1x16xf32>
        tpu.vector_store %arg15[%swap3A_1040, %swap3A_1041, %swap3A_1042], %swap3A_1045 {add = true, strides = array<i32>} : memref<2x128x64xf32, #tpu.memory_space<vmem>>, vector<1x1x16xf32>,
        %get3A_1046 = arith.constant 0 : i32
        %get3A_1047 = arith.index_cast %get3A_1046 : i32 to index
        %get3A_1048 = arith.index_cast %add3A_1018 : i32 to index
        %get3A_1049 = arith.constant 16 : index
        %get3A_1050 = tpu.vector_load %arg16[%get3A_1047, %get3A_1048, %get3A_1049] {strides = array<i32>} : memref<2x128x64xf32, #tpu.memory_space<vmem>>, vector<1x1x16xf32>,
        %get3A_1051 = vector.shape_cast %get3A_1050 : vector<1x1x16xf32> to vector<16xf32>
        %get3A_1052 = arith.constant 0 : i32
        %get3A_1053 = arith.index_cast %get3A_1052 : i32 to index
        %get3A_1054 = arith.index_cast %add3A_1018 : i32 to index
        %get3A_1055 = arith.constant 16 : index
        %get3A_1056 = tpu.vector_load %arg17[%get3A_1053, %get3A_1054, %get3A_1055] {strides = array<i32>} : memref<2x128x64xf32, #tpu.memory_space<vmem>>, vector<1x1x16xf32>,
        %get3A_1057 = vector.shape_cast %get3A_1056 : vector<1x1x16xf32> to vector<16xf32>
        %add3A_1058 = arith.addf %get3A_1051, %get3A_1057 : vector<16xf32>
        %get3A_1059 = arith.constant 0 : i32
        %get3A_1060 = arith.index_cast %get3A_1059 : i32 to index
        %get3A_1061 = arith.index_cast %add3A_1018 : i32 to index
        %get3A_1062 = arith.constant 16 : index
        %get3A_1063 = tpu.vector_load %arg18[%get3A_1060, %get3A_1061, %get3A_1062] {strides = array<i32>} : memref<2x128x64xf32, #tpu.memory_space<vmem>>, vector<1x1x16xf32>,
        %get3A_1064 = vector.shape_cast %get3A_1063 : vector<1x1x16xf32> to vector<16xf32>
        %add3A_1065 = arith.addf %add3A_1058, %get3A_1064 : vector<16xf32>
        %swap3A_1066 = arith.constant 0 : i32
        %swap3A_1067 = arith.index_cast %swap3A_1066 : i32 to index
        %swap3A_1068 = arith.index_cast %add3A_1018 : i32 to index
        %swap3A_1069 = arith.constant 16 : index
        %swap3A_1070 = tpu.vector_load %arg15[%swap3A_1067, %swap3A_1068, %swap3A_1069] {strides = array<i32>} : memref<2x128x64xf32, #tpu.memory_space<vmem>>, vector<1x1x16xf32>,
        %swap3A_1071 = vector.shape_cast %swap3A_1070 : vector<1x1x16xf32> to vector<16xf32>
        %swap3A_1072 = vector.shape_cast %add3A_1065 : vector<16xf32> to vector<1x1x16xf32>
        tpu.vector_store %arg15[%swap3A_1067, %swap3A_1068, %swap3A_1069], %swap3A_1072 {add = true, strides = array<i32>} : memref<2x128x64xf32, #tpu.memory_space<vmem>>, vector<1x1x16xf32>,
        %get3A_1073 = arith.constant 0 : i32
        %get3A_1074 = arith.index_cast %get3A_1073 : i32 to index
        %get3A_1075 = arith.index_cast %add3A_1018 : i32 to index
        %get3A_1076 = arith.constant 32 : index
        %get3A_1077 = tpu.vector_load %arg16[%get3A_1074, %get3A_1075, %get3A_1076] {strides = array<i32>} : memref<2x128x64xf32, #tpu.memory_space<vmem>>, vector<1x1x16xf32>,
        %get3A_1078 = vector.shape_cast %get3A_1077 : vector<1x1x16xf32> to vector<16xf32>
        %get3A_1079 = arith.constant 0 : i32
        %get3A_1080 = arith.index_cast %get3A_1079 : i32 to index
        %get3A_1081 = arith.index_cast %add3A_1018 : i32 to index
        %get3A_1082 = arith.constant 32 : index
        %get3A_1083 = tpu.vector_load %arg17[%get3A_1080, %get3A_1081, %get3A_1082] {strides = array<i32>} : memref<2x128x64xf32, #tpu.memory_space<vmem>>, vector<1x1x16xf32>,
        %get3A_1084 = vector.shape_cast %get3A_1083 : vector<1x1x16xf32> to vector<16xf32>
        %add3A_1085 = arith.addf %get3A_1078, %get3A_1084 : vector<16xf32>
        %get3A_1086 = arith.constant 0 : i32
        %get3A_1087 = arith.index_cast %get3A_1086 : i32 to index
        %get3A_1088 = arith.index_cast %add3A_1018 : i32 to index
        %get3A_1089 = arith.constant 32 : index
        %get3A_1090 = tpu.vector_load %arg18[%get3A_1087, %get3A_1088, %get3A_1089] {strides = array<i32>} : memref<2x128x64xf32, #tpu.memory_space<vmem>>, vector<1x1x16xf32>,
        %get3A_1091 = vector.shape_cast %get3A_1090 : vector<1x1x16xf32> to vector<16xf32>
        %add3A_1092 = arith.addf %add3A_1085, %get3A_1091 : vector<16xf32>
        %swap3A_1093 = arith.constant 0 : i32
        %swap3A_1094 = arith.index_cast %swap3A_1093 : i32 to index
        %swap3A_1095 = arith.index_cast %add3A_1018 : i32 to index
        %swap3A_1096 = arith.constant 32 : index
        %swap3A_1097 = tpu.vector_load %arg15[%swap3A_1094, %swap3A_1095, %swap3A_1096] {strides = array<i32>} : memref<2x128x64xf32, #tpu.memory_space<vmem>>, vector<1x1x16xf32>,
        %swap3A_1098 = vector.shape_cast %swap3A_1097 : vector<1x1x16xf32> to vector<16xf32>
        %swap3A_1099 = vector.shape_cast %add3A_1092 : vector<16xf32> to vector<1x1x16xf32>
        tpu.vector_store %arg15[%swap3A_1094, %swap3A_1095, %swap3A_1096], %swap3A_1099 {add = true, strides = array<i32>} : memref<2x128x64xf32, #tpu.memory_space<vmem>>, vector<1x1x16xf32>,
        %get3A_1100 = arith.constant 0 : i32
        %get3A_1101 = arith.index_cast %get3A_1100 : i32 to index
        %get3A_1102 = arith.index_cast %add3A_1018 : i32 to index
        %get3A_1103 = arith.constant 48 : index
        %get3A_1104 = tpu.vector_load %arg16[%get3A_1101, %get3A_1102, %get3A_1103] {strides = array<i32>} : memref<2x128x64xf32, #tpu.memory_space<vmem>>, vector<1x1x16xf32>,
        %get3A_1105 = vector.shape_cast %get3A_1104 : vector<1x1x16xf32> to vector<16xf32>
        %get3A_1106 = arith.constant 0 : i32
        %get3A_1107 = arith.index_cast %get3A_1106 : i32 to index
        %get3A_1108 = arith.index_cast %add3A_1018 : i32 to index
        %get3A_1109 = arith.constant 48 : index
        %get3A_1110 = tpu.vector_load %arg17[%get3A_1107, %get3A_1108, %get3A_1109] {strides = array<i32>} : memref<2x128x64xf32, #tpu.memory_space<vmem>>, vector<1x1x16xf32>,
        %get3A_1111 = vector.shape_cast %get3A_1110 : vector<1x1x16xf32> to vector<16xf32>
        %add3A_1112 = arith.addf %get3A_1105, %get3A_1111 : vector<16xf32>
        %get3A_1113 = arith.constant 0 : i32
        %get3A_1114 = arith.index_cast %get3A_1113 : i32 to index
        %get3A_1115 = arith.index_cast %add3A_1018 : i32 to index
        %get3A_1116 = arith.constant 48 : index
        %get3A_1117 = tpu.vector_load %arg18[%get3A_1114, %get3A_1115, %get3A_1116] {strides = array<i32>} : memref<2x128x64xf32, #tpu.memory_space<vmem>>, vector<1x1x16xf32>,
        %get3A_1118 = vector.shape_cast %get3A_1117 : vector<1x1x16xf32> to vector<16xf32>
        %add3A_1119 = arith.addf %add3A_1112, %get3A_1118 : vector<16xf32>
        %swap3A_1120 = arith.constant 0 : i32
        %swap3A_1121 = arith.index_cast %swap3A_1120 : i32 to index
        %swap3A_1122 = arith.index_cast %add3A_1018 : i32 to index
        %swap3A_1123 = arith.constant 48 : index
        %swap3A_1124 = tpu.vector_load %arg15[%swap3A_1121, %swap3A_1122, %swap3A_1123] {strides = array<i32>} : memref<2x128x64xf32, #tpu.memory_space<vmem>>, vector<1x1x16xf32>,
        %swap3A_1125 = vector.shape_cast %swap3A_1124 : vector<1x1x16xf32> to vector<16xf32>
        %swap3A_1126 = vector.shape_cast %add3A_1119 : vector<16xf32> to vector<1x1x16xf32>
        tpu.vector_store %arg15[%swap3A_1121, %swap3A_1122, %swap3A_1123], %swap3A_1126 {add = true, strides = array<i32>} : memref<2x128x64xf32, #tpu.memory_space<vmem>>, vector<1x1x16xf32>,
      }
      %scan3A_154 = arith.constant 16 : i32
      %mul3A_155 = arith.constant 128 : i32
      %mul3A_156 = arith.muli %mul3A_49, %mul3A_155 : i32
      %add3A_157 = arith.addi %mul3A_2, %mul3A_156 : i32
      %run_scoped3A = arith.constant 0 : i32
      "tpu.region"() ({
        %run_scoped3A_232 = tpu.sem_alloc : memref<!tpu.dma_semaphore, #tpu.memory_space<semaphore_mem>>
        %dma_start3A_233 = arith.constant 0 : i32
        %dma_start3A_234 = arith.constant 0 : i32
        %dma_start3A_235 = tpu.memref_slice %arg15[%run_scoped3A, %dma_start3A_233, %dma_start3A_234] : memref<2x128x64xf32, #tpu.memory_space<vmem>> -> memref<1x128x64xf32, #tpu.memory_space<vmem>>
        %dma_start3A_236 = tpu.memref_squeeze %dma_start3A_235 : memref<1x128x64xf32, #tpu.memory_space<vmem>> -> memref<128x64xf32, #tpu.memory_space<vmem>>
        %dma_start3A_237 = arith.constant 0 : i32
        %dma_start3A_238 = tpu.memref_slice %arg10[%add3A_157, %dma_start3A_237] : memref<204800x64xf32, #tpu.memory_space<hbm>> -> memref<128x64xf32, #tpu.memory_space<hbm>>
        %dma_start3A_239 = arith.constant 0 : i32
        %dma_start3A_240 = tpu.memref_slice %arg10[%add3A_157, %dma_start3A_239] : memref<204800x64xf32, #tpu.memory_space<hbm>> -> memref<128x64xf32, #tpu.memory_space<hbm>>
        %dma_start3A_241 = arith.constant 0 : i32
        %dma_start3A_242 = arith.constant 0 : i32
        %dma_start3A_243 = tpu.memref_slice %arg15[%run_scoped3A, %dma_start3A_241, %dma_start3A_242] : memref<2x128x64xf32, #tpu.memory_space<vmem>> -> memref<1x128x64xf32, #tpu.memory_space<vmem>>
        %dma_start3A_244 = tpu.memref_squeeze %dma_start3A_243 : memref<1x128x64xf32, #tpu.memory_space<vmem>> -> memref<128x64xf32, #tpu.memory_space<vmem>>
        tpu.enqueue_dma source(%dma_start3A_244 : memref<128x64xf32, #tpu.memory_space<vmem>>) target(%dma_start3A_240 : memref<128x64xf32, #tpu.memory_space<hbm>>) target_semaphore(%run_scoped3A_232 : memref<!tpu.dma_semaphore, #tpu.memory_space<semaphore_mem>>)
        %dma_wait3A_245 = arith.constant 0 : i32
        %dma_wait3A_246 = arith.constant 0 : i32
        %dma_wait3A_247 = tpu.memref_slice %arg15[%run_scoped3A, %dma_wait3A_245, %dma_wait3A_246] : memref<2x128x64xf32, #tpu.memory_space<vmem>> -> memref<1x128x64xf32, #tpu.memory_space<vmem>>
        %dma_wait3A_248 = tpu.memref_squeeze %dma_wait3A_247 : memref<1x128x64xf32, #tpu.memory_space<vmem>> -> memref<128x64xf32, #tpu.memory_space<vmem>>
        %dma_wait3A_249 = arith.constant 0 : i32
        %dma_wait3A_250 = tpu.memref_slice %arg10[%add3A_157, %dma_wait3A_249] : memref<204800x64xf32, #tpu.memory_space<hbm>> -> memref<128x64xf32, #tpu.memory_space<hbm>>
        %dma_wait3A_251 = arith.constant 0 : i32
        %dma_wait3A_252 = tpu.memref_slice %arg10[%add3A_157, %dma_wait3A_251] : memref<204800x64xf32, #tpu.memory_space<hbm>> -> memref<128x64xf32, #tpu.memory_space<hbm>>
        %dma_wait3A_253 = arith.constant 0 : i32
        %dma_wait3A_254 = arith.constant 0 : i32
        %dma_wait3A_255 = tpu.memref_slice %arg15[%run_scoped3A, %dma_wait3A_253, %dma_wait3A_254] : memref<2x128x64xf32, #tpu.memory_space<vmem>> -> memref<1x128x64xf32, #tpu.memory_space<vmem>>
        %dma_wait3A_256 = tpu.memref_squeeze %dma_wait3A_255 : memref<1x128x64xf32, #tpu.memory_space<vmem>> -> memref<128x64xf32, #tpu.memory_space<vmem>>
        tpu.wait_dma2 semaphore(%run_scoped3A_232 : memref<!tpu.dma_semaphore, #tpu.memory_space<semaphore_mem>>) src(%dma_wait3A_256 : memref<128x64xf32, #tpu.memory_space<vmem>>) dst(%dma_wait3A_252 : memref<128x64xf32, #tpu.memory_space<hbm>>)
        tpu.yield
      }) : () -> ()
      %lt3A = arith.constant 24 : i32
      %lt3A_158 = arith.cmpi slt, %scan3A_47, %lt3A : i32
      %convert_element_type3A = arith.extui %lt3A_158 : i1 to i32
      %cond3A = arith.constant 0 : i32
      %cond3A_159 = arith.cmpi ne, %convert_element_type3A, %cond3A : i32
      scf.if %cond3A_159 {
        %add3A_232 = arith.constant 2 : i32
        %add3A_233 = arith.addi %mul3A_49, %add3A_232 : i32
        %mul3A_234 = arith.constant 128 : i32
        %mul3A_235 = arith.muli %add3A_233, %mul3A_234 : i32
        %dma_start3A_236 = arith.constant 0 : i32
        %dma_start3A_237 = arith.constant 0 : i32
        %dma_start3A_238 = arith.constant 0 : i32
        %dma_start3A_239 = tpu.memref_slice %arg15[%dma_start3A_236, %dma_start3A_237, %dma_start3A_238] : memref<2x128x64xf32, #tpu.memory_space<vmem>> -> memref<1x128x64xf32, #tpu.memory_space<vmem>>
        %dma_start3A_240 = tpu.memref_squeeze %dma_start3A_239 : memref<1x128x64xf32, #tpu.memory_space<vmem>> -> memref<128x64xf32, #tpu.memory_space<vmem>>
        %dma_start3A_241 = tpu.memref_slice %arg11[%mul3A_235] : memref<6400xi32, #tpu.memory_space<vmem>> -> memref<128xi32, #tpu.memory_space<vmem>>
        %dma_start3A_242 = arith.constant 0 : i32
        %dma_start3A_243 = arith.constant 0 : i32
        %dma_start3A_244 = tpu.memref_slice %arg2[%dma_start3A_242, %dma_start3A_243] : memref<100000x64xf32, #tpu.memory_space<hbm>> -> memref<100000x64xf32, #tpu.memory_space<hbm>>
        tpu.enqueue_indirect_dma source(%dma_start3A_244 : memref<100000x64xf32, #tpu.memory_space<hbm>>) target(%dma_start3A_240 : memref<128x64xf32, #tpu.memory_space<vmem>>) offsets(%dma_start3A_241 : memref<128xi32, #tpu.memory_space<vmem>>) semaphore(%arg19 : memref<!tpu.dma_semaphore, #tpu.memory_space<semaphore_mem>>)
        %dma_start3A_245 = arith.constant 0 : i32
        %dma_start3A_246 = arith.constant 0 : i32
        %dma_start3A_247 = arith.constant 0 : i32
        %dma_start3A_248 = tpu.memref_slice %arg16[%dma_start3A_245, %dma_start3A_246, %dma_start3A_247] : memref<2x128x64xf32, #tpu.memory_space<vmem>> -> memref<1x128x64xf32, #tpu.memory_space<vmem>>
        %dma_start3A_249 = tpu.memref_squeeze %dma_start3A_248 : memref<1x128x64xf32, #tpu.memory_space<vmem>> -> memref<128x64xf32, #tpu.memory_space<vmem>>
        %dma_start3A_250 = tpu.memref_slice %arg12[%mul3A_235] : memref<6400xi32, #tpu.memory_space<vmem>> -> memref<128xi32, #tpu.memory_space<vmem>>
        %dma_start3A_251 = arith.constant 0 : i32
        %dma_start3A_252 = arith.constant 0 : i32
        %dma_start3A_253 = tpu.memref_slice %arg3[%dma_start3A_251, %dma_start3A_252] : memref<100000x64xf32, #tpu.memory_space<hbm>> -> memref<100000x64xf32, #tpu.memory_space<hbm>>
        tpu.enqueue_indirect_dma source(%dma_start3A_253 : memref<100000x64xf32, #tpu.memory_space<hbm>>) target(%dma_start3A_249 : memref<128x64xf32, #tpu.memory_space<vmem>>) offsets(%dma_start3A_250 : memref<128xi32, #tpu.memory_space<vmem>>) semaphore(%arg19 : memref<!tpu.dma_semaphore, #tpu.memory_space<semaphore_mem>>)
        %dma_start3A_254 = arith.constant 0 : i32
        %dma_start3A_255 = arith.constant 0 : i32
        %dma_start3A_256 = arith.constant 0 : i32
        %dma_start3A_257 = tpu.memref_slice %arg17[%dma_start3A_254, %dma_start3A_255, %dma_start3A_256] : memref<2x128x64xf32, #tpu.memory_space<vmem>> -> memref<1x128x64xf32, #tpu.memory_space<vmem>>
        %dma_start3A_258 = tpu.memref_squeeze %dma_start3A_257 : memref<1x128x64xf32, #tpu.memory_space<vmem>> -> memref<128x64xf32, #tpu.memory_space<vmem>>
        %dma_start3A_259 = tpu.memref_slice %arg13[%mul3A_235] : memref<6400xi32, #tpu.memory_space<vmem>> -> memref<128xi32, #tpu.memory_space<vmem>>
        %dma_start3A_260 = arith.constant 0 : i32
        %dma_start3A_261 = arith.constant 0 : i32
        %dma_start3A_262 = tpu.memref_slice %arg4[%dma_start3A_260, %dma_start3A_261] : memref<1024x64xf32, #tpu.memory_space<hbm>> -> memref<1024x64xf32, #tpu.memory_space<hbm>>
        tpu.enqueue_indirect_dma source(%dma_start3A_262 : memref<1024x64xf32, #tpu.memory_space<hbm>>) target(%dma_start3A_258 : memref<128x64xf32, #tpu.memory_space<vmem>>) offsets(%dma_start3A_259 : memref<128xi32, #tpu.memory_space<vmem>>) semaphore(%arg19 : memref<!tpu.dma_semaphore, #tpu.memory_space<semaphore_mem>>)
        %dma_start3A_263 = arith.constant 0 : i32
        %dma_start3A_264 = arith.constant 0 : i32
        %dma_start3A_265 = arith.constant 0 : i32
        %dma_start3A_266 = tpu.memref_slice %arg18[%dma_start3A_263, %dma_start3A_264, %dma_start3A_265] : memref<2x128x64xf32, #tpu.memory_space<vmem>> -> memref<1x128x64xf32, #tpu.memory_space<vmem>>
        %dma_start3A_267 = tpu.memref_squeeze %dma_start3A_266 : memref<1x128x64xf32, #tpu.memory_space<vmem>> -> memref<128x64xf32, #tpu.memory_space<vmem>>
        %dma_start3A_268 = tpu.memref_slice %arg14[%mul3A_235] : memref<6400xi32, #tpu.memory_space<vmem>> -> memref<128xi32, #tpu.memory_space<vmem>>
        %dma_start3A_269 = arith.constant 0 : i32
        %dma_start3A_270 = arith.constant 0 : i32
        %dma_start3A_271 = tpu.memref_slice %arg5[%dma_start3A_269, %dma_start3A_270] : memref<1024x64xf32, #tpu.memory_space<hbm>> -> memref<1024x64xf32, #tpu.memory_space<hbm>>
        tpu.enqueue_indirect_dma source(%dma_start3A_271 : memref<1024x64xf32, #tpu.memory_space<hbm>>) target(%dma_start3A_267 : memref<128x64xf32, #tpu.memory_space<vmem>>) offsets(%dma_start3A_268 : memref<128xi32, #tpu.memory_space<vmem>>) semaphore(%arg19 : memref<!tpu.dma_semaphore, #tpu.memory_space<semaphore_mem>>)
      } else {
      }
      %add3A_160 = arith.constant 1 : i32
      %add3A_161 = arith.addi %mul3A_49, %add3A_160 : i32
      %dma_wait3A_162 = arith.constant 1 : i32
      %dma_wait3A_163 = arith.constant 0 : i32
      %dma_wait3A_164 = arith.constant 0 : i32
      %dma_wait3A_165 = tpu.memref_slice %arg15[%dma_wait3A_162, %dma_wait3A_163, %dma_wait3A_164] : memref<2x128x64xf32, #tpu.memory_space<vmem>> -> memref<1x128x64xf32, #tpu.memory_space<vmem>>
      %dma_wait3A_166 = tpu.memref_squeeze %dma_wait3A_165 : memref<1x128x64xf32, #tpu.memory_space<vmem>> -> memref<128x64xf32, #tpu.memory_space<vmem>>
      %dma_wait3A_167 = arith.constant 0 : i32
      %dma_wait3A_168 = arith.constant 0 : i32
      %dma_wait3A_169 = tpu.memref_slice %arg2[%dma_wait3A_167, %dma_wait3A_168] : memref<100000x64xf32, #tpu.memory_space<hbm>> -> memref<128x64xf32, #tpu.memory_space<hbm>>
      %dma_wait3A_170 = arith.constant 0 : i32
      %dma_wait3A_171 = arith.constant 0 : i32
      %dma_wait3A_172 = tpu.memref_slice %arg15[%dma_wait3A_162, %dma_wait3A_170, %dma_wait3A_171] : memref<2x128x64xf32, #tpu.memory_space<vmem>> -> memref<1x128x64xf32, #tpu.memory_space<vmem>>
      %dma_wait3A_173 = tpu.memref_squeeze %dma_wait3A_172 : memref<1x128x64xf32, #tpu.memory_space<vmem>> -> memref<128x64xf32, #tpu.memory_space<vmem>>
      %dma_wait3A_174 = arith.constant 0 : i32
      %dma_wait3A_175 = arith.constant 0 : i32
      %dma_wait3A_176 = tpu.memref_slice %arg2[%dma_wait3A_174, %dma_wait3A_175] : memref<100000x64xf32, #tpu.memory_space<hbm>> -> memref<128x64xf32, #tpu.memory_space<hbm>>
      tpu.wait_dma2 semaphore(%arg20 : memref<!tpu.dma_semaphore, #tpu.memory_space<semaphore_mem>>) src(%dma_wait3A_176 : memref<128x64xf32, #tpu.memory_space<hbm>>) dst(%dma_wait3A_173 : memref<128x64xf32, #tpu.memory_space<vmem>>)
      %dma_wait3A_177 = arith.constant 1 : i32
      %dma_wait3A_178 = arith.constant 0 : i32
      %dma_wait3A_179 = arith.constant 0 : i32
      %dma_wait3A_180 = tpu.memref_slice %arg16[%dma_wait3A_177, %dma_wait3A_178, %dma_wait3A_179] : memref<2x128x64xf32, #tpu.memory_space<vmem>> -> memref<1x128x64xf32, #tpu.memory_space<vmem>>
      %dma_wait3A_181 = tpu.memref_squeeze %dma_wait3A_180 : memref<1x128x64xf32, #tpu.memory_space<vmem>> -> memref<128x64xf32, #tpu.memory_space<vmem>>
      %dma_wait3A_182 = arith.constant 0 : i32
      %dma_wait3A_183 = arith.constant 0 : i32
      %dma_wait3A_184 = tpu.memref_slice %arg2[%dma_wait3A_182, %dma_wait3A_183] : memref<100000x64xf32, #tpu.memory_space<hbm>> -> memref<128x64xf32, #tpu.memory_space<hbm>>
      %dma_wait3A_185 = arith.constant 0 : i32
      %dma_wait3A_186 = arith.constant 0 : i32
      %dma_wait3A_187 = tpu.memref_slice %arg16[%dma_wait3A_177, %dma_wait3A_185, %dma_wait3A_186] : memref<2x128x64xf32, #tpu.memory_space<vmem>> -> memref<1x128x64xf32, #tpu.memory_space<vmem>>
      %dma_wait3A_188 = tpu.memref_squeeze %dma_wait3A_187 : memref<1x128x64xf32, #tpu.memory_space<vmem>> -> memref<128x64xf32, #tpu.memory_space<vmem>>
      %dma_wait3A_189 = arith.constant 0 : i32
      %dma_wait3A_190 = arith.constant 0 : i32
      %dma_wait3A_191 = tpu.memref_slice %arg2[%dma_wait3A_189, %dma_wait3A_190] : memref<100000x64xf32, #tpu.memory_space<hbm>> -> memref<128x64xf32, #tpu.memory_space<hbm>>
      tpu.wait_dma2 semaphore(%arg20 : memref<!tpu.dma_semaphore, #tpu.memory_space<semaphore_mem>>) src(%dma_wait3A_191 : memref<128x64xf32, #tpu.memory_space<hbm>>) dst(%dma_wait3A_188 : memref<128x64xf32, #tpu.memory_space<vmem>>)
      %dma_wait3A_192 = arith.constant 1 : i32
      %dma_wait3A_193 = arith.constant 0 : i32
      %dma_wait3A_194 = arith.constant 0 : i32
      %dma_wait3A_195 = tpu.memref_slice %arg17[%dma_wait3A_192, %dma_wait3A_193, %dma_wait3A_194] : memref<2x128x64xf32, #tpu.memory_space<vmem>> -> memref<1x128x64xf32, #tpu.memory_space<vmem>>
      %dma_wait3A_196 = tpu.memref_squeeze %dma_wait3A_195 : memref<1x128x64xf32, #tpu.memory_space<vmem>> -> memref<128x64xf32, #tpu.memory_space<vmem>>
      %dma_wait3A_197 = arith.constant 0 : i32
      %dma_wait3A_198 = arith.constant 0 : i32
      %dma_wait3A_199 = tpu.memref_slice %arg2[%dma_wait3A_197, %dma_wait3A_198] : memref<100000x64xf32, #tpu.memory_space<hbm>> -> memref<128x64xf32, #tpu.memory_space<hbm>>
      %dma_wait3A_200 = arith.constant 0 : i32
      %dma_wait3A_201 = arith.constant 0 : i32
      %dma_wait3A_202 = tpu.memref_slice %arg17[%dma_wait3A_192, %dma_wait3A_200, %dma_wait3A_201] : memref<2x128x64xf32, #tpu.memory_space<vmem>> -> memref<1x128x64xf32, #tpu.memory_space<vmem>>
      %dma_wait3A_203 = tpu.memref_squeeze %dma_wait3A_202 : memref<1x128x64xf32, #tpu.memory_space<vmem>> -> memref<128x64xf32, #tpu.memory_space<vmem>>
      %dma_wait3A_204 = arith.constant 0 : i32
      %dma_wait3A_205 = arith.constant 0 : i32
      %dma_wait3A_206 = tpu.memref_slice %arg2[%dma_wait3A_204, %dma_wait3A_205] : memref<100000x64xf32, #tpu.memory_space<hbm>> -> memref<128x64xf32, #tpu.memory_space<hbm>>
      tpu.wait_dma2 semaphore(%arg20 : memref<!tpu.dma_semaphore, #tpu.memory_space<semaphore_mem>>) src(%dma_wait3A_206 : memref<128x64xf32, #tpu.memory_space<hbm>>) dst(%dma_wait3A_203 : memref<128x64xf32, #tpu.memory_space<vmem>>)
      %dma_wait3A_207 = arith.constant 1 : i32
      %dma_wait3A_208 = arith.constant 0 : i32
      %dma_wait3A_209 = arith.constant 0 : i32
      %dma_wait3A_210 = tpu.memref_slice %arg18[%dma_wait3A_207, %dma_wait3A_208, %dma_wait3A_209] : memref<2x128x64xf32, #tpu.memory_space<vmem>> -> memref<1x128x64xf32, #tpu.memory_space<vmem>>
      %dma_wait3A_211 = tpu.memref_squeeze %dma_wait3A_210 : memref<1x128x64xf32, #tpu.memory_space<vmem>> -> memref<128x64xf32, #tpu.memory_space<vmem>>
      %dma_wait3A_212 = arith.constant 0 : i32
      %dma_wait3A_213 = arith.constant 0 : i32
      %dma_wait3A_214 = tpu.memref_slice %arg2[%dma_wait3A_212, %dma_wait3A_213] : memref<100000x64xf32, #tpu.memory_space<hbm>> -> memref<128x64xf32, #tpu.memory_space<hbm>>
      %dma_wait3A_215 = arith.constant 0 : i32
      %dma_wait3A_216 = arith.constant 0 : i32
      %dma_wait3A_217 = tpu.memref_slice %arg18[%dma_wait3A_207, %dma_wait3A_215, %dma_wait3A_216] : memref<2x128x64xf32, #tpu.memory_space<vmem>> -> memref<1x128x64xf32, #tpu.memory_space<vmem>>
      %dma_wait3A_218 = tpu.memref_squeeze %dma_wait3A_217 : memref<1x128x64xf32, #tpu.memory_space<vmem>> -> memref<128x64xf32, #tpu.memory_space<vmem>>
      %dma_wait3A_219 = arith.constant 0 : i32
      %dma_wait3A_220 = arith.constant 0 : i32
      %dma_wait3A_221 = tpu.memref_slice %arg2[%dma_wait3A_219, %dma_wait3A_220] : memref<100000x64xf32, #tpu.memory_space<hbm>> -> memref<128x64xf32, #tpu.memory_space<hbm>>
      tpu.wait_dma2 semaphore(%arg20 : memref<!tpu.dma_semaphore, #tpu.memory_space<semaphore_mem>>) src(%dma_wait3A_221 : memref<128x64xf32, #tpu.memory_space<hbm>>) dst(%dma_wait3A_218 : memref<128x64xf32, #tpu.memory_space<vmem>>)
      %scan3A_222 = arith.constant 0 : i32
      %scan3A_223 = arith.constant 0 : i32
      %scan3A_224 = arith.constant 16 : i32
      %scan3A_225 = arith.addi %scan3A_223, %scan3A_224 : i32
      %scan3A_226 = arith.constant 1 : i32
      scf.for %scan3A_232 = %scan3A_223 to %scan3A_225 step %scan3A_226  : i32 {
        %mul3A_233 = arith.constant 8 : i32
        %mul3A_234 = arith.muli %scan3A_232, %mul3A_233 : i32
        %add3A_235 = arith.constant 0 : i32
        %add3A_236 = arith.addi %mul3A_234, %add3A_235 : i32
        %get3A = arith.constant 1 : i32
        %get3A_237 = arith.index_cast %get3A : i32 to index
        %get3A_238 = arith.index_cast %add3A_236 : i32 to index
        %get3A_239 = arith.constant 0 : index
        %get3A_240 = tpu.vector_load %arg16[%get3A_237, %get3A_238, %get3A_239] {strides = array<i32>} : memref<2x128x64xf32, #tpu.memory_space<vmem>>, vector<1x1x16xf32>,
        %get3A_241 = vector.shape_cast %get3A_240 : vector<1x1x16xf32> to vector<16xf32>
        %get3A_242 = arith.constant 1 : i32
        %get3A_243 = arith.index_cast %get3A_242 : i32 to index
        %get3A_244 = arith.index_cast %add3A_236 : i32 to index
        %get3A_245 = arith.constant 0 : index
        %get3A_246 = tpu.vector_load %arg17[%get3A_243, %get3A_244, %get3A_245] {strides = array<i32>} : memref<2x128x64xf32, #tpu.memory_space<vmem>>, vector<1x1x16xf32>,
        %get3A_247 = vector.shape_cast %get3A_246 : vector<1x1x16xf32> to vector<16xf32>
        %add3A_248 = arith.addf %get3A_241, %get3A_247 : vector<16xf32>
        %get3A_249 = arith.constant 1 : i32
        %get3A_250 = arith.index_cast %get3A_249 : i32 to index
        %get3A_251 = arith.index_cast %add3A_236 : i32 to index
        %get3A_252 = arith.constant 0 : index
        %get3A_253 = tpu.vector_load %arg18[%get3A_250, %get3A_251, %get3A_252] {strides = array<i32>} : memref<2x128x64xf32, #tpu.memory_space<vmem>>, vector<1x1x16xf32>,
        %get3A_254 = vector.shape_cast %get3A_253 : vector<1x1x16xf32> to vector<16xf32>
        %add3A_255 = arith.addf %add3A_248, %get3A_254 : vector<16xf32>
        %swap3A = arith.constant 1 : i32
        %swap3A_256 = arith.index_cast %swap3A : i32 to index
        %swap3A_257 = arith.index_cast %add3A_236 : i32 to index
        %swap3A_258 = arith.constant 0 : index
        %swap3A_259 = tpu.vector_load %arg15[%swap3A_256, %swap3A_257, %swap3A_258] {strides = array<i32>} : memref<2x128x64xf32, #tpu.memory_space<vmem>>, vector<1x1x16xf32>,
        %swap3A_260 = vector.shape_cast %swap3A_259 : vector<1x1x16xf32> to vector<16xf32>
        %swap3A_261 = vector.shape_cast %add3A_255 : vector<16xf32> to vector<1x1x16xf32>
        tpu.vector_store %arg15[%swap3A_256, %swap3A_257, %swap3A_258], %swap3A_261 {add = true, strides = array<i32>} : memref<2x128x64xf32, #tpu.memory_space<vmem>>, vector<1x1x16xf32>,
        %get3A_262 = arith.constant 1 : i32
        %get3A_263 = arith.index_cast %get3A_262 : i32 to index
        %get3A_264 = arith.index_cast %add3A_236 : i32 to index
        %get3A_265 = arith.constant 16 : index
        %get3A_266 = tpu.vector_load %arg16[%get3A_263, %get3A_264, %get3A_265] {strides = array<i32>} : memref<2x128x64xf32, #tpu.memory_space<vmem>>, vector<1x1x16xf32>,
        %get3A_267 = vector.shape_cast %get3A_266 : vector<1x1x16xf32> to vector<16xf32>
        %get3A_268 = arith.constant 1 : i32
        %get3A_269 = arith.index_cast %get3A_268 : i32 to index
        %get3A_270 = arith.index_cast %add3A_236 : i32 to index
        %get3A_271 = arith.constant 16 : index
        %get3A_272 = tpu.vector_load %arg17[%get3A_269, %get3A_270, %get3A_271] {strides = array<i32>} : memref<2x128x64xf32, #tpu.memory_space<vmem>>, vector<1x1x16xf32>,
        %get3A_273 = vector.shape_cast %get3A_272 : vector<1x1x16xf32> to vector<16xf32>
        %add3A_274 = arith.addf %get3A_267, %get3A_273 : vector<16xf32>
        %get3A_275 = arith.constant 1 : i32
        %get3A_276 = arith.index_cast %get3A_275 : i32 to index
        %get3A_277 = arith.index_cast %add3A_236 : i32 to index
        %get3A_278 = arith.constant 16 : index
        %get3A_279 = tpu.vector_load %arg18[%get3A_276, %get3A_277, %get3A_278] {strides = array<i32>} : memref<2x128x64xf32, #tpu.memory_space<vmem>>, vector<1x1x16xf32>,
        %get3A_280 = vector.shape_cast %get3A_279 : vector<1x1x16xf32> to vector<16xf32>
        %add3A_281 = arith.addf %add3A_274, %get3A_280 : vector<16xf32>
        %swap3A_282 = arith.constant 1 : i32
        %swap3A_283 = arith.index_cast %swap3A_282 : i32 to index
        %swap3A_284 = arith.index_cast %add3A_236 : i32 to index
        %swap3A_285 = arith.constant 16 : index
        %swap3A_286 = tpu.vector_load %arg15[%swap3A_283, %swap3A_284, %swap3A_285] {strides = array<i32>} : memref<2x128x64xf32, #tpu.memory_space<vmem>>, vector<1x1x16xf32>,
        %swap3A_287 = vector.shape_cast %swap3A_286 : vector<1x1x16xf32> to vector<16xf32>
        %swap3A_288 = vector.shape_cast %add3A_281 : vector<16xf32> to vector<1x1x16xf32>
        tpu.vector_store %arg15[%swap3A_283, %swap3A_284, %swap3A_285], %swap3A_288 {add = true, strides = array<i32>} : memref<2x128x64xf32, #tpu.memory_space<vmem>>, vector<1x1x16xf32>,
        %get3A_289 = arith.constant 1 : i32
        %get3A_290 = arith.index_cast %get3A_289 : i32 to index
        %get3A_291 = arith.index_cast %add3A_236 : i32 to index
        %get3A_292 = arith.constant 32 : index
        %get3A_293 = tpu.vector_load %arg16[%get3A_290, %get3A_291, %get3A_292] {strides = array<i32>} : memref<2x128x64xf32, #tpu.memory_space<vmem>>, vector<1x1x16xf32>,
        %get3A_294 = vector.shape_cast %get3A_293 : vector<1x1x16xf32> to vector<16xf32>
        %get3A_295 = arith.constant 1 : i32
        %get3A_296 = arith.index_cast %get3A_295 : i32 to index
        %get3A_297 = arith.index_cast %add3A_236 : i32 to index
        %get3A_298 = arith.constant 32 : index
        %get3A_299 = tpu.vector_load %arg17[%get3A_296, %get3A_297, %get3A_298] {strides = array<i32>} : memref<2x128x64xf32, #tpu.memory_space<vmem>>, vector<1x1x16xf32>,
        %get3A_300 = vector.shape_cast %get3A_299 : vector<1x1x16xf32> to vector<16xf32>
        %add3A_301 = arith.addf %get3A_294, %get3A_300 : vector<16xf32>
        %get3A_302 = arith.constant 1 : i32
        %get3A_303 = arith.index_cast %get3A_302 : i32 to index
        %get3A_304 = arith.index_cast %add3A_236 : i32 to index
        %get3A_305 = arith.constant 32 : index
        %get3A_306 = tpu.vector_load %arg18[%get3A_303, %get3A_304, %get3A_305] {strides = array<i32>} : memref<2x128x64xf32, #tpu.memory_space<vmem>>, vector<1x1x16xf32>,
        %get3A_307 = vector.shape_cast %get3A_306 : vector<1x1x16xf32> to vector<16xf32>
        %add3A_308 = arith.addf %add3A_301, %get3A_307 : vector<16xf32>
        %swap3A_309 = arith.constant 1 : i32
        %swap3A_310 = arith.index_cast %swap3A_309 : i32 to index
        %swap3A_311 = arith.index_cast %add3A_236 : i32 to index
        %swap3A_312 = arith.constant 32 : index
        %swap3A_313 = tpu.vector_load %arg15[%swap3A_310, %swap3A_311, %swap3A_312] {strides = array<i32>} : memref<2x128x64xf32, #tpu.memory_space<vmem>>, vector<1x1x16xf32>,
        %swap3A_314 = vector.shape_cast %swap3A_313 : vector<1x1x16xf32> to vector<16xf32>
        %swap3A_315 = vector.shape_cast %add3A_308 : vector<16xf32> to vector<1x1x16xf32>
        tpu.vector_store %arg15[%swap3A_310, %swap3A_311, %swap3A_312], %swap3A_315 {add = true, strides = array<i32>} : memref<2x128x64xf32, #tpu.memory_space<vmem>>, vector<1x1x16xf32>,
        %get3A_316 = arith.constant 1 : i32
        %get3A_317 = arith.index_cast %get3A_316 : i32 to index
        %get3A_318 = arith.index_cast %add3A_236 : i32 to index
        %get3A_319 = arith.constant 48 : index
        %get3A_320 = tpu.vector_load %arg16[%get3A_317, %get3A_318, %get3A_319] {strides = array<i32>} : memref<2x128x64xf32, #tpu.memory_space<vmem>>, vector<1x1x16xf32>,
        %get3A_321 = vector.shape_cast %get3A_320 : vector<1x1x16xf32> to vector<16xf32>
        %get3A_322 = arith.constant 1 : i32
        %get3A_323 = arith.index_cast %get3A_322 : i32 to index
        %get3A_324 = arith.index_cast %add3A_236 : i32 to index
        %get3A_325 = arith.constant 48 : index
        %get3A_326 = tpu.vector_load %arg17[%get3A_323, %get3A_324, %get3A_325] {strides = array<i32>} : memref<2x128x64xf32, #tpu.memory_space<vmem>>, vector<1x1x16xf32>,
        %get3A_327 = vector.shape_cast %get3A_326 : vector<1x1x16xf32> to vector<16xf32>
        %add3A_328 = arith.addf %get3A_321, %get3A_327 : vector<16xf32>
        %get3A_329 = arith.constant 1 : i32
        %get3A_330 = arith.index_cast %get3A_329 : i32 to index
        %get3A_331 = arith.index_cast %add3A_236 : i32 to index
        %get3A_332 = arith.constant 48 : index
        %get3A_333 = tpu.vector_load %arg18[%get3A_330, %get3A_331, %get3A_332] {strides = array<i32>} : memref<2x128x64xf32, #tpu.memory_space<vmem>>, vector<1x1x16xf32>,
        %get3A_334 = vector.shape_cast %get3A_333 : vector<1x1x16xf32> to vector<16xf32>
        %add3A_335 = arith.addf %add3A_328, %get3A_334 : vector<16xf32>
        %swap3A_336 = arith.constant 1 : i32
        %swap3A_337 = arith.index_cast %swap3A_336 : i32 to index
        %swap3A_338 = arith.index_cast %add3A_236 : i32 to index
        %swap3A_339 = arith.constant 48 : index
        %swap3A_340 = tpu.vector_load %arg15[%swap3A_337, %swap3A_338, %swap3A_339] {strides = array<i32>} : memref<2x128x64xf32, #tpu.memory_space<vmem>>, vector<1x1x16xf32>,
        %swap3A_341 = vector.shape_cast %swap3A_340 : vector<1x1x16xf32> to vector<16xf32>
        %swap3A_342 = vector.shape_cast %add3A_335 : vector<16xf32> to vector<1x1x16xf32>
        tpu.vector_store %arg15[%swap3A_337, %swap3A_338, %swap3A_339], %swap3A_342 {add = true, strides = array<i32>} : memref<2x128x64xf32, #tpu.memory_space<vmem>>, vector<1x1x16xf32>,
        %mul3A_343 = arith.constant 8 : i32
        %mul3A_344 = arith.muli %scan3A_232, %mul3A_343 : i32
        %add3A_345 = arith.constant 1 : i32
        %add3A_346 = arith.addi %mul3A_344, %add3A_345 : i32
        %get3A_347 = arith.constant 1 : i32
        %get3A_348 = arith.index_cast %get3A_347 : i32 to index
        %get3A_349 = arith.index_cast %add3A_346 : i32 to index
        %get3A_350 = arith.constant 0 : index
        %get3A_351 = tpu.vector_load %arg16[%get3A_348, %get3A_349, %get3A_350] {strides = array<i32>} : memref<2x128x64xf32, #tpu.memory_space<vmem>>, vector<1x1x16xf32>,
        %get3A_352 = vector.shape_cast %get3A_351 : vector<1x1x16xf32> to vector<16xf32>
        %get3A_353 = arith.constant 1 : i32
        %get3A_354 = arith.index_cast %get3A_353 : i32 to index
        %get3A_355 = arith.index_cast %add3A_346 : i32 to index
        %get3A_356 = arith.constant 0 : index
        %get3A_357 = tpu.vector_load %arg17[%get3A_354, %get3A_355, %get3A_356] {strides = array<i32>} : memref<2x128x64xf32, #tpu.memory_space<vmem>>, vector<1x1x16xf32>,
        %get3A_358 = vector.shape_cast %get3A_357 : vector<1x1x16xf32> to vector<16xf32>
        %add3A_359 = arith.addf %get3A_352, %get3A_358 : vector<16xf32>
        %get3A_360 = arith.constant 1 : i32
        %get3A_361 = arith.index_cast %get3A_360 : i32 to index
        %get3A_362 = arith.index_cast %add3A_346 : i32 to index
        %get3A_363 = arith.constant 0 : index
        %get3A_364 = tpu.vector_load %arg18[%get3A_361, %get3A_362, %get3A_363] {strides = array<i32>} : memref<2x128x64xf32, #tpu.memory_space<vmem>>, vector<1x1x16xf32>,
        %get3A_365 = vector.shape_cast %get3A_364 : vector<1x1x16xf32> to vector<16xf32>
        %add3A_366 = arith.addf %add3A_359, %get3A_365 : vector<16xf32>
        %swap3A_367 = arith.constant 1 : i32
        %swap3A_368 = arith.index_cast %swap3A_367 : i32 to index
        %swap3A_369 = arith.index_cast %add3A_346 : i32 to index
        %swap3A_370 = arith.constant 0 : index
        %swap3A_371 = tpu.vector_load %arg15[%swap3A_368, %swap3A_369, %swap3A_370] {strides = array<i32>} : memref<2x128x64xf32, #tpu.memory_space<vmem>>, vector<1x1x16xf32>,
        %swap3A_372 = vector.shape_cast %swap3A_371 : vector<1x1x16xf32> to vector<16xf32>
        %swap3A_373 = vector.shape_cast %add3A_366 : vector<16xf32> to vector<1x1x16xf32>
        tpu.vector_store %arg15[%swap3A_368, %swap3A_369, %swap3A_370], %swap3A_373 {add = true, strides = array<i32>} : memref<2x128x64xf32, #tpu.memory_space<vmem>>, vector<1x1x16xf32>,
        %get3A_374 = arith.constant 1 : i32
        %get3A_375 = arith.index_cast %get3A_374 : i32 to index
        %get3A_376 = arith.index_cast %add3A_346 : i32 to index
        %get3A_377 = arith.constant 16 : index
        %get3A_378 = tpu.vector_load %arg16[%get3A_375, %get3A_376, %get3A_377] {strides = array<i32>} : memref<2x128x64xf32, #tpu.memory_space<vmem>>, vector<1x1x16xf32>,
        %get3A_379 = vector.shape_cast %get3A_378 : vector<1x1x16xf32> to vector<16xf32>
        %get3A_380 = arith.constant 1 : i32
        %get3A_381 = arith.index_cast %get3A_380 : i32 to index
        %get3A_382 = arith.index_cast %add3A_346 : i32 to index
        %get3A_383 = arith.constant 16 : index
        %get3A_384 = tpu.vector_load %arg17[%get3A_381, %get3A_382, %get3A_383] {strides = array<i32>} : memref<2x128x64xf32, #tpu.memory_space<vmem>>, vector<1x1x16xf32>,
        %get3A_385 = vector.shape_cast %get3A_384 : vector<1x1x16xf32> to vector<16xf32>
        %add3A_386 = arith.addf %get3A_379, %get3A_385 : vector<16xf32>
        %get3A_387 = arith.constant 1 : i32
        %get3A_388 = arith.index_cast %get3A_387 : i32 to index
        %get3A_389 = arith.index_cast %add3A_346 : i32 to index
        %get3A_390 = arith.constant 16 : index
        %get3A_391 = tpu.vector_load %arg18[%get3A_388, %get3A_389, %get3A_390] {strides = array<i32>} : memref<2x128x64xf32, #tpu.memory_space<vmem>>, vector<1x1x16xf32>,
        %get3A_392 = vector.shape_cast %get3A_391 : vector<1x1x16xf32> to vector<16xf32>
        %add3A_393 = arith.addf %add3A_386, %get3A_392 : vector<16xf32>
        %swap3A_394 = arith.constant 1 : i32
        %swap3A_395 = arith.index_cast %swap3A_394 : i32 to index
        %swap3A_396 = arith.index_cast %add3A_346 : i32 to index
        %swap3A_397 = arith.constant 16 : index
        %swap3A_398 = tpu.vector_load %arg15[%swap3A_395, %swap3A_396, %swap3A_397] {strides = array<i32>} : memref<2x128x64xf32, #tpu.memory_space<vmem>>, vector<1x1x16xf32>,
        %swap3A_399 = vector.shape_cast %swap3A_398 : vector<1x1x16xf32> to vector<16xf32>
        %swap3A_400 = vector.shape_cast %add3A_393 : vector<16xf32> to vector<1x1x16xf32>
        tpu.vector_store %arg15[%swap3A_395, %swap3A_396, %swap3A_397], %swap3A_400 {add = true, strides = array<i32>} : memref<2x128x64xf32, #tpu.memory_space<vmem>>, vector<1x1x16xf32>,
        %get3A_401 = arith.constant 1 : i32
        %get3A_402 = arith.index_cast %get3A_401 : i32 to index
        %get3A_403 = arith.index_cast %add3A_346 : i32 to index
        %get3A_404 = arith.constant 32 : index
        %get3A_405 = tpu.vector_load %arg16[%get3A_402, %get3A_403, %get3A_404] {strides = array<i32>} : memref<2x128x64xf32, #tpu.memory_space<vmem>>, vector<1x1x16xf32>,
        %get3A_406 = vector.shape_cast %get3A_405 : vector<1x1x16xf32> to vector<16xf32>
        %get3A_407 = arith.constant 1 : i32
        %get3A_408 = arith.index_cast %get3A_407 : i32 to index
        %get3A_409 = arith.index_cast %add3A_346 : i32 to index
        %get3A_410 = arith.constant 32 : index
        %get3A_411 = tpu.vector_load %arg17[%get3A_408, %get3A_409, %get3A_410] {strides = array<i32>} : memref<2x128x64xf32, #tpu.memory_space<vmem>>, vector<1x1x16xf32>,
        %get3A_412 = vector.shape_cast %get3A_411 : vector<1x1x16xf32> to vector<16xf32>
        %add3A_413 = arith.addf %get3A_406, %get3A_412 : vector<16xf32>
        %get3A_414 = arith.constant 1 : i32
        %get3A_415 = arith.index_cast %get3A_414 : i32 to index
        %get3A_416 = arith.index_cast %add3A_346 : i32 to index
        %get3A_417 = arith.constant 32 : index
        %get3A_418 = tpu.vector_load %arg18[%get3A_415, %get3A_416, %get3A_417] {strides = array<i32>} : memref<2x128x64xf32, #tpu.memory_space<vmem>>, vector<1x1x16xf32>,
        %get3A_419 = vector.shape_cast %get3A_418 : vector<1x1x16xf32> to vector<16xf32>
        %add3A_420 = arith.addf %add3A_413, %get3A_419 : vector<16xf32>
        %swap3A_421 = arith.constant 1 : i32
        %swap3A_422 = arith.index_cast %swap3A_421 : i32 to index
        %swap3A_423 = arith.index_cast %add3A_346 : i32 to index
        %swap3A_424 = arith.constant 32 : index
        %swap3A_425 = tpu.vector_load %arg15[%swap3A_422, %swap3A_423, %swap3A_424] {strides = array<i32>} : memref<2x128x64xf32, #tpu.memory_space<vmem>>, vector<1x1x16xf32>,
        %swap3A_426 = vector.shape_cast %swap3A_425 : vector<1x1x16xf32> to vector<16xf32>
        %swap3A_427 = vector.shape_cast %add3A_420 : vector<16xf32> to vector<1x1x16xf32>
        tpu.vector_store %arg15[%swap3A_422, %swap3A_423, %swap3A_424], %swap3A_427 {add = true, strides = array<i32>} : memref<2x128x64xf32, #tpu.memory_space<vmem>>, vector<1x1x16xf32>,
        %get3A_428 = arith.constant 1 : i32
        %get3A_429 = arith.index_cast %get3A_428 : i32 to index
        %get3A_430 = arith.index_cast %add3A_346 : i32 to index
        %get3A_431 = arith.constant 48 : index
        %get3A_432 = tpu.vector_load %arg16[%get3A_429, %get3A_430, %get3A_431] {strides = array<i32>} : memref<2x128x64xf32, #tpu.memory_space<vmem>>, vector<1x1x16xf32>,
        %get3A_433 = vector.shape_cast %get3A_432 : vector<1x1x16xf32> to vector<16xf32>
        %get3A_434 = arith.constant 1 : i32
        %get3A_435 = arith.index_cast %get3A_434 : i32 to index
        %get3A_436 = arith.index_cast %add3A_346 : i32 to index
        %get3A_437 = arith.constant 48 : index
        %get3A_438 = tpu.vector_load %arg17[%get3A_435, %get3A_436, %get3A_437] {strides = array<i32>} : memref<2x128x64xf32, #tpu.memory_space<vmem>>, vector<1x1x16xf32>,
        %get3A_439 = vector.shape_cast %get3A_438 : vector<1x1x16xf32> to vector<16xf32>
        %add3A_440 = arith.addf %get3A_433, %get3A_439 : vector<16xf32>
        %get3A_441 = arith.constant 1 : i32
        %get3A_442 = arith.index_cast %get3A_441 : i32 to index
        %get3A_443 = arith.index_cast %add3A_346 : i32 to index
        %get3A_444 = arith.constant 48 : index
        %get3A_445 = tpu.vector_load %arg18[%get3A_442, %get3A_443, %get3A_444] {strides = array<i32>} : memref<2x128x64xf32, #tpu.memory_space<vmem>>, vector<1x1x16xf32>,
        %get3A_446 = vector.shape_cast %get3A_445 : vector<1x1x16xf32> to vector<16xf32>
        %add3A_447 = arith.addf %add3A_440, %get3A_446 : vector<16xf32>
        %swap3A_448 = arith.constant 1 : i32
        %swap3A_449 = arith.index_cast %swap3A_448 : i32 to index
        %swap3A_450 = arith.index_cast %add3A_346 : i32 to index
        %swap3A_451 = arith.constant 48 : index
        %swap3A_452 = tpu.vector_load %arg15[%swap3A_449, %swap3A_450, %swap3A_451] {strides = array<i32>} : memref<2x128x64xf32, #tpu.memory_space<vmem>>, vector<1x1x16xf32>,
        %swap3A_453 = vector.shape_cast %swap3A_452 : vector<1x1x16xf32> to vector<16xf32>
        %swap3A_454 = vector.shape_cast %add3A_447 : vector<16xf32> to vector<1x1x16xf32>
        tpu.vector_store %arg15[%swap3A_449, %swap3A_450, %swap3A_451], %swap3A_454 {add = true, strides = array<i32>} : memref<2x128x64xf32, #tpu.memory_space<vmem>>, vector<1x1x16xf32>,
        %mul3A_455 = arith.constant 8 : i32
        %mul3A_456 = arith.muli %scan3A_232, %mul3A_455 : i32
        %add3A_457 = arith.constant 2 : i32
        %add3A_458 = arith.addi %mul3A_456, %add3A_457 : i32
        %get3A_459 = arith.constant 1 : i32
        %get3A_460 = arith.index_cast %get3A_459 : i32 to index
        %get3A_461 = arith.index_cast %add3A_458 : i32 to index
        %get3A_462 = arith.constant 0 : index
        %get3A_463 = tpu.vector_load %arg16[%get3A_460, %get3A_461, %get3A_462] {strides = array<i32>} : memref<2x128x64xf32, #tpu.memory_space<vmem>>, vector<1x1x16xf32>,
        %get3A_464 = vector.shape_cast %get3A_463 : vector<1x1x16xf32> to vector<16xf32>
        %get3A_465 = arith.constant 1 : i32
        %get3A_466 = arith.index_cast %get3A_465 : i32 to index
        %get3A_467 = arith.index_cast %add3A_458 : i32 to index
        %get3A_468 = arith.constant 0 : index
        %get3A_469 = tpu.vector_load %arg17[%get3A_466, %get3A_467, %get3A_468] {strides = array<i32>} : memref<2x128x64xf32, #tpu.memory_space<vmem>>, vector<1x1x16xf32>,
        %get3A_470 = vector.shape_cast %get3A_469 : vector<1x1x16xf32> to vector<16xf32>
        %add3A_471 = arith.addf %get3A_464, %get3A_470 : vector<16xf32>
        %get3A_472 = arith.constant 1 : i32
        %get3A_473 = arith.index_cast %get3A_472 : i32 to index
        %get3A_474 = arith.index_cast %add3A_458 : i32 to index
        %get3A_475 = arith.constant 0 : index
        %get3A_476 = tpu.vector_load %arg18[%get3A_473, %get3A_474, %get3A_475] {strides = array<i32>} : memref<2x128x64xf32, #tpu.memory_space<vmem>>, vector<1x1x16xf32>,
        %get3A_477 = vector.shape_cast %get3A_476 : vector<1x1x16xf32> to vector<16xf32>
        %add3A_478 = arith.addf %add3A_471, %get3A_477 : vector<16xf32>
        %swap3A_479 = arith.constant 1 : i32
        %swap3A_480 = arith.index_cast %swap3A_479 : i32 to index
        %swap3A_481 = arith.index_cast %add3A_458 : i32 to index
        %swap3A_482 = arith.constant 0 : index
        %swap3A_483 = tpu.vector_load %arg15[%swap3A_480, %swap3A_481, %swap3A_482] {strides = array<i32>} : memref<2x128x64xf32, #tpu.memory_space<vmem>>, vector<1x1x16xf32>,
        %swap3A_484 = vector.shape_cast %swap3A_483 : vector<1x1x16xf32> to vector<16xf32>
        %swap3A_485 = vector.shape_cast %add3A_478 : vector<16xf32> to vector<1x1x16xf32>
        tpu.vector_store %arg15[%swap3A_480, %swap3A_481, %swap3A_482], %swap3A_485 {add = true, strides = array<i32>} : memref<2x128x64xf32, #tpu.memory_space<vmem>>, vector<1x1x16xf32>,
        %get3A_486 = arith.constant 1 : i32
        %get3A_487 = arith.index_cast %get3A_486 : i32 to index
        %get3A_488 = arith.index_cast %add3A_458 : i32 to index
        %get3A_489 = arith.constant 16 : index
        %get3A_490 = tpu.vector_load %arg16[%get3A_487, %get3A_488, %get3A_489] {strides = array<i32>} : memref<2x128x64xf32, #tpu.memory_space<vmem>>, vector<1x1x16xf32>,
        %get3A_491 = vector.shape_cast %get3A_490 : vector<1x1x16xf32> to vector<16xf32>
        %get3A_492 = arith.constant 1 : i32
        %get3A_493 = arith.index_cast %get3A_492 : i32 to index
        %get3A_494 = arith.index_cast %add3A_458 : i32 to index
        %get3A_495 = arith.constant 16 : index
        %get3A_496 = tpu.vector_load %arg17[%get3A_493, %get3A_494, %get3A_495] {strides = array<i32>} : memref<2x128x64xf32, #tpu.memory_space<vmem>>, vector<1x1x16xf32>,
        %get3A_497 = vector.shape_cast %get3A_496 : vector<1x1x16xf32> to vector<16xf32>
        %add3A_498 = arith.addf %get3A_491, %get3A_497 : vector<16xf32>
        %get3A_499 = arith.constant 1 : i32
        %get3A_500 = arith.index_cast %get3A_499 : i32 to index
        %get3A_501 = arith.index_cast %add3A_458 : i32 to index
        %get3A_502 = arith.constant 16 : index
        %get3A_503 = tpu.vector_load %arg18[%get3A_500, %get3A_501, %get3A_502] {strides = array<i32>} : memref<2x128x64xf32, #tpu.memory_space<vmem>>, vector<1x1x16xf32>,
        %get3A_504 = vector.shape_cast %get3A_503 : vector<1x1x16xf32> to vector<16xf32>
        %add3A_505 = arith.addf %add3A_498, %get3A_504 : vector<16xf32>
        %swap3A_506 = arith.constant 1 : i32
        %swap3A_507 = arith.index_cast %swap3A_506 : i32 to index
        %swap3A_508 = arith.index_cast %add3A_458 : i32 to index
        %swap3A_509 = arith.constant 16 : index
        %swap3A_510 = tpu.vector_load %arg15[%swap3A_507, %swap3A_508, %swap3A_509] {strides = array<i32>} : memref<2x128x64xf32, #tpu.memory_space<vmem>>, vector<1x1x16xf32>,
        %swap3A_511 = vector.shape_cast %swap3A_510 : vector<1x1x16xf32> to vector<16xf32>
        %swap3A_512 = vector.shape_cast %add3A_505 : vector<16xf32> to vector<1x1x16xf32>
        tpu.vector_store %arg15[%swap3A_507, %swap3A_508, %swap3A_509], %swap3A_512 {add = true, strides = array<i32>} : memref<2x128x64xf32, #tpu.memory_space<vmem>>, vector<1x1x16xf32>,
        %get3A_513 = arith.constant 1 : i32
        %get3A_514 = arith.index_cast %get3A_513 : i32 to index
        %get3A_515 = arith.index_cast %add3A_458 : i32 to index
        %get3A_516 = arith.constant 32 : index
        %get3A_517 = tpu.vector_load %arg16[%get3A_514, %get3A_515, %get3A_516] {strides = array<i32>} : memref<2x128x64xf32, #tpu.memory_space<vmem>>, vector<1x1x16xf32>,
        %get3A_518 = vector.shape_cast %get3A_517 : vector<1x1x16xf32> to vector<16xf32>
        %get3A_519 = arith.constant 1 : i32
        %get3A_520 = arith.index_cast %get3A_519 : i32 to index
        %get3A_521 = arith.index_cast %add3A_458 : i32 to index
        %get3A_522 = arith.constant 32 : index
        %get3A_523 = tpu.vector_load %arg17[%get3A_520, %get3A_521, %get3A_522] {strides = array<i32>} : memref<2x128x64xf32, #tpu.memory_space<vmem>>, vector<1x1x16xf32>,
        %get3A_524 = vector.shape_cast %get3A_523 : vector<1x1x16xf32> to vector<16xf32>
        %add3A_525 = arith.addf %get3A_518, %get3A_524 : vector<16xf32>
        %get3A_526 = arith.constant 1 : i32
        %get3A_527 = arith.index_cast %get3A_526 : i32 to index
        %get3A_528 = arith.index_cast %add3A_458 : i32 to index
        %get3A_529 = arith.constant 32 : index
        %get3A_530 = tpu.vector_load %arg18[%get3A_527, %get3A_528, %get3A_529] {strides = array<i32>} : memref<2x128x64xf32, #tpu.memory_space<vmem>>, vector<1x1x16xf32>,
        %get3A_531 = vector.shape_cast %get3A_530 : vector<1x1x16xf32> to vector<16xf32>
        %add3A_532 = arith.addf %add3A_525, %get3A_531 : vector<16xf32>
        %swap3A_533 = arith.constant 1 : i32
        %swap3A_534 = arith.index_cast %swap3A_533 : i32 to index
        %swap3A_535 = arith.index_cast %add3A_458 : i32 to index
        %swap3A_536 = arith.constant 32 : index
        %swap3A_537 = tpu.vector_load %arg15[%swap3A_534, %swap3A_535, %swap3A_536] {strides = array<i32>} : memref<2x128x64xf32, #tpu.memory_space<vmem>>, vector<1x1x16xf32>,
        %swap3A_538 = vector.shape_cast %swap3A_537 : vector<1x1x16xf32> to vector<16xf32>
        %swap3A_539 = vector.shape_cast %add3A_532 : vector<16xf32> to vector<1x1x16xf32>
        tpu.vector_store %arg15[%swap3A_534, %swap3A_535, %swap3A_536], %swap3A_539 {add = true, strides = array<i32>} : memref<2x128x64xf32, #tpu.memory_space<vmem>>, vector<1x1x16xf32>,
        %get3A_540 = arith.constant 1 : i32
        %get3A_541 = arith.index_cast %get3A_540 : i32 to index
        %get3A_542 = arith.index_cast %add3A_458 : i32 to index
        %get3A_543 = arith.constant 48 : index
        %get3A_544 = tpu.vector_load %arg16[%get3A_541, %get3A_542, %get3A_543] {strides = array<i32>} : memref<2x128x64xf32, #tpu.memory_space<vmem>>, vector<1x1x16xf32>,
        %get3A_545 = vector.shape_cast %get3A_544 : vector<1x1x16xf32> to vector<16xf32>
        %get3A_546 = arith.constant 1 : i32
        %get3A_547 = arith.index_cast %get3A_546 : i32 to index
        %get3A_548 = arith.index_cast %add3A_458 : i32 to index
        %get3A_549 = arith.constant 48 : index
        %get3A_550 = tpu.vector_load %arg17[%get3A_547, %get3A_548, %get3A_549] {strides = array<i32>} : memref<2x128x64xf32, #tpu.memory_space<vmem>>, vector<1x1x16xf32>,
        %get3A_551 = vector.shape_cast %get3A_550 : vector<1x1x16xf32> to vector<16xf32>
        %add3A_552 = arith.addf %get3A_545, %get3A_551 : vector<16xf32>
        %get3A_553 = arith.constant 1 : i32
        %get3A_554 = arith.index_cast %get3A_553 : i32 to index
        %get3A_555 = arith.index_cast %add3A_458 : i32 to index
        %get3A_556 = arith.constant 48 : index
        %get3A_557 = tpu.vector_load %arg18[%get3A_554, %get3A_555, %get3A_556] {strides = array<i32>} : memref<2x128x64xf32, #tpu.memory_space<vmem>>, vector<1x1x16xf32>,
        %get3A_558 = vector.shape_cast %get3A_557 : vector<1x1x16xf32> to vector<16xf32>
        %add3A_559 = arith.addf %add3A_552, %get3A_558 : vector<16xf32>
        %swap3A_560 = arith.constant 1 : i32
        %swap3A_561 = arith.index_cast %swap3A_560 : i32 to index
        %swap3A_562 = arith.index_cast %add3A_458 : i32 to index
        %swap3A_563 = arith.constant 48 : index
        %swap3A_564 = tpu.vector_load %arg15[%swap3A_561, %swap3A_562, %swap3A_563] {strides = array<i32>} : memref<2x128x64xf32, #tpu.memory_space<vmem>>, vector<1x1x16xf32>,
        %swap3A_565 = vector.shape_cast %swap3A_564 : vector<1x1x16xf32> to vector<16xf32>
        %swap3A_566 = vector.shape_cast %add3A_559 : vector<16xf32> to vector<1x1x16xf32>
        tpu.vector_store %arg15[%swap3A_561, %swap3A_562, %swap3A_563], %swap3A_566 {add = true, strides = array<i32>} : memref<2x128x64xf32, #tpu.memory_space<vmem>>, vector<1x1x16xf32>,
        %mul3A_567 = arith.constant 8 : i32
        %mul3A_568 = arith.muli %scan3A_232, %mul3A_567 : i32
        %add3A_569 = arith.constant 3 : i32
        %add3A_570 = arith.addi %mul3A_568, %add3A_569 : i32
        %get3A_571 = arith.constant 1 : i32
        %get3A_572 = arith.index_cast %get3A_571 : i32 to index
        %get3A_573 = arith.index_cast %add3A_570 : i32 to index
        %get3A_574 = arith.constant 0 : index
        %get3A_575 = tpu.vector_load %arg16[%get3A_572, %get3A_573, %get3A_574] {strides = array<i32>} : memref<2x128x64xf32, #tpu.memory_space<vmem>>, vector<1x1x16xf32>,
        %get3A_576 = vector.shape_cast %get3A_575 : vector<1x1x16xf32> to vector<16xf32>
        %get3A_577 = arith.constant 1 : i32
        %get3A_578 = arith.index_cast %get3A_577 : i32 to index
        %get3A_579 = arith.index_cast %add3A_570 : i32 to index
        %get3A_580 = arith.constant 0 : index
        %get3A_581 = tpu.vector_load %arg17[%get3A_578, %get3A_579, %get3A_580] {strides = array<i32>} : memref<2x128x64xf32, #tpu.memory_space<vmem>>, vector<1x1x16xf32>,
        %get3A_582 = vector.shape_cast %get3A_581 : vector<1x1x16xf32> to vector<16xf32>
        %add3A_583 = arith.addf %get3A_576, %get3A_582 : vector<16xf32>
        %get3A_584 = arith.constant 1 : i32
        %get3A_585 = arith.index_cast %get3A_584 : i32 to index
        %get3A_586 = arith.index_cast %add3A_570 : i32 to index
        %get3A_587 = arith.constant 0 : index
        %get3A_588 = tpu.vector_load %arg18[%get3A_585, %get3A_586, %get3A_587] {strides = array<i32>} : memref<2x128x64xf32, #tpu.memory_space<vmem>>, vector<1x1x16xf32>,
        %get3A_589 = vector.shape_cast %get3A_588 : vector<1x1x16xf32> to vector<16xf32>
        %add3A_590 = arith.addf %add3A_583, %get3A_589 : vector<16xf32>
        %swap3A_591 = arith.constant 1 : i32
        %swap3A_592 = arith.index_cast %swap3A_591 : i32 to index
        %swap3A_593 = arith.index_cast %add3A_570 : i32 to index
        %swap3A_594 = arith.constant 0 : index
        %swap3A_595 = tpu.vector_load %arg15[%swap3A_592, %swap3A_593, %swap3A_594] {strides = array<i32>} : memref<2x128x64xf32, #tpu.memory_space<vmem>>, vector<1x1x16xf32>,
        %swap3A_596 = vector.shape_cast %swap3A_595 : vector<1x1x16xf32> to vector<16xf32>
        %swap3A_597 = vector.shape_cast %add3A_590 : vector<16xf32> to vector<1x1x16xf32>
        tpu.vector_store %arg15[%swap3A_592, %swap3A_593, %swap3A_594], %swap3A_597 {add = true, strides = array<i32>} : memref<2x128x64xf32, #tpu.memory_space<vmem>>, vector<1x1x16xf32>,
        %get3A_598 = arith.constant 1 : i32
        %get3A_599 = arith.index_cast %get3A_598 : i32 to index
        %get3A_600 = arith.index_cast %add3A_570 : i32 to index
        %get3A_601 = arith.constant 16 : index
        %get3A_602 = tpu.vector_load %arg16[%get3A_599, %get3A_600, %get3A_601] {strides = array<i32>} : memref<2x128x64xf32, #tpu.memory_space<vmem>>, vector<1x1x16xf32>,
        %get3A_603 = vector.shape_cast %get3A_602 : vector<1x1x16xf32> to vector<16xf32>
        %get3A_604 = arith.constant 1 : i32
        %get3A_605 = arith.index_cast %get3A_604 : i32 to index
        %get3A_606 = arith.index_cast %add3A_570 : i32 to index
        %get3A_607 = arith.constant 16 : index
        %get3A_608 = tpu.vector_load %arg17[%get3A_605, %get3A_606, %get3A_607] {strides = array<i32>} : memref<2x128x64xf32, #tpu.memory_space<vmem>>, vector<1x1x16xf32>,
        %get3A_609 = vector.shape_cast %get3A_608 : vector<1x1x16xf32> to vector<16xf32>
        %add3A_610 = arith.addf %get3A_603, %get3A_609 : vector<16xf32>
        %get3A_611 = arith.constant 1 : i32
        %get3A_612 = arith.index_cast %get3A_611 : i32 to index
        %get3A_613 = arith.index_cast %add3A_570 : i32 to index
        %get3A_614 = arith.constant 16 : index
        %get3A_615 = tpu.vector_load %arg18[%get3A_612, %get3A_613, %get3A_614] {strides = array<i32>} : memref<2x128x64xf32, #tpu.memory_space<vmem>>, vector<1x1x16xf32>,
        %get3A_616 = vector.shape_cast %get3A_615 : vector<1x1x16xf32> to vector<16xf32>
        %add3A_617 = arith.addf %add3A_610, %get3A_616 : vector<16xf32>
        %swap3A_618 = arith.constant 1 : i32
        %swap3A_619 = arith.index_cast %swap3A_618 : i32 to index
        %swap3A_620 = arith.index_cast %add3A_570 : i32 to index
        %swap3A_621 = arith.constant 16 : index
        %swap3A_622 = tpu.vector_load %arg15[%swap3A_619, %swap3A_620, %swap3A_621] {strides = array<i32>} : memref<2x128x64xf32, #tpu.memory_space<vmem>>, vector<1x1x16xf32>,
        %swap3A_623 = vector.shape_cast %swap3A_622 : vector<1x1x16xf32> to vector<16xf32>
        %swap3A_624 = vector.shape_cast %add3A_617 : vector<16xf32> to vector<1x1x16xf32>
        tpu.vector_store %arg15[%swap3A_619, %swap3A_620, %swap3A_621], %swap3A_624 {add = true, strides = array<i32>} : memref<2x128x64xf32, #tpu.memory_space<vmem>>, vector<1x1x16xf32>,
        %get3A_625 = arith.constant 1 : i32
        %get3A_626 = arith.index_cast %get3A_625 : i32 to index
        %get3A_627 = arith.index_cast %add3A_570 : i32 to index
        %get3A_628 = arith.constant 32 : index
        %get3A_629 = tpu.vector_load %arg16[%get3A_626, %get3A_627, %get3A_628] {strides = array<i32>} : memref<2x128x64xf32, #tpu.memory_space<vmem>>, vector<1x1x16xf32>,
        %get3A_630 = vector.shape_cast %get3A_629 : vector<1x1x16xf32> to vector<16xf32>
        %get3A_631 = arith.constant 1 : i32
        %get3A_632 = arith.index_cast %get3A_631 : i32 to index
        %get3A_633 = arith.index_cast %add3A_570 : i32 to index
        %get3A_634 = arith.constant 32 : index
        %get3A_635 = tpu.vector_load %arg17[%get3A_632, %get3A_633, %get3A_634] {strides = array<i32>} : memref<2x128x64xf32, #tpu.memory_space<vmem>>, vector<1x1x16xf32>,
        %get3A_636 = vector.shape_cast %get3A_635 : vector<1x1x16xf32> to vector<16xf32>
        %add3A_637 = arith.addf %get3A_630, %get3A_636 : vector<16xf32>
        %get3A_638 = arith.constant 1 : i32
        %get3A_639 = arith.index_cast %get3A_638 : i32 to index
        %get3A_640 = arith.index_cast %add3A_570 : i32 to index
        %get3A_641 = arith.constant 32 : index
        %get3A_642 = tpu.vector_load %arg18[%get3A_639, %get3A_640, %get3A_641] {strides = array<i32>} : memref<2x128x64xf32, #tpu.memory_space<vmem>>, vector<1x1x16xf32>,
        %get3A_643 = vector.shape_cast %get3A_642 : vector<1x1x16xf32> to vector<16xf32>
        %add3A_644 = arith.addf %add3A_637, %get3A_643 : vector<16xf32>
        %swap3A_645 = arith.constant 1 : i32
        %swap3A_646 = arith.index_cast %swap3A_645 : i32 to index
        %swap3A_647 = arith.index_cast %add3A_570 : i32 to index
        %swap3A_648 = arith.constant 32 : index
        %swap3A_649 = tpu.vector_load %arg15[%swap3A_646, %swap3A_647, %swap3A_648] {strides = array<i32>} : memref<2x128x64xf32, #tpu.memory_space<vmem>>, vector<1x1x16xf32>,
        %swap3A_650 = vector.shape_cast %swap3A_649 : vector<1x1x16xf32> to vector<16xf32>
        %swap3A_651 = vector.shape_cast %add3A_644 : vector<16xf32> to vector<1x1x16xf32>
        tpu.vector_store %arg15[%swap3A_646, %swap3A_647, %swap3A_648], %swap3A_651 {add = true, strides = array<i32>} : memref<2x128x64xf32, #tpu.memory_space<vmem>>, vector<1x1x16xf32>,
        %get3A_652 = arith.constant 1 : i32
        %get3A_653 = arith.index_cast %get3A_652 : i32 to index
        %get3A_654 = arith.index_cast %add3A_570 : i32 to index
        %get3A_655 = arith.constant 48 : index
        %get3A_656 = tpu.vector_load %arg16[%get3A_653, %get3A_654, %get3A_655] {strides = array<i32>} : memref<2x128x64xf32, #tpu.memory_space<vmem>>, vector<1x1x16xf32>,
        %get3A_657 = vector.shape_cast %get3A_656 : vector<1x1x16xf32> to vector<16xf32>
        %get3A_658 = arith.constant 1 : i32
        %get3A_659 = arith.index_cast %get3A_658 : i32 to index
        %get3A_660 = arith.index_cast %add3A_570 : i32 to index
        %get3A_661 = arith.constant 48 : index
        %get3A_662 = tpu.vector_load %arg17[%get3A_659, %get3A_660, %get3A_661] {strides = array<i32>} : memref<2x128x64xf32, #tpu.memory_space<vmem>>, vector<1x1x16xf32>,
        %get3A_663 = vector.shape_cast %get3A_662 : vector<1x1x16xf32> to vector<16xf32>
        %add3A_664 = arith.addf %get3A_657, %get3A_663 : vector<16xf32>
        %get3A_665 = arith.constant 1 : i32
        %get3A_666 = arith.index_cast %get3A_665 : i32 to index
        %get3A_667 = arith.index_cast %add3A_570 : i32 to index
        %get3A_668 = arith.constant 48 : index
        %get3A_669 = tpu.vector_load %arg18[%get3A_666, %get3A_667, %get3A_668] {strides = array<i32>} : memref<2x128x64xf32, #tpu.memory_space<vmem>>, vector<1x1x16xf32>,
        %get3A_670 = vector.shape_cast %get3A_669 : vector<1x1x16xf32> to vector<16xf32>
        %add3A_671 = arith.addf %add3A_664, %get3A_670 : vector<16xf32>
        %swap3A_672 = arith.constant 1 : i32
        %swap3A_673 = arith.index_cast %swap3A_672 : i32 to index
        %swap3A_674 = arith.index_cast %add3A_570 : i32 to index
        %swap3A_675 = arith.constant 48 : index
        %swap3A_676 = tpu.vector_load %arg15[%swap3A_673, %swap3A_674, %swap3A_675] {strides = array<i32>} : memref<2x128x64xf32, #tpu.memory_space<vmem>>, vector<1x1x16xf32>,
        %swap3A_677 = vector.shape_cast %swap3A_676 : vector<1x1x16xf32> to vector<16xf32>
        %swap3A_678 = vector.shape_cast %add3A_671 : vector<16xf32> to vector<1x1x16xf32>
        tpu.vector_store %arg15[%swap3A_673, %swap3A_674, %swap3A_675], %swap3A_678 {add = true, strides = array<i32>} : memref<2x128x64xf32, #tpu.memory_space<vmem>>, vector<1x1x16xf32>,
        %mul3A_679 = arith.constant 8 : i32
        %mul3A_680 = arith.muli %scan3A_232, %mul3A_679 : i32
        %add3A_681 = arith.constant 4 : i32
        %add3A_682 = arith.addi %mul3A_680, %add3A_681 : i32
        %get3A_683 = arith.constant 1 : i32
        %get3A_684 = arith.index_cast %get3A_683 : i32 to index
        %get3A_685 = arith.index_cast %add3A_682 : i32 to index
        %get3A_686 = arith.constant 0 : index
        %get3A_687 = tpu.vector_load %arg16[%get3A_684, %get3A_685, %get3A_686] {strides = array<i32>} : memref<2x128x64xf32, #tpu.memory_space<vmem>>, vector<1x1x16xf32>,
        %get3A_688 = vector.shape_cast %get3A_687 : vector<1x1x16xf32> to vector<16xf32>
        %get3A_689 = arith.constant 1 : i32
        %get3A_690 = arith.index_cast %get3A_689 : i32 to index
        %get3A_691 = arith.index_cast %add3A_682 : i32 to index
        %get3A_692 = arith.constant 0 : index
        %get3A_693 = tpu.vector_load %arg17[%get3A_690, %get3A_691, %get3A_692] {strides = array<i32>} : memref<2x128x64xf32, #tpu.memory_space<vmem>>, vector<1x1x16xf32>,
        %get3A_694 = vector.shape_cast %get3A_693 : vector<1x1x16xf32> to vector<16xf32>
        %add3A_695 = arith.addf %get3A_688, %get3A_694 : vector<16xf32>
        %get3A_696 = arith.constant 1 : i32
        %get3A_697 = arith.index_cast %get3A_696 : i32 to index
        %get3A_698 = arith.index_cast %add3A_682 : i32 to index
        %get3A_699 = arith.constant 0 : index
        %get3A_700 = tpu.vector_load %arg18[%get3A_697, %get3A_698, %get3A_699] {strides = array<i32>} : memref<2x128x64xf32, #tpu.memory_space<vmem>>, vector<1x1x16xf32>,
        %get3A_701 = vector.shape_cast %get3A_700 : vector<1x1x16xf32> to vector<16xf32>
        %add3A_702 = arith.addf %add3A_695, %get3A_701 : vector<16xf32>
        %swap3A_703 = arith.constant 1 : i32
        %swap3A_704 = arith.index_cast %swap3A_703 : i32 to index
        %swap3A_705 = arith.index_cast %add3A_682 : i32 to index
        %swap3A_706 = arith.constant 0 : index
        %swap3A_707 = tpu.vector_load %arg15[%swap3A_704, %swap3A_705, %swap3A_706] {strides = array<i32>} : memref<2x128x64xf32, #tpu.memory_space<vmem>>, vector<1x1x16xf32>,
        %swap3A_708 = vector.shape_cast %swap3A_707 : vector<1x1x16xf32> to vector<16xf32>
        %swap3A_709 = vector.shape_cast %add3A_702 : vector<16xf32> to vector<1x1x16xf32>
        tpu.vector_store %arg15[%swap3A_704, %swap3A_705, %swap3A_706], %swap3A_709 {add = true, strides = array<i32>} : memref<2x128x64xf32, #tpu.memory_space<vmem>>, vector<1x1x16xf32>,
        %get3A_710 = arith.constant 1 : i32
        %get3A_711 = arith.index_cast %get3A_710 : i32 to index
        %get3A_712 = arith.index_cast %add3A_682 : i32 to index
        %get3A_713 = arith.constant 16 : index
        %get3A_714 = tpu.vector_load %arg16[%get3A_711, %get3A_712, %get3A_713] {strides = array<i32>} : memref<2x128x64xf32, #tpu.memory_space<vmem>>, vector<1x1x16xf32>,
        %get3A_715 = vector.shape_cast %get3A_714 : vector<1x1x16xf32> to vector<16xf32>
        %get3A_716 = arith.constant 1 : i32
        %get3A_717 = arith.index_cast %get3A_716 : i32 to index
        %get3A_718 = arith.index_cast %add3A_682 : i32 to index
        %get3A_719 = arith.constant 16 : index
        %get3A_720 = tpu.vector_load %arg17[%get3A_717, %get3A_718, %get3A_719] {strides = array<i32>} : memref<2x128x64xf32, #tpu.memory_space<vmem>>, vector<1x1x16xf32>,
        %get3A_721 = vector.shape_cast %get3A_720 : vector<1x1x16xf32> to vector<16xf32>
        %add3A_722 = arith.addf %get3A_715, %get3A_721 : vector<16xf32>
        %get3A_723 = arith.constant 1 : i32
        %get3A_724 = arith.index_cast %get3A_723 : i32 to index
        %get3A_725 = arith.index_cast %add3A_682 : i32 to index
        %get3A_726 = arith.constant 16 : index
        %get3A_727 = tpu.vector_load %arg18[%get3A_724, %get3A_725, %get3A_726] {strides = array<i32>} : memref<2x128x64xf32, #tpu.memory_space<vmem>>, vector<1x1x16xf32>,
        %get3A_728 = vector.shape_cast %get3A_727 : vector<1x1x16xf32> to vector<16xf32>
        %add3A_729 = arith.addf %add3A_722, %get3A_728 : vector<16xf32>
        %swap3A_730 = arith.constant 1 : i32
        %swap3A_731 = arith.index_cast %swap3A_730 : i32 to index
        %swap3A_732 = arith.index_cast %add3A_682 : i32 to index
        %swap3A_733 = arith.constant 16 : index
        %swap3A_734 = tpu.vector_load %arg15[%swap3A_731, %swap3A_732, %swap3A_733] {strides = array<i32>} : memref<2x128x64xf32, #tpu.memory_space<vmem>>, vector<1x1x16xf32>,
        %swap3A_735 = vector.shape_cast %swap3A_734 : vector<1x1x16xf32> to vector<16xf32>
        %swap3A_736 = vector.shape_cast %add3A_729 : vector<16xf32> to vector<1x1x16xf32>
        tpu.vector_store %arg15[%swap3A_731, %swap3A_732, %swap3A_733], %swap3A_736 {add = true, strides = array<i32>} : memref<2x128x64xf32, #tpu.memory_space<vmem>>, vector<1x1x16xf32>,
        %get3A_737 = arith.constant 1 : i32
        %get3A_738 = arith.index_cast %get3A_737 : i32 to index
        %get3A_739 = arith.index_cast %add3A_682 : i32 to index
        %get3A_740 = arith.constant 32 : index
        %get3A_741 = tpu.vector_load %arg16[%get3A_738, %get3A_739, %get3A_740] {strides = array<i32>} : memref<2x128x64xf32, #tpu.memory_space<vmem>>, vector<1x1x16xf32>,
        %get3A_742 = vector.shape_cast %get3A_741 : vector<1x1x16xf32> to vector<16xf32>
        %get3A_743 = arith.constant 1 : i32
        %get3A_744 = arith.index_cast %get3A_743 : i32 to index
        %get3A_745 = arith.index_cast %add3A_682 : i32 to index
        %get3A_746 = arith.constant 32 : index
        %get3A_747 = tpu.vector_load %arg17[%get3A_744, %get3A_745, %get3A_746] {strides = array<i32>} : memref<2x128x64xf32, #tpu.memory_space<vmem>>, vector<1x1x16xf32>,
        %get3A_748 = vector.shape_cast %get3A_747 : vector<1x1x16xf32> to vector<16xf32>
        %add3A_749 = arith.addf %get3A_742, %get3A_748 : vector<16xf32>
        %get3A_750 = arith.constant 1 : i32
        %get3A_751 = arith.index_cast %get3A_750 : i32 to index
        %get3A_752 = arith.index_cast %add3A_682 : i32 to index
        %get3A_753 = arith.constant 32 : index
        %get3A_754 = tpu.vector_load %arg18[%get3A_751, %get3A_752, %get3A_753] {strides = array<i32>} : memref<2x128x64xf32, #tpu.memory_space<vmem>>, vector<1x1x16xf32>,
        %get3A_755 = vector.shape_cast %get3A_754 : vector<1x1x16xf32> to vector<16xf32>
        %add3A_756 = arith.addf %add3A_749, %get3A_755 : vector<16xf32>
        %swap3A_757 = arith.constant 1 : i32
        %swap3A_758 = arith.index_cast %swap3A_757 : i32 to index
        %swap3A_759 = arith.index_cast %add3A_682 : i32 to index
        %swap3A_760 = arith.constant 32 : index
        %swap3A_761 = tpu.vector_load %arg15[%swap3A_758, %swap3A_759, %swap3A_760] {strides = array<i32>} : memref<2x128x64xf32, #tpu.memory_space<vmem>>, vector<1x1x16xf32>,
        %swap3A_762 = vector.shape_cast %swap3A_761 : vector<1x1x16xf32> to vector<16xf32>
        %swap3A_763 = vector.shape_cast %add3A_756 : vector<16xf32> to vector<1x1x16xf32>
        tpu.vector_store %arg15[%swap3A_758, %swap3A_759, %swap3A_760], %swap3A_763 {add = true, strides = array<i32>} : memref<2x128x64xf32, #tpu.memory_space<vmem>>, vector<1x1x16xf32>,
        %get3A_764 = arith.constant 1 : i32
        %get3A_765 = arith.index_cast %get3A_764 : i32 to index
        %get3A_766 = arith.index_cast %add3A_682 : i32 to index
        %get3A_767 = arith.constant 48 : index
        %get3A_768 = tpu.vector_load %arg16[%get3A_765, %get3A_766, %get3A_767] {strides = array<i32>} : memref<2x128x64xf32, #tpu.memory_space<vmem>>, vector<1x1x16xf32>,
        %get3A_769 = vector.shape_cast %get3A_768 : vector<1x1x16xf32> to vector<16xf32>
        %get3A_770 = arith.constant 1 : i32
        %get3A_771 = arith.index_cast %get3A_770 : i32 to index
        %get3A_772 = arith.index_cast %add3A_682 : i32 to index
        %get3A_773 = arith.constant 48 : index
        %get3A_774 = tpu.vector_load %arg17[%get3A_771, %get3A_772, %get3A_773] {strides = array<i32>} : memref<2x128x64xf32, #tpu.memory_space<vmem>>, vector<1x1x16xf32>,
        %get3A_775 = vector.shape_cast %get3A_774 : vector<1x1x16xf32> to vector<16xf32>
        %add3A_776 = arith.addf %get3A_769, %get3A_775 : vector<16xf32>
        %get3A_777 = arith.constant 1 : i32
        %get3A_778 = arith.index_cast %get3A_777 : i32 to index
        %get3A_779 = arith.index_cast %add3A_682 : i32 to index
        %get3A_780 = arith.constant 48 : index
        %get3A_781 = tpu.vector_load %arg18[%get3A_778, %get3A_779, %get3A_780] {strides = array<i32>} : memref<2x128x64xf32, #tpu.memory_space<vmem>>, vector<1x1x16xf32>,
        %get3A_782 = vector.shape_cast %get3A_781 : vector<1x1x16xf32> to vector<16xf32>
        %add3A_783 = arith.addf %add3A_776, %get3A_782 : vector<16xf32>
        %swap3A_784 = arith.constant 1 : i32
        %swap3A_785 = arith.index_cast %swap3A_784 : i32 to index
        %swap3A_786 = arith.index_cast %add3A_682 : i32 to index
        %swap3A_787 = arith.constant 48 : index
        %swap3A_788 = tpu.vector_load %arg15[%swap3A_785, %swap3A_786, %swap3A_787] {strides = array<i32>} : memref<2x128x64xf32, #tpu.memory_space<vmem>>, vector<1x1x16xf32>,
        %swap3A_789 = vector.shape_cast %swap3A_788 : vector<1x1x16xf32> to vector<16xf32>
        %swap3A_790 = vector.shape_cast %add3A_783 : vector<16xf32> to vector<1x1x16xf32>
        tpu.vector_store %arg15[%swap3A_785, %swap3A_786, %swap3A_787], %swap3A_790 {add = true, strides = array<i32>} : memref<2x128x64xf32, #tpu.memory_space<vmem>>, vector<1x1x16xf32>,
        %mul3A_791 = arith.constant 8 : i32
        %mul3A_792 = arith.muli %scan3A_232, %mul3A_791 : i32
        %add3A_793 = arith.constant 5 : i32
        %add3A_794 = arith.addi %mul3A_792, %add3A_793 : i32
        %get3A_795 = arith.constant 1 : i32
        %get3A_796 = arith.index_cast %get3A_795 : i32 to index
        %get3A_797 = arith.index_cast %add3A_794 : i32 to index
        %get3A_798 = arith.constant 0 : index
        %get3A_799 = tpu.vector_load %arg16[%get3A_796, %get3A_797, %get3A_798] {strides = array<i32>} : memref<2x128x64xf32, #tpu.memory_space<vmem>>, vector<1x1x16xf32>,
        %get3A_800 = vector.shape_cast %get3A_799 : vector<1x1x16xf32> to vector<16xf32>
        %get3A_801 = arith.constant 1 : i32
        %get3A_802 = arith.index_cast %get3A_801 : i32 to index
        %get3A_803 = arith.index_cast %add3A_794 : i32 to index
        %get3A_804 = arith.constant 0 : index
        %get3A_805 = tpu.vector_load %arg17[%get3A_802, %get3A_803, %get3A_804] {strides = array<i32>} : memref<2x128x64xf32, #tpu.memory_space<vmem>>, vector<1x1x16xf32>,
        %get3A_806 = vector.shape_cast %get3A_805 : vector<1x1x16xf32> to vector<16xf32>
        %add3A_807 = arith.addf %get3A_800, %get3A_806 : vector<16xf32>
        %get3A_808 = arith.constant 1 : i32
        %get3A_809 = arith.index_cast %get3A_808 : i32 to index
        %get3A_810 = arith.index_cast %add3A_794 : i32 to index
        %get3A_811 = arith.constant 0 : index
        %get3A_812 = tpu.vector_load %arg18[%get3A_809, %get3A_810, %get3A_811] {strides = array<i32>} : memref<2x128x64xf32, #tpu.memory_space<vmem>>, vector<1x1x16xf32>,
        %get3A_813 = vector.shape_cast %get3A_812 : vector<1x1x16xf32> to vector<16xf32>
        %add3A_814 = arith.addf %add3A_807, %get3A_813 : vector<16xf32>
        %swap3A_815 = arith.constant 1 : i32
        %swap3A_816 = arith.index_cast %swap3A_815 : i32 to index
        %swap3A_817 = arith.index_cast %add3A_794 : i32 to index
        %swap3A_818 = arith.constant 0 : index
        %swap3A_819 = tpu.vector_load %arg15[%swap3A_816, %swap3A_817, %swap3A_818] {strides = array<i32>} : memref<2x128x64xf32, #tpu.memory_space<vmem>>, vector<1x1x16xf32>,
        %swap3A_820 = vector.shape_cast %swap3A_819 : vector<1x1x16xf32> to vector<16xf32>
        %swap3A_821 = vector.shape_cast %add3A_814 : vector<16xf32> to vector<1x1x16xf32>
        tpu.vector_store %arg15[%swap3A_816, %swap3A_817, %swap3A_818], %swap3A_821 {add = true, strides = array<i32>} : memref<2x128x64xf32, #tpu.memory_space<vmem>>, vector<1x1x16xf32>,
        %get3A_822 = arith.constant 1 : i32
        %get3A_823 = arith.index_cast %get3A_822 : i32 to index
        %get3A_824 = arith.index_cast %add3A_794 : i32 to index
        %get3A_825 = arith.constant 16 : index
        %get3A_826 = tpu.vector_load %arg16[%get3A_823, %get3A_824, %get3A_825] {strides = array<i32>} : memref<2x128x64xf32, #tpu.memory_space<vmem>>, vector<1x1x16xf32>,
        %get3A_827 = vector.shape_cast %get3A_826 : vector<1x1x16xf32> to vector<16xf32>
        %get3A_828 = arith.constant 1 : i32
        %get3A_829 = arith.index_cast %get3A_828 : i32 to index
        %get3A_830 = arith.index_cast %add3A_794 : i32 to index
        %get3A_831 = arith.constant 16 : index
        %get3A_832 = tpu.vector_load %arg17[%get3A_829, %get3A_830, %get3A_831] {strides = array<i32>} : memref<2x128x64xf32, #tpu.memory_space<vmem>>, vector<1x1x16xf32>,
        %get3A_833 = vector.shape_cast %get3A_832 : vector<1x1x16xf32> to vector<16xf32>
        %add3A_834 = arith.addf %get3A_827, %get3A_833 : vector<16xf32>
        %get3A_835 = arith.constant 1 : i32
        %get3A_836 = arith.index_cast %get3A_835 : i32 to index
        %get3A_837 = arith.index_cast %add3A_794 : i32 to index
        %get3A_838 = arith.constant 16 : index
        %get3A_839 = tpu.vector_load %arg18[%get3A_836, %get3A_837, %get3A_838] {strides = array<i32>} : memref<2x128x64xf32, #tpu.memory_space<vmem>>, vector<1x1x16xf32>,
        %get3A_840 = vector.shape_cast %get3A_839 : vector<1x1x16xf32> to vector<16xf32>
        %add3A_841 = arith.addf %add3A_834, %get3A_840 : vector<16xf32>
        %swap3A_842 = arith.constant 1 : i32
        %swap3A_843 = arith.index_cast %swap3A_842 : i32 to index
        %swap3A_844 = arith.index_cast %add3A_794 : i32 to index
        %swap3A_845 = arith.constant 16 : index
        %swap3A_846 = tpu.vector_load %arg15[%swap3A_843, %swap3A_844, %swap3A_845] {strides = array<i32>} : memref<2x128x64xf32, #tpu.memory_space<vmem>>, vector<1x1x16xf32>,
        %swap3A_847 = vector.shape_cast %swap3A_846 : vector<1x1x16xf32> to vector<16xf32>
        %swap3A_848 = vector.shape_cast %add3A_841 : vector<16xf32> to vector<1x1x16xf32>
        tpu.vector_store %arg15[%swap3A_843, %swap3A_844, %swap3A_845], %swap3A_848 {add = true, strides = array<i32>} : memref<2x128x64xf32, #tpu.memory_space<vmem>>, vector<1x1x16xf32>,
        %get3A_849 = arith.constant 1 : i32
        %get3A_850 = arith.index_cast %get3A_849 : i32 to index
        %get3A_851 = arith.index_cast %add3A_794 : i32 to index
        %get3A_852 = arith.constant 32 : index
        %get3A_853 = tpu.vector_load %arg16[%get3A_850, %get3A_851, %get3A_852] {strides = array<i32>} : memref<2x128x64xf32, #tpu.memory_space<vmem>>, vector<1x1x16xf32>,
        %get3A_854 = vector.shape_cast %get3A_853 : vector<1x1x16xf32> to vector<16xf32>
        %get3A_855 = arith.constant 1 : i32
        %get3A_856 = arith.index_cast %get3A_855 : i32 to index
        %get3A_857 = arith.index_cast %add3A_794 : i32 to index
        %get3A_858 = arith.constant 32 : index
        %get3A_859 = tpu.vector_load %arg17[%get3A_856, %get3A_857, %get3A_858] {strides = array<i32>} : memref<2x128x64xf32, #tpu.memory_space<vmem>>, vector<1x1x16xf32>,
        %get3A_860 = vector.shape_cast %get3A_859 : vector<1x1x16xf32> to vector<16xf32>
        %add3A_861 = arith.addf %get3A_854, %get3A_860 : vector<16xf32>
        %get3A_862 = arith.constant 1 : i32
        %get3A_863 = arith.index_cast %get3A_862 : i32 to index
        %get3A_864 = arith.index_cast %add3A_794 : i32 to index
        %get3A_865 = arith.constant 32 : index
        %get3A_866 = tpu.vector_load %arg18[%get3A_863, %get3A_864, %get3A_865] {strides = array<i32>} : memref<2x128x64xf32, #tpu.memory_space<vmem>>, vector<1x1x16xf32>,
        %get3A_867 = vector.shape_cast %get3A_866 : vector<1x1x16xf32> to vector<16xf32>
        %add3A_868 = arith.addf %add3A_861, %get3A_867 : vector<16xf32>
        %swap3A_869 = arith.constant 1 : i32
        %swap3A_870 = arith.index_cast %swap3A_869 : i32 to index
        %swap3A_871 = arith.index_cast %add3A_794 : i32 to index
        %swap3A_872 = arith.constant 32 : index
        %swap3A_873 = tpu.vector_load %arg15[%swap3A_870, %swap3A_871, %swap3A_872] {strides = array<i32>} : memref<2x128x64xf32, #tpu.memory_space<vmem>>, vector<1x1x16xf32>,
        %swap3A_874 = vector.shape_cast %swap3A_873 : vector<1x1x16xf32> to vector<16xf32>
        %swap3A_875 = vector.shape_cast %add3A_868 : vector<16xf32> to vector<1x1x16xf32>
        tpu.vector_store %arg15[%swap3A_870, %swap3A_871, %swap3A_872], %swap3A_875 {add = true, strides = array<i32>} : memref<2x128x64xf32, #tpu.memory_space<vmem>>, vector<1x1x16xf32>,
        %get3A_876 = arith.constant 1 : i32
        %get3A_877 = arith.index_cast %get3A_876 : i32 to index
        %get3A_878 = arith.index_cast %add3A_794 : i32 to index
        %get3A_879 = arith.constant 48 : index
        %get3A_880 = tpu.vector_load %arg16[%get3A_877, %get3A_878, %get3A_879] {strides = array<i32>} : memref<2x128x64xf32, #tpu.memory_space<vmem>>, vector<1x1x16xf32>,
        %get3A_881 = vector.shape_cast %get3A_880 : vector<1x1x16xf32> to vector<16xf32>
        %get3A_882 = arith.constant 1 : i32
        %get3A_883 = arith.index_cast %get3A_882 : i32 to index
        %get3A_884 = arith.index_cast %add3A_794 : i32 to index
        %get3A_885 = arith.constant 48 : index
        %get3A_886 = tpu.vector_load %arg17[%get3A_883, %get3A_884, %get3A_885] {strides = array<i32>} : memref<2x128x64xf32, #tpu.memory_space<vmem>>, vector<1x1x16xf32>,
        %get3A_887 = vector.shape_cast %get3A_886 : vector<1x1x16xf32> to vector<16xf32>
        %add3A_888 = arith.addf %get3A_881, %get3A_887 : vector<16xf32>
        %get3A_889 = arith.constant 1 : i32
        %get3A_890 = arith.index_cast %get3A_889 : i32 to index
        %get3A_891 = arith.index_cast %add3A_794 : i32 to index
        %get3A_892 = arith.constant 48 : index
        %get3A_893 = tpu.vector_load %arg18[%get3A_890, %get3A_891, %get3A_892] {strides = array<i32>} : memref<2x128x64xf32, #tpu.memory_space<vmem>>, vector<1x1x16xf32>,
        %get3A_894 = vector.shape_cast %get3A_893 : vector<1x1x16xf32> to vector<16xf32>
        %add3A_895 = arith.addf %add3A_888, %get3A_894 : vector<16xf32>
        %swap3A_896 = arith.constant 1 : i32
        %swap3A_897 = arith.index_cast %swap3A_896 : i32 to index
        %swap3A_898 = arith.index_cast %add3A_794 : i32 to index
        %swap3A_899 = arith.constant 48 : index
        %swap3A_900 = tpu.vector_load %arg15[%swap3A_897, %swap3A_898, %swap3A_899] {strides = array<i32>} : memref<2x128x64xf32, #tpu.memory_space<vmem>>, vector<1x1x16xf32>,
        %swap3A_901 = vector.shape_cast %swap3A_900 : vector<1x1x16xf32> to vector<16xf32>
        %swap3A_902 = vector.shape_cast %add3A_895 : vector<16xf32> to vector<1x1x16xf32>
        tpu.vector_store %arg15[%swap3A_897, %swap3A_898, %swap3A_899], %swap3A_902 {add = true, strides = array<i32>} : memref<2x128x64xf32, #tpu.memory_space<vmem>>, vector<1x1x16xf32>,
        %mul3A_903 = arith.constant 8 : i32
        %mul3A_904 = arith.muli %scan3A_232, %mul3A_903 : i32
        %add3A_905 = arith.constant 6 : i32
        %add3A_906 = arith.addi %mul3A_904, %add3A_905 : i32
        %get3A_907 = arith.constant 1 : i32
        %get3A_908 = arith.index_cast %get3A_907 : i32 to index
        %get3A_909 = arith.index_cast %add3A_906 : i32 to index
        %get3A_910 = arith.constant 0 : index
        %get3A_911 = tpu.vector_load %arg16[%get3A_908, %get3A_909, %get3A_910] {strides = array<i32>} : memref<2x128x64xf32, #tpu.memory_space<vmem>>, vector<1x1x16xf32>,
        %get3A_912 = vector.shape_cast %get3A_911 : vector<1x1x16xf32> to vector<16xf32>
        %get3A_913 = arith.constant 1 : i32
        %get3A_914 = arith.index_cast %get3A_913 : i32 to index
        %get3A_915 = arith.index_cast %add3A_906 : i32 to index
        %get3A_916 = arith.constant 0 : index
        %get3A_917 = tpu.vector_load %arg17[%get3A_914, %get3A_915, %get3A_916] {strides = array<i32>} : memref<2x128x64xf32, #tpu.memory_space<vmem>>, vector<1x1x16xf32>,
        %get3A_918 = vector.shape_cast %get3A_917 : vector<1x1x16xf32> to vector<16xf32>
        %add3A_919 = arith.addf %get3A_912, %get3A_918 : vector<16xf32>
        %get3A_920 = arith.constant 1 : i32
        %get3A_921 = arith.index_cast %get3A_920 : i32 to index
        %get3A_922 = arith.index_cast %add3A_906 : i32 to index
        %get3A_923 = arith.constant 0 : index
        %get3A_924 = tpu.vector_load %arg18[%get3A_921, %get3A_922, %get3A_923] {strides = array<i32>} : memref<2x128x64xf32, #tpu.memory_space<vmem>>, vector<1x1x16xf32>,
        %get3A_925 = vector.shape_cast %get3A_924 : vector<1x1x16xf32> to vector<16xf32>
        %add3A_926 = arith.addf %add3A_919, %get3A_925 : vector<16xf32>
        %swap3A_927 = arith.constant 1 : i32
        %swap3A_928 = arith.index_cast %swap3A_927 : i32 to index
        %swap3A_929 = arith.index_cast %add3A_906 : i32 to index
        %swap3A_930 = arith.constant 0 : index
        %swap3A_931 = tpu.vector_load %arg15[%swap3A_928, %swap3A_929, %swap3A_930] {strides = array<i32>} : memref<2x128x64xf32, #tpu.memory_space<vmem>>, vector<1x1x16xf32>,
        %swap3A_932 = vector.shape_cast %swap3A_931 : vector<1x1x16xf32> to vector<16xf32>
        %swap3A_933 = vector.shape_cast %add3A_926 : vector<16xf32> to vector<1x1x16xf32>
        tpu.vector_store %arg15[%swap3A_928, %swap3A_929, %swap3A_930], %swap3A_933 {add = true, strides = array<i32>} : memref<2x128x64xf32, #tpu.memory_space<vmem>>, vector<1x1x16xf32>,
        %get3A_934 = arith.constant 1 : i32
        %get3A_935 = arith.index_cast %get3A_934 : i32 to index
        %get3A_936 = arith.index_cast %add3A_906 : i32 to index
        %get3A_937 = arith.constant 16 : index
        %get3A_938 = tpu.vector_load %arg16[%get3A_935, %get3A_936, %get3A_937] {strides = array<i32>} : memref<2x128x64xf32, #tpu.memory_space<vmem>>, vector<1x1x16xf32>,
        %get3A_939 = vector.shape_cast %get3A_938 : vector<1x1x16xf32> to vector<16xf32>
        %get3A_940 = arith.constant 1 : i32
        %get3A_941 = arith.index_cast %get3A_940 : i32 to index
        %get3A_942 = arith.index_cast %add3A_906 : i32 to index
        %get3A_943 = arith.constant 16 : index
        %get3A_944 = tpu.vector_load %arg17[%get3A_941, %get3A_942, %get3A_943] {strides = array<i32>} : memref<2x128x64xf32, #tpu.memory_space<vmem>>, vector<1x1x16xf32>,
        %get3A_945 = vector.shape_cast %get3A_944 : vector<1x1x16xf32> to vector<16xf32>
        %add3A_946 = arith.addf %get3A_939, %get3A_945 : vector<16xf32>
        %get3A_947 = arith.constant 1 : i32
        %get3A_948 = arith.index_cast %get3A_947 : i32 to index
        %get3A_949 = arith.index_cast %add3A_906 : i32 to index
        %get3A_950 = arith.constant 16 : index
        %get3A_951 = tpu.vector_load %arg18[%get3A_948, %get3A_949, %get3A_950] {strides = array<i32>} : memref<2x128x64xf32, #tpu.memory_space<vmem>>, vector<1x1x16xf32>,
        %get3A_952 = vector.shape_cast %get3A_951 : vector<1x1x16xf32> to vector<16xf32>
        %add3A_953 = arith.addf %add3A_946, %get3A_952 : vector<16xf32>
        %swap3A_954 = arith.constant 1 : i32
        %swap3A_955 = arith.index_cast %swap3A_954 : i32 to index
        %swap3A_956 = arith.index_cast %add3A_906 : i32 to index
        %swap3A_957 = arith.constant 16 : index
        %swap3A_958 = tpu.vector_load %arg15[%swap3A_955, %swap3A_956, %swap3A_957] {strides = array<i32>} : memref<2x128x64xf32, #tpu.memory_space<vmem>>, vector<1x1x16xf32>,
        %swap3A_959 = vector.shape_cast %swap3A_958 : vector<1x1x16xf32> to vector<16xf32>
        %swap3A_960 = vector.shape_cast %add3A_953 : vector<16xf32> to vector<1x1x16xf32>
        tpu.vector_store %arg15[%swap3A_955, %swap3A_956, %swap3A_957], %swap3A_960 {add = true, strides = array<i32>} : memref<2x128x64xf32, #tpu.memory_space<vmem>>, vector<1x1x16xf32>,
        %get3A_961 = arith.constant 1 : i32
        %get3A_962 = arith.index_cast %get3A_961 : i32 to index
        %get3A_963 = arith.index_cast %add3A_906 : i32 to index
        %get3A_964 = arith.constant 32 : index
        %get3A_965 = tpu.vector_load %arg16[%get3A_962, %get3A_963, %get3A_964] {strides = array<i32>} : memref<2x128x64xf32, #tpu.memory_space<vmem>>, vector<1x1x16xf32>,
        %get3A_966 = vector.shape_cast %get3A_965 : vector<1x1x16xf32> to vector<16xf32>
        %get3A_967 = arith.constant 1 : i32
        %get3A_968 = arith.index_cast %get3A_967 : i32 to index
        %get3A_969 = arith.index_cast %add3A_906 : i32 to index
        %get3A_970 = arith.constant 32 : index
        %get3A_971 = tpu.vector_load %arg17[%get3A_968, %get3A_969, %get3A_970] {strides = array<i32>} : memref<2x128x64xf32, #tpu.memory_space<vmem>>, vector<1x1x16xf32>,
        %get3A_972 = vector.shape_cast %get3A_971 : vector<1x1x16xf32> to vector<16xf32>
        %add3A_973 = arith.addf %get3A_966, %get3A_972 : vector<16xf32>
        %get3A_974 = arith.constant 1 : i32
        %get3A_975 = arith.index_cast %get3A_974 : i32 to index
        %get3A_976 = arith.index_cast %add3A_906 : i32 to index
        %get3A_977 = arith.constant 32 : index
        %get3A_978 = tpu.vector_load %arg18[%get3A_975, %get3A_976, %get3A_977] {strides = array<i32>} : memref<2x128x64xf32, #tpu.memory_space<vmem>>, vector<1x1x16xf32>,
        %get3A_979 = vector.shape_cast %get3A_978 : vector<1x1x16xf32> to vector<16xf32>
        %add3A_980 = arith.addf %add3A_973, %get3A_979 : vector<16xf32>
        %swap3A_981 = arith.constant 1 : i32
        %swap3A_982 = arith.index_cast %swap3A_981 : i32 to index
        %swap3A_983 = arith.index_cast %add3A_906 : i32 to index
        %swap3A_984 = arith.constant 32 : index
        %swap3A_985 = tpu.vector_load %arg15[%swap3A_982, %swap3A_983, %swap3A_984] {strides = array<i32>} : memref<2x128x64xf32, #tpu.memory_space<vmem>>, vector<1x1x16xf32>,
        %swap3A_986 = vector.shape_cast %swap3A_985 : vector<1x1x16xf32> to vector<16xf32>
        %swap3A_987 = vector.shape_cast %add3A_980 : vector<16xf32> to vector<1x1x16xf32>
        tpu.vector_store %arg15[%swap3A_982, %swap3A_983, %swap3A_984], %swap3A_987 {add = true, strides = array<i32>} : memref<2x128x64xf32, #tpu.memory_space<vmem>>, vector<1x1x16xf32>,
        %get3A_988 = arith.constant 1 : i32
        %get3A_989 = arith.index_cast %get3A_988 : i32 to index
        %get3A_990 = arith.index_cast %add3A_906 : i32 to index
        %get3A_991 = arith.constant 48 : index
        %get3A_992 = tpu.vector_load %arg16[%get3A_989, %get3A_990, %get3A_991] {strides = array<i32>} : memref<2x128x64xf32, #tpu.memory_space<vmem>>, vector<1x1x16xf32>,
        %get3A_993 = vector.shape_cast %get3A_992 : vector<1x1x16xf32> to vector<16xf32>
        %get3A_994 = arith.constant 1 : i32
        %get3A_995 = arith.index_cast %get3A_994 : i32 to index
        %get3A_996 = arith.index_cast %add3A_906 : i32 to index
        %get3A_997 = arith.constant 48 : index
        %get3A_998 = tpu.vector_load %arg17[%get3A_995, %get3A_996, %get3A_997] {strides = array<i32>} : memref<2x128x64xf32, #tpu.memory_space<vmem>>, vector<1x1x16xf32>,
        %get3A_999 = vector.shape_cast %get3A_998 : vector<1x1x16xf32> to vector<16xf32>
        %add3A_1000 = arith.addf %get3A_993, %get3A_999 : vector<16xf32>
        %get3A_1001 = arith.constant 1 : i32
        %get3A_1002 = arith.index_cast %get3A_1001 : i32 to index
        %get3A_1003 = arith.index_cast %add3A_906 : i32 to index
        %get3A_1004 = arith.constant 48 : index
        %get3A_1005 = tpu.vector_load %arg18[%get3A_1002, %get3A_1003, %get3A_1004] {strides = array<i32>} : memref<2x128x64xf32, #tpu.memory_space<vmem>>, vector<1x1x16xf32>,
        %get3A_1006 = vector.shape_cast %get3A_1005 : vector<1x1x16xf32> to vector<16xf32>
        %add3A_1007 = arith.addf %add3A_1000, %get3A_1006 : vector<16xf32>
        %swap3A_1008 = arith.constant 1 : i32
        %swap3A_1009 = arith.index_cast %swap3A_1008 : i32 to index
        %swap3A_1010 = arith.index_cast %add3A_906 : i32 to index
        %swap3A_1011 = arith.constant 48 : index
        %swap3A_1012 = tpu.vector_load %arg15[%swap3A_1009, %swap3A_1010, %swap3A_1011] {strides = array<i32>} : memref<2x128x64xf32, #tpu.memory_space<vmem>>, vector<1x1x16xf32>,
        %swap3A_1013 = vector.shape_cast %swap3A_1012 : vector<1x1x16xf32> to vector<16xf32>
        %swap3A_1014 = vector.shape_cast %add3A_1007 : vector<16xf32> to vector<1x1x16xf32>
        tpu.vector_store %arg15[%swap3A_1009, %swap3A_1010, %swap3A_1011], %swap3A_1014 {add = true, strides = array<i32>} : memref<2x128x64xf32, #tpu.memory_space<vmem>>, vector<1x1x16xf32>,
        %mul3A_1015 = arith.constant 8 : i32
        %mul3A_1016 = arith.muli %scan3A_232, %mul3A_1015 : i32
        %add3A_1017 = arith.constant 7 : i32
        %add3A_1018 = arith.addi %mul3A_1016, %add3A_1017 : i32
        %get3A_1019 = arith.constant 1 : i32
        %get3A_1020 = arith.index_cast %get3A_1019 : i32 to index
        %get3A_1021 = arith.index_cast %add3A_1018 : i32 to index
        %get3A_1022 = arith.constant 0 : index
        %get3A_1023 = tpu.vector_load %arg16[%get3A_1020, %get3A_1021, %get3A_1022] {strides = array<i32>} : memref<2x128x64xf32, #tpu.memory_space<vmem>>, vector<1x1x16xf32>,
        %get3A_1024 = vector.shape_cast %get3A_1023 : vector<1x1x16xf32> to vector<16xf32>
        %get3A_1025 = arith.constant 1 : i32
        %get3A_1026 = arith.index_cast %get3A_1025 : i32 to index
        %get3A_1027 = arith.index_cast %add3A_1018 : i32 to index
        %get3A_1028 = arith.constant 0 : index
        %get3A_1029 = tpu.vector_load %arg17[%get3A_1026, %get3A_1027, %get3A_1028] {strides = array<i32>} : memref<2x128x64xf32, #tpu.memory_space<vmem>>, vector<1x1x16xf32>,
        %get3A_1030 = vector.shape_cast %get3A_1029 : vector<1x1x16xf32> to vector<16xf32>
        %add3A_1031 = arith.addf %get3A_1024, %get3A_1030 : vector<16xf32>
        %get3A_1032 = arith.constant 1 : i32
        %get3A_1033 = arith.index_cast %get3A_1032 : i32 to index
        %get3A_1034 = arith.index_cast %add3A_1018 : i32 to index
        %get3A_1035 = arith.constant 0 : index
        %get3A_1036 = tpu.vector_load %arg18[%get3A_1033, %get3A_1034, %get3A_1035] {strides = array<i32>} : memref<2x128x64xf32, #tpu.memory_space<vmem>>, vector<1x1x16xf32>,
        %get3A_1037 = vector.shape_cast %get3A_1036 : vector<1x1x16xf32> to vector<16xf32>
        %add3A_1038 = arith.addf %add3A_1031, %get3A_1037 : vector<16xf32>
        %swap3A_1039 = arith.constant 1 : i32
        %swap3A_1040 = arith.index_cast %swap3A_1039 : i32 to index
        %swap3A_1041 = arith.index_cast %add3A_1018 : i32 to index
        %swap3A_1042 = arith.constant 0 : index
        %swap3A_1043 = tpu.vector_load %arg15[%swap3A_1040, %swap3A_1041, %swap3A_1042] {strides = array<i32>} : memref<2x128x64xf32, #tpu.memory_space<vmem>>, vector<1x1x16xf32>,
        %swap3A_1044 = vector.shape_cast %swap3A_1043 : vector<1x1x16xf32> to vector<16xf32>
        %swap3A_1045 = vector.shape_cast %add3A_1038 : vector<16xf32> to vector<1x1x16xf32>
        tpu.vector_store %arg15[%swap3A_1040, %swap3A_1041, %swap3A_1042], %swap3A_1045 {add = true, strides = array<i32>} : memref<2x128x64xf32, #tpu.memory_space<vmem>>, vector<1x1x16xf32>,
        %get3A_1046 = arith.constant 1 : i32
        %get3A_1047 = arith.index_cast %get3A_1046 : i32 to index
        %get3A_1048 = arith.index_cast %add3A_1018 : i32 to index
        %get3A_1049 = arith.constant 16 : index
        %get3A_1050 = tpu.vector_load %arg16[%get3A_1047, %get3A_1048, %get3A_1049] {strides = array<i32>} : memref<2x128x64xf32, #tpu.memory_space<vmem>>, vector<1x1x16xf32>,
        %get3A_1051 = vector.shape_cast %get3A_1050 : vector<1x1x16xf32> to vector<16xf32>
        %get3A_1052 = arith.constant 1 : i32
        %get3A_1053 = arith.index_cast %get3A_1052 : i32 to index
        %get3A_1054 = arith.index_cast %add3A_1018 : i32 to index
        %get3A_1055 = arith.constant 16 : index
        %get3A_1056 = tpu.vector_load %arg17[%get3A_1053, %get3A_1054, %get3A_1055] {strides = array<i32>} : memref<2x128x64xf32, #tpu.memory_space<vmem>>, vector<1x1x16xf32>,
        %get3A_1057 = vector.shape_cast %get3A_1056 : vector<1x1x16xf32> to vector<16xf32>
        %add3A_1058 = arith.addf %get3A_1051, %get3A_1057 : vector<16xf32>
        %get3A_1059 = arith.constant 1 : i32
        %get3A_1060 = arith.index_cast %get3A_1059 : i32 to index
        %get3A_1061 = arith.index_cast %add3A_1018 : i32 to index
        %get3A_1062 = arith.constant 16 : index
        %get3A_1063 = tpu.vector_load %arg18[%get3A_1060, %get3A_1061, %get3A_1062] {strides = array<i32>} : memref<2x128x64xf32, #tpu.memory_space<vmem>>, vector<1x1x16xf32>,
        %get3A_1064 = vector.shape_cast %get3A_1063 : vector<1x1x16xf32> to vector<16xf32>
        %add3A_1065 = arith.addf %add3A_1058, %get3A_1064 : vector<16xf32>
        %swap3A_1066 = arith.constant 1 : i32
        %swap3A_1067 = arith.index_cast %swap3A_1066 : i32 to index
        %swap3A_1068 = arith.index_cast %add3A_1018 : i32 to index
        %swap3A_1069 = arith.constant 16 : index
        %swap3A_1070 = tpu.vector_load %arg15[%swap3A_1067, %swap3A_1068, %swap3A_1069] {strides = array<i32>} : memref<2x128x64xf32, #tpu.memory_space<vmem>>, vector<1x1x16xf32>,
        %swap3A_1071 = vector.shape_cast %swap3A_1070 : vector<1x1x16xf32> to vector<16xf32>
        %swap3A_1072 = vector.shape_cast %add3A_1065 : vector<16xf32> to vector<1x1x16xf32>
        tpu.vector_store %arg15[%swap3A_1067, %swap3A_1068, %swap3A_1069], %swap3A_1072 {add = true, strides = array<i32>} : memref<2x128x64xf32, #tpu.memory_space<vmem>>, vector<1x1x16xf32>,
        %get3A_1073 = arith.constant 1 : i32
        %get3A_1074 = arith.index_cast %get3A_1073 : i32 to index
        %get3A_1075 = arith.index_cast %add3A_1018 : i32 to index
        %get3A_1076 = arith.constant 32 : index
        %get3A_1077 = tpu.vector_load %arg16[%get3A_1074, %get3A_1075, %get3A_1076] {strides = array<i32>} : memref<2x128x64xf32, #tpu.memory_space<vmem>>, vector<1x1x16xf32>,
        %get3A_1078 = vector.shape_cast %get3A_1077 : vector<1x1x16xf32> to vector<16xf32>
        %get3A_1079 = arith.constant 1 : i32
        %get3A_1080 = arith.index_cast %get3A_1079 : i32 to index
        %get3A_1081 = arith.index_cast %add3A_1018 : i32 to index
        %get3A_1082 = arith.constant 32 : index
        %get3A_1083 = tpu.vector_load %arg17[%get3A_1080, %get3A_1081, %get3A_1082] {strides = array<i32>} : memref<2x128x64xf32, #tpu.memory_space<vmem>>, vector<1x1x16xf32>,
        %get3A_1084 = vector.shape_cast %get3A_1083 : vector<1x1x16xf32> to vector<16xf32>
        %add3A_1085 = arith.addf %get3A_1078, %get3A_1084 : vector<16xf32>
        %get3A_1086 = arith.constant 1 : i32
        %get3A_1087 = arith.index_cast %get3A_1086 : i32 to index
        %get3A_1088 = arith.index_cast %add3A_1018 : i32 to index
        %get3A_1089 = arith.constant 32 : index
        %get3A_1090 = tpu.vector_load %arg18[%get3A_1087, %get3A_1088, %get3A_1089] {strides = array<i32>} : memref<2x128x64xf32, #tpu.memory_space<vmem>>, vector<1x1x16xf32>,
        %get3A_1091 = vector.shape_cast %get3A_1090 : vector<1x1x16xf32> to vector<16xf32>
        %add3A_1092 = arith.addf %add3A_1085, %get3A_1091 : vector<16xf32>
        %swap3A_1093 = arith.constant 1 : i32
        %swap3A_1094 = arith.index_cast %swap3A_1093 : i32 to index
        %swap3A_1095 = arith.index_cast %add3A_1018 : i32 to index
        %swap3A_1096 = arith.constant 32 : index
        %swap3A_1097 = tpu.vector_load %arg15[%swap3A_1094, %swap3A_1095, %swap3A_1096] {strides = array<i32>} : memref<2x128x64xf32, #tpu.memory_space<vmem>>, vector<1x1x16xf32>,
        %swap3A_1098 = vector.shape_cast %swap3A_1097 : vector<1x1x16xf32> to vector<16xf32>
        %swap3A_1099 = vector.shape_cast %add3A_1092 : vector<16xf32> to vector<1x1x16xf32>
        tpu.vector_store %arg15[%swap3A_1094, %swap3A_1095, %swap3A_1096], %swap3A_1099 {add = true, strides = array<i32>} : memref<2x128x64xf32, #tpu.memory_space<vmem>>, vector<1x1x16xf32>,
        %get3A_1100 = arith.constant 1 : i32
        %get3A_1101 = arith.index_cast %get3A_1100 : i32 to index
        %get3A_1102 = arith.index_cast %add3A_1018 : i32 to index
        %get3A_1103 = arith.constant 48 : index
        %get3A_1104 = tpu.vector_load %arg16[%get3A_1101, %get3A_1102, %get3A_1103] {strides = array<i32>} : memref<2x128x64xf32, #tpu.memory_space<vmem>>, vector<1x1x16xf32>,
        %get3A_1105 = vector.shape_cast %get3A_1104 : vector<1x1x16xf32> to vector<16xf32>
        %get3A_1106 = arith.constant 1 : i32
        %get3A_1107 = arith.index_cast %get3A_1106 : i32 to index
        %get3A_1108 = arith.index_cast %add3A_1018 : i32 to index
        %get3A_1109 = arith.constant 48 : index
        %get3A_1110 = tpu.vector_load %arg17[%get3A_1107, %get3A_1108, %get3A_1109] {strides = array<i32>} : memref<2x128x64xf32, #tpu.memory_space<vmem>>, vector<1x1x16xf32>,
        %get3A_1111 = vector.shape_cast %get3A_1110 : vector<1x1x16xf32> to vector<16xf32>
        %add3A_1112 = arith.addf %get3A_1105, %get3A_1111 : vector<16xf32>
        %get3A_1113 = arith.constant 1 : i32
        %get3A_1114 = arith.index_cast %get3A_1113 : i32 to index
        %get3A_1115 = arith.index_cast %add3A_1018 : i32 to index
        %get3A_1116 = arith.constant 48 : index
        %get3A_1117 = tpu.vector_load %arg18[%get3A_1114, %get3A_1115, %get3A_1116] {strides = array<i32>} : memref<2x128x64xf32, #tpu.memory_space<vmem>>, vector<1x1x16xf32>,
        %get3A_1118 = vector.shape_cast %get3A_1117 : vector<1x1x16xf32> to vector<16xf32>
        %add3A_1119 = arith.addf %add3A_1112, %get3A_1118 : vector<16xf32>
        %swap3A_1120 = arith.constant 1 : i32
        %swap3A_1121 = arith.index_cast %swap3A_1120 : i32 to index
        %swap3A_1122 = arith.index_cast %add3A_1018 : i32 to index
        %swap3A_1123 = arith.constant 48 : index
        %swap3A_1124 = tpu.vector_load %arg15[%swap3A_1121, %swap3A_1122, %swap3A_1123] {strides = array<i32>} : memref<2x128x64xf32, #tpu.memory_space<vmem>>, vector<1x1x16xf32>,
        %swap3A_1125 = vector.shape_cast %swap3A_1124 : vector<1x1x16xf32> to vector<16xf32>
        %swap3A_1126 = vector.shape_cast %add3A_1119 : vector<16xf32> to vector<1x1x16xf32>
        tpu.vector_store %arg15[%swap3A_1121, %swap3A_1122, %swap3A_1123], %swap3A_1126 {add = true, strides = array<i32>} : memref<2x128x64xf32, #tpu.memory_space<vmem>>, vector<1x1x16xf32>,
      }
      %scan3A_227 = arith.constant 16 : i32
      %mul3A_228 = arith.constant 128 : i32
      %mul3A_229 = arith.muli %add3A_161, %mul3A_228 : i32
      %add3A_230 = arith.addi %mul3A_2, %mul3A_229 : i32
      %run_scoped3A_231 = arith.constant 1 : i32
      "tpu.region"() ({
        %run_scoped3A_232 = tpu.sem_alloc : memref<!tpu.dma_semaphore, #tpu.memory_space<semaphore_mem>>
        %dma_start3A_233 = arith.constant 0 : i32
        %dma_start3A_234 = arith.constant 0 : i32
        %dma_start3A_235 = tpu.memref_slice %arg15[%run_scoped3A_231, %dma_start3A_233, %dma_start3A_234] : memref<2x128x64xf32, #tpu.memory_space<vmem>> -> memref<1x128x64xf32, #tpu.memory_space<vmem>>
        %dma_start3A_236 = tpu.memref_squeeze %dma_start3A_235 : memref<1x128x64xf32, #tpu.memory_space<vmem>> -> memref<128x64xf32, #tpu.memory_space<vmem>>
        %dma_start3A_237 = arith.constant 0 : i32
        %dma_start3A_238 = tpu.memref_slice %arg10[%add3A_230, %dma_start3A_237] : memref<204800x64xf32, #tpu.memory_space<hbm>> -> memref<128x64xf32, #tpu.memory_space<hbm>>
        %dma_start3A_239 = arith.constant 0 : i32
        %dma_start3A_240 = tpu.memref_slice %arg10[%add3A_230, %dma_start3A_239] : memref<204800x64xf32, #tpu.memory_space<hbm>> -> memref<128x64xf32, #tpu.memory_space<hbm>>
        %dma_start3A_241 = arith.constant 0 : i32
        %dma_start3A_242 = arith.constant 0 : i32
        %dma_start3A_243 = tpu.memref_slice %arg15[%run_scoped3A_231, %dma_start3A_241, %dma_start3A_242] : memref<2x128x64xf32, #tpu.memory_space<vmem>> -> memref<1x128x64xf32, #tpu.memory_space<vmem>>
        %dma_start3A_244 = tpu.memref_squeeze %dma_start3A_243 : memref<1x128x64xf32, #tpu.memory_space<vmem>> -> memref<128x64xf32, #tpu.memory_space<vmem>>
        tpu.enqueue_dma source(%dma_start3A_244 : memref<128x64xf32, #tpu.memory_space<vmem>>) target(%dma_start3A_240 : memref<128x64xf32, #tpu.memory_space<hbm>>) target_semaphore(%run_scoped3A_232 : memref<!tpu.dma_semaphore, #tpu.memory_space<semaphore_mem>>)
        %dma_wait3A_245 = arith.constant 0 : i32
        %dma_wait3A_246 = arith.constant 0 : i32
        %dma_wait3A_247 = tpu.memref_slice %arg15[%run_scoped3A_231, %dma_wait3A_245, %dma_wait3A_246] : memref<2x128x64xf32, #tpu.memory_space<vmem>> -> memref<1x128x64xf32, #tpu.memory_space<vmem>>
        %dma_wait3A_248 = tpu.memref_squeeze %dma_wait3A_247 : memref<1x128x64xf32, #tpu.memory_space<vmem>> -> memref<128x64xf32, #tpu.memory_space<vmem>>
        %dma_wait3A_249 = arith.constant 0 : i32
        %dma_wait3A_250 = tpu.memref_slice %arg10[%add3A_230, %dma_wait3A_249] : memref<204800x64xf32, #tpu.memory_space<hbm>> -> memref<128x64xf32, #tpu.memory_space<hbm>>
        %dma_wait3A_251 = arith.constant 0 : i32
        %dma_wait3A_252 = tpu.memref_slice %arg10[%add3A_230, %dma_wait3A_251] : memref<204800x64xf32, #tpu.memory_space<hbm>> -> memref<128x64xf32, #tpu.memory_space<hbm>>
        %dma_wait3A_253 = arith.constant 0 : i32
        %dma_wait3A_254 = arith.constant 0 : i32
        %dma_wait3A_255 = tpu.memref_slice %arg15[%run_scoped3A_231, %dma_wait3A_253, %dma_wait3A_254] : memref<2x128x64xf32, #tpu.memory_space<vmem>> -> memref<1x128x64xf32, #tpu.memory_space<vmem>>
        %dma_wait3A_256 = tpu.memref_squeeze %dma_wait3A_255 : memref<1x128x64xf32, #tpu.memory_space<vmem>> -> memref<128x64xf32, #tpu.memory_space<vmem>>
        tpu.wait_dma2 semaphore(%run_scoped3A_232 : memref<!tpu.dma_semaphore, #tpu.memory_space<semaphore_mem>>) src(%dma_wait3A_256 : memref<128x64xf32, #tpu.memory_space<vmem>>) dst(%dma_wait3A_252 : memref<128x64xf32, #tpu.memory_space<hbm>>)
        tpu.yield
      }) : () -> ()
    }
    %scan3A_46 = arith.constant 25 : i32
    return
  }
}

module attributes {stable_mosaic.version = 14 : i64} {
  func.func @_ln_rows_body(%arg0: i32, %arg1: memref<1000x128xf32, #tpu.memory_space<vmem>>, %arg2: memref<1x128xf32, #tpu.memory_space<vmem>>, %arg3: memref<1x128xf32, #tpu.memory_space<vmem>>, %arg4: memref<128x128xf32, #tpu.memory_space<vmem>>, %arg5: memref<1000x128xf32, #tpu.memory_space<vmem>>) attributes {dimension_semantics = [#tpu.dimension_semantics<arbitrary>], iteration_bounds = array<i64: 50>, scalar_prefetch = 0 : i64, scratch_operands = 0 : i64, tpu.core_type = #tpu.core_type<tc>, window_params = [{transform_indices = @transform_0, window_bounds = array<i64: 1000, 128>}, {pipeline_mode = #tpu.pipeline_mode<synchronous>, transform_indices = @transform_1, window_bounds = array<i64: 1, 128>}, {pipeline_mode = #tpu.pipeline_mode<synchronous>, transform_indices = @transform_2, window_bounds = array<i64: 1, 128>}, {pipeline_mode = #tpu.pipeline_mode<synchronous>, transform_indices = @transform_3, window_bounds = array<i64: 128, 128>}, {transform_indices = @transform_4, window_bounds = array<i64: 1000, 128>}]} {
    %get3A = arith.constant 0 : index
    %get3A_0 = arith.constant 0 : index
    %get3A_1 = vector.load %arg1[%get3A, %get3A_0] : memref<1000x128xf32, #tpu.memory_space<vmem>>, vector<1000x128xf32>
    %get3A_2 = arith.constant 0 : index
    %get3A_3 = arith.constant 0 : index
    %get3A_4 = vector.load %arg2[%get3A_2, %get3A_3] : memref<1x128xf32, #tpu.memory_space<vmem>>, vector<1x128xf32>
    %get3A_5 = arith.constant 0 : index
    %get3A_6 = arith.constant 0 : index
    %get3A_7 = vector.load %arg3[%get3A_5, %get3A_6] : memref<1x128xf32, #tpu.memory_space<vmem>>, vector<1x128xf32>
    %get3A_8 = arith.constant 0 : index
    %get3A_9 = arith.constant 0 : index
    %get3A_10 = vector.load %arg4[%get3A_8, %get3A_9] : memref<128x128xf32, #tpu.memory_space<vmem>>, vector<128x128xf32>
    %dot_general3A = arith.constant dense<0.000000e+00> : vector<1000x128xf32>
    %dot_general3A_11 = tpu.matmul %get3A_1, %get3A_10, %dot_general3A {dimension_numbers = #tpu.dot_dimension_numbers<[1], [0], [0], [1], [0, 0, 1, 1], [], []>, transpose_lhs_hint = false} : vector<1000x128xf32>, vector<128x128xf32>, vector<1000x128xf32> -> vector<1000x128xf32>
    %sub3A = arith.subf %get3A_1, %dot_general3A_11 : vector<1000x128xf32>
    %mul3A = arith.mulf %sub3A, %sub3A : vector<1000x128xf32>
    %dot_general3A_12 = arith.constant dense<0.000000e+00> : vector<1000x128xf32>
    %dot_general3A_13 = tpu.matmul %mul3A, %get3A_10, %dot_general3A_12 {dimension_numbers = #tpu.dot_dimension_numbers<[1], [0], [0], [1], [0, 0, 1, 1], [], []>, transpose_lhs_hint = false} : vector<1000x128xf32>, vector<128x128xf32>, vector<1000x128xf32> -> vector<1000x128xf32>
    %add3A = arith.constant 9.99999974E-6 : f32
    %add3A_14 = vector.broadcast %add3A : f32 to vector<1000x128xf32>
    %add3A_15 = arith.addf %dot_general3A_13, %add3A_14 : vector<1000x128xf32>
    %rsqrt3A = math.rsqrt %add3A_15 : vector<1000x128xf32>
    %mul3A_16 = arith.mulf %sub3A, %rsqrt3A : vector<1000x128xf32>
    %mul3A_17 = vector.broadcast %get3A_4 : vector<1x128xf32> to vector<1000x128xf32>
    %mul3A_18 = arith.mulf %mul3A_16, %mul3A_17 : vector<1000x128xf32>
    %add3A_19 = vector.broadcast %get3A_7 : vector<1x128xf32> to vector<1000x128xf32>
    %add3A_20 = arith.addf %mul3A_18, %add3A_19 : vector<1000x128xf32>
    %swap3A = arith.constant 0 : index
    %swap3A_21 = arith.constant 0 : index
    %swap3A_22 = vector.load %arg5[%swap3A, %swap3A_21] : memref<1000x128xf32, #tpu.memory_space<vmem>>, vector<1000x128xf32>
    tpu.vector_store %arg5[%swap3A, %swap3A_21], %add3A_20 {strides = array<i32>} : memref<1000x128xf32, #tpu.memory_space<vmem>>, vector<1000x128xf32>,
    return
  }
  func.func @transform_0(%arg0: i32) -> (i32, i32) {
    %c0_i32 = arith.constant 0 : i32
    %c0_i32_0 = arith.constant 0 : i32
    return %arg0, %c0_i32 : i32, i32
  }
  func.func @transform_1(%arg0: i32) -> (i32, i32) {
    %c0_i32 = arith.constant 0 : i32
    %c0_i32_0 = arith.constant 0 : i32
    %c0_i32_1 = arith.constant 0 : i32
    return %c0_i32, %c0_i32_0 : i32, i32
  }
  func.func @transform_2(%arg0: i32) -> (i32, i32) {
    %c0_i32 = arith.constant 0 : i32
    %c0_i32_0 = arith.constant 0 : i32
    %c0_i32_1 = arith.constant 0 : i32
    return %c0_i32, %c0_i32_0 : i32, i32
  }
  func.func @transform_3(%arg0: i32) -> (i32, i32) {
    %c0_i32 = arith.constant 0 : i32
    %c0_i32_0 = arith.constant 0 : i32
    %c0_i32_1 = arith.constant 0 : i32
    return %c0_i32, %c0_i32_0 : i32, i32
  }
  func.func @transform_4(%arg0: i32) -> (i32, i32) {
    %c0_i32 = arith.constant 0 : i32
    %c0_i32_0 = arith.constant 0 : i32
    return %arg0, %c0_i32 : i32, i32
  }
}

module attributes {stable_mosaic.version = 14 : i64} {
  func.func @_ln_rows_body(%arg0: i32, %arg1: memref<512x128xf32, #tpu.memory_space<vmem>>, %arg2: memref<1x128xf32, #tpu.memory_space<vmem>>, %arg3: memref<1x128xf32, #tpu.memory_space<vmem>>, %arg4: memref<128x128xf32, #tpu.memory_space<vmem>>, %arg5: memref<512x128xf32, #tpu.memory_space<vmem>>) attributes {dimension_semantics = [#tpu.dimension_semantics<arbitrary>], iteration_bounds = array<i64: 1>, scalar_prefetch = 0 : i64, scratch_operands = 0 : i64, tpu.core_type = #tpu.core_type<tc>, window_params = [{transform_indices = @transform_0, window_bounds = array<i64: 512, 128>}, {pipeline_mode = #tpu.pipeline_mode<synchronous>, transform_indices = @transform_1, window_bounds = array<i64: 1, 128>}, {pipeline_mode = #tpu.pipeline_mode<synchronous>, transform_indices = @transform_2, window_bounds = array<i64: 1, 128>}, {pipeline_mode = #tpu.pipeline_mode<synchronous>, transform_indices = @transform_3, window_bounds = array<i64: 128, 128>}, {transform_indices = @transform_4, window_bounds = array<i64: 512, 128>}]} {
    %get3A = arith.constant 0 : index
    %get3A_0 = arith.constant 0 : index
    %get3A_1 = vector.load %arg1[%get3A, %get3A_0] : memref<512x128xf32, #tpu.memory_space<vmem>>, vector<512x128xf32>
    %get3A_2 = arith.constant 0 : index
    %get3A_3 = arith.constant 0 : index
    %get3A_4 = vector.load %arg2[%get3A_2, %get3A_3] : memref<1x128xf32, #tpu.memory_space<vmem>>, vector<1x128xf32>
    %get3A_5 = arith.constant 0 : index
    %get3A_6 = arith.constant 0 : index
    %get3A_7 = vector.load %arg3[%get3A_5, %get3A_6] : memref<1x128xf32, #tpu.memory_space<vmem>>, vector<1x128xf32>
    %get3A_8 = arith.constant 0 : index
    %get3A_9 = arith.constant 0 : index
    %get3A_10 = vector.load %arg4[%get3A_8, %get3A_9] : memref<128x128xf32, #tpu.memory_space<vmem>>, vector<128x128xf32>
    %dot_general3A = arith.constant dense<0.000000e+00> : vector<512x128xf32>
    %dot_general3A_11 = tpu.matmul %get3A_1, %get3A_10, %dot_general3A {dimension_numbers = #tpu.dot_dimension_numbers<[1], [0], [0], [1], [0, 0, 1, 1], [], []>, transpose_lhs_hint = false} : vector<512x128xf32>, vector<128x128xf32>, vector<512x128xf32> -> vector<512x128xf32>
    %sub3A = arith.subf %get3A_1, %dot_general3A_11 : vector<512x128xf32>
    %mul3A = arith.mulf %sub3A, %sub3A : vector<512x128xf32>
    %dot_general3A_12 = arith.constant dense<0.000000e+00> : vector<512x128xf32>
    %dot_general3A_13 = tpu.matmul %mul3A, %get3A_10, %dot_general3A_12 {dimension_numbers = #tpu.dot_dimension_numbers<[1], [0], [0], [1], [0, 0, 1, 1], [], []>, transpose_lhs_hint = false} : vector<512x128xf32>, vector<128x128xf32>, vector<512x128xf32> -> vector<512x128xf32>
    %add3A = arith.constant 9.99999974E-6 : f32
    %add3A_14 = vector.broadcast %add3A : f32 to vector<512x128xf32>
    %add3A_15 = arith.addf %dot_general3A_13, %add3A_14 : vector<512x128xf32>
    %rsqrt3A = math.rsqrt %add3A_15 : vector<512x128xf32>
    %mul3A_16 = arith.mulf %sub3A, %rsqrt3A : vector<512x128xf32>
    %mul3A_17 = vector.broadcast %get3A_4 : vector<1x128xf32> to vector<512x128xf32>
    %mul3A_18 = arith.mulf %mul3A_16, %mul3A_17 : vector<512x128xf32>
    %add3A_19 = vector.broadcast %get3A_7 : vector<1x128xf32> to vector<512x128xf32>
    %add3A_20 = arith.addf %mul3A_18, %add3A_19 : vector<512x128xf32>
    %swap3A = arith.constant 0 : index
    %swap3A_21 = arith.constant 0 : index
    %swap3A_22 = vector.load %arg5[%swap3A, %swap3A_21] : memref<512x128xf32, #tpu.memory_space<vmem>>, vector<512x128xf32>
    tpu.vector_store %arg5[%swap3A, %swap3A_21], %add3A_20 {strides = array<i32>} : memref<512x128xf32, #tpu.memory_space<vmem>>, vector<512x128xf32>,
    return
  }
  func.func @transform_0(%arg0: i32) -> (i32, i32) {
    %c0_i32 = arith.constant 0 : i32
    %c0_i32_0 = arith.constant 0 : i32
    return %arg0, %c0_i32 : i32, i32
  }
  func.func @transform_1(%arg0: i32) -> (i32, i32) {
    %c0_i32 = arith.constant 0 : i32
    %c0_i32_0 = arith.constant 0 : i32
    %c0_i32_1 = arith.constant 0 : i32
    return %c0_i32, %c0_i32_0 : i32, i32
  }
  func.func @transform_2(%arg0: i32) -> (i32, i32) {
    %c0_i32 = arith.constant 0 : i32
    %c0_i32_0 = arith.constant 0 : i32
    %c0_i32_1 = arith.constant 0 : i32
    return %c0_i32, %c0_i32_0 : i32, i32
  }
  func.func @transform_3(%arg0: i32) -> (i32, i32) {
    %c0_i32 = arith.constant 0 : i32
    %c0_i32_0 = arith.constant 0 : i32
    %c0_i32_1 = arith.constant 0 : i32
    return %c0_i32, %c0_i32_0 : i32, i32
  }
  func.func @transform_4(%arg0: i32) -> (i32, i32) {
    %c0_i32 = arith.constant 0 : i32
    %c0_i32_0 = arith.constant 0 : i32
    return %arg0, %c0_i32 : i32, i32
  }
}

module attributes {stable_mosaic.version = 14 : i64} {
  func.func @_pose_body(%arg0: i32, %arg1: memref<2048x32xf32, #tpu.memory_space<vmem>>, %arg2: memref<2048x128xf32, #tpu.memory_space<vmem>>, %arg3: memref<32x128xf32, #tpu.memory_space<vmem>>, %arg4: memref<1x128xf32, #tpu.memory_space<vmem>>, %arg5: memref<1x128xf32, #tpu.memory_space<vmem>>, %arg6: memref<1x128xf32, #tpu.memory_space<vmem>>, %arg7: memref<1x32xf32, #tpu.memory_space<vmem>>, %arg8: memref<128x128xf32, #tpu.memory_space<vmem>>, %arg9: memref<2048x128xf32, #tpu.memory_space<vmem>>) attributes {dimension_semantics = [#tpu.dimension_semantics<arbitrary>], iteration_bounds = array<i64: 50>, scalar_prefetch = 0 : i64, scratch_operands = 0 : i64, tpu.core_type = #tpu.core_type<tc>, window_params = [{transform_indices = @transform_0, window_bounds = array<i64: 2048, 32>}, {transform_indices = @transform_1, window_bounds = array<i64: 2048, 128>}, {pipeline_mode = #tpu.pipeline_mode<synchronous>, transform_indices = @transform_2, window_bounds = array<i64: 32, 128>}, {pipeline_mode = #tpu.pipeline_mode<synchronous>, transform_indices = @transform_3, window_bounds = array<i64: 1, 128>}, {pipeline_mode = #tpu.pipeline_mode<synchronous>, transform_indices = @transform_4, window_bounds = array<i64: 1, 128>}, {pipeline_mode = #tpu.pipeline_mode<synchronous>, transform_indices = @transform_5, window_bounds = array<i64: 1, 128>}, {pipeline_mode = #tpu.pipeline_mode<synchronous>, transform_indices = @transform_6, window_bounds = array<i64: 1, 32>}, {pipeline_mode = #tpu.pipeline_mode<synchronous>, transform_indices = @transform_7, window_bounds = array<i64: 128, 128>}, {transform_indices = @transform_8, window_bounds = array<i64: 2048, 128>}]} {
    %get3A = arith.constant 0 : index
    %get3A_0 = arith.constant 0 : index
    %get3A_1 = vector.load %arg1[%get3A, %get3A_0] : memref<2048x32xf32, #tpu.memory_space<vmem>>, vector<2048x32xf32>
    %get3A_2 = arith.constant 0 : index
    %get3A_3 = arith.constant 0 : index
    %get3A_4 = vector.load %arg7[%get3A_2, %get3A_3] : memref<1x32xf32, #tpu.memory_space<vmem>>, vector<1x32xf32>
    %mul3A = vector.broadcast %get3A_4 : vector<1x32xf32> to vector<2048x32xf32>
    %mul3A_5 = arith.mulf %get3A_1, %mul3A : vector<2048x32xf32>
    %get3A_6 = arith.constant 0 : index
    %get3A_7 = arith.constant 0 : index
    %get3A_8 = vector.load %arg3[%get3A_6, %get3A_7] : memref<32x128xf32, #tpu.memory_space<vmem>>, vector<32x128xf32>
    %dot_general3A = arith.constant dense<0.000000e+00> : vector<2048x128xf32>
    %dot_general3A_9 = tpu.matmul %mul3A_5, %get3A_8, %dot_general3A {dimension_numbers = #tpu.dot_dimension_numbers<[1], [0], [0], [1], [0, 0, 1, 1], [], []>, transpose_lhs_hint = false} : vector<2048x32xf32>, vector<32x128xf32>, vector<2048x128xf32> -> vector<2048x128xf32>
    %get3A_10 = arith.constant 0 : index
    %get3A_11 = arith.constant 0 : index
    %get3A_12 = vector.load %arg4[%get3A_10, %get3A_11] : memref<1x128xf32, #tpu.memory_space<vmem>>, vector<1x128xf32>
    %add3A = vector.broadcast %get3A_12 : vector<1x128xf32> to vector<2048x128xf32>
    %add3A_13 = arith.addf %dot_general3A_9, %add3A : vector<2048x128xf32>
    %get3A_14 = arith.constant 0 : index
    %get3A_15 = arith.constant 0 : index
    %get3A_16 = vector.load %arg5[%get3A_14, %get3A_15] : memref<1x128xf32, #tpu.memory_space<vmem>>, vector<1x128xf32>
    %get3A_17 = arith.constant 0 : index
    %get3A_18 = arith.constant 0 : index
    %get3A_19 = vector.load %arg6[%get3A_17, %get3A_18] : memref<1x128xf32, #tpu.memory_space<vmem>>, vector<1x128xf32>
    %get3A_20 = arith.constant 0 : index
    %get3A_21 = arith.constant 0 : index
    %get3A_22 = vector.load %arg8[%get3A_20, %get3A_21] : memref<128x128xf32, #tpu.memory_space<vmem>>, vector<128x128xf32>
    %dot_general3A_23 = arith.constant dense<0.000000e+00> : vector<2048x128xf32>
    %dot_general3A_24 = tpu.matmul %add3A_13, %get3A_22, %dot_general3A_23 {dimension_numbers = #tpu.dot_dimension_numbers<[1], [0], [0], [1], [0, 0, 1, 1], [], []>, transpose_lhs_hint = false} : vector<2048x128xf32>, vector<128x128xf32>, vector<2048x128xf32> -> vector<2048x128xf32>
    %sub3A = arith.subf %add3A_13, %dot_general3A_24 : vector<2048x128xf32>
    %mul3A_25 = arith.mulf %sub3A, %sub3A : vector<2048x128xf32>
    %dot_general3A_26 = arith.constant dense<0.000000e+00> : vector<2048x128xf32>
    %dot_general3A_27 = tpu.matmul %mul3A_25, %get3A_22, %dot_general3A_26 {dimension_numbers = #tpu.dot_dimension_numbers<[1], [0], [0], [1], [0, 0, 1, 1], [], []>, transpose_lhs_hint = false} : vector<2048x128xf32>, vector<128x128xf32>, vector<2048x128xf32> -> vector<2048x128xf32>
    %add3A_28 = arith.constant 9.99999974E-6 : f32
    %add3A_29 = vector.broadcast %add3A_28 : f32 to vector<2048x128xf32>
    %add3A_30 = arith.addf %dot_general3A_27, %add3A_29 : vector<2048x128xf32>
    %rsqrt3A = math.rsqrt %add3A_30 : vector<2048x128xf32>
    %mul3A_31 = arith.mulf %sub3A, %rsqrt3A : vector<2048x128xf32>
    %mul3A_32 = vector.broadcast %get3A_16 : vector<1x128xf32> to vector<2048x128xf32>
    %mul3A_33 = arith.mulf %mul3A_31, %mul3A_32 : vector<2048x128xf32>
    %add3A_34 = vector.broadcast %get3A_19 : vector<1x128xf32> to vector<2048x128xf32>
    %add3A_35 = arith.addf %mul3A_33, %add3A_34 : vector<2048x128xf32>
    %get3A_36 = arith.constant 0 : index
    %get3A_37 = arith.constant 0 : index
    %get3A_38 = vector.load %arg2[%get3A_36, %get3A_37] : memref<2048x128xf32, #tpu.memory_space<vmem>>, vector<2048x128xf32>
    %add3A_39 = arith.addf %add3A_35, %get3A_38 : vector<2048x128xf32>
    %swap3A = arith.constant 0 : index
    %swap3A_40 = arith.constant 0 : index
    %swap3A_41 = vector.load %arg9[%swap3A, %swap3A_40] : memref<2048x128xf32, #tpu.memory_space<vmem>>, vector<2048x128xf32>
    tpu.vector_store %arg9[%swap3A, %swap3A_40], %add3A_39 {strides = array<i32>} : memref<2048x128xf32, #tpu.memory_space<vmem>>, vector<2048x128xf32>,
    return
  }
  func.func @transform_0(%arg0: i32) -> (i32, i32) {
    %c0_i32 = arith.constant 0 : i32
    %c0_i32_0 = arith.constant 0 : i32
    return %arg0, %c0_i32 : i32, i32
  }
  func.func @transform_1(%arg0: i32) -> (i32, i32) {
    %c0_i32 = arith.constant 0 : i32
    %c0_i32_0 = arith.constant 0 : i32
    return %arg0, %c0_i32 : i32, i32
  }
  func.func @transform_2(%arg0: i32) -> (i32, i32) {
    %c0_i32 = arith.constant 0 : i32
    %c0_i32_0 = arith.constant 0 : i32
    %c0_i32_1 = arith.constant 0 : i32
    return %c0_i32, %c0_i32_0 : i32, i32
  }
  func.func @transform_3(%arg0: i32) -> (i32, i32) {
    %c0_i32 = arith.constant 0 : i32
    %c0_i32_0 = arith.constant 0 : i32
    %c0_i32_1 = arith.constant 0 : i32
    return %c0_i32, %c0_i32_0 : i32, i32
  }
  func.func @transform_4(%arg0: i32) -> (i32, i32) {
    %c0_i32 = arith.constant 0 : i32
    %c0_i32_0 = arith.constant 0 : i32
    %c0_i32_1 = arith.constant 0 : i32
    return %c0_i32, %c0_i32_0 : i32, i32
  }
  func.func @transform_5(%arg0: i32) -> (i32, i32) {
    %c0_i32 = arith.constant 0 : i32
    %c0_i32_0 = arith.constant 0 : i32
    %c0_i32_1 = arith.constant 0 : i32
    return %c0_i32, %c0_i32_0 : i32, i32
  }
  func.func @transform_6(%arg0: i32) -> (i32, i32) {
    %c0_i32 = arith.constant 0 : i32
    %c0_i32_0 = arith.constant 0 : i32
    %c0_i32_1 = arith.constant 0 : i32
    return %c0_i32, %c0_i32_0 : i32, i32
  }
  func.func @transform_7(%arg0: i32) -> (i32, i32) {
    %c0_i32 = arith.constant 0 : i32
    %c0_i32_0 = arith.constant 0 : i32
    %c0_i32_1 = arith.constant 0 : i32
    return %c0_i32, %c0_i32_0 : i32, i32
  }
  func.func @transform_8(%arg0: i32) -> (i32, i32) {
    %c0_i32 = arith.constant 0 : i32
    %c0_i32_0 = arith.constant 0 : i32
    return %arg0, %c0_i32 : i32, i32
  }
}

</mosaic_0001>

<sc_bundles>
// kernel: kernel.8.cloned.1.call-start
scs
__scs_entry_jumppad:
0x0: {  	(pc) =	sbr.rel $0x88, $3  }
0x1: {  	(tag) =	ssettag $0x0;
	lr =	simm.s32 $0x1  }
0x2: {  	[smem:$0x3F8C] =	sst lr;
	_ =	strace $0xD0000000  }
0x3: {  	_ = 	snop  }
0x4: {  	_ = 	snop  }
0x5: {  	_ = 	snop  }
0x6: {  	_ = 	snop  }
0x7: {  	_ = 	snop  }
__scs_overlays_trampoline_lowered:
0x8: {  	[smem:$0x3F9B] =	sst s0  }
0x9: {  	[smem:$0x3F9C] =	sst s1  }
0xa: {  	[smem:$0x3F9D] =	sst s2  }
0xb: {  	[smem:$0x3F9E] =	sst s3  }
0xc: {  	[smem:$0x3F9F] =	sst s4  }
0xd: {  	[smem:$0x3FA0] =	sst s5  }
0xe: {  	[smem:$0x3FA1] =	sst s6  }
0xf: {  	[smem:$0x3FA2] =	sst s7  }
0x10: {  	[smem:$0x3FA3] =	sst s8  }
0x11: {  	[smem:$0x3FA4] =	sst s9;
	s0 =	simm.s32 @!p0 $0x0  }
0x12: {  	s1 =	sld [smem:$0x3F8A];
	s0 =	simm.s32 @p0 $0x1  }
0x13: {  	[smem:$0x3FA5] =	sst s0;
	s0 =	simm.s32 @!p1 $0x0  }
0x14: {  	s2 =	sld [smem:$0x3F89];
	s0 =	simm.s32 @p1 $0x1  }
0x15: {  	[smem:$0x3FA6] =	sst s0;
	s0 =	simm.s32 @!p2 $0x0  }
0x16: {  	s3 =	sld [smem:$0x3FDB];
	s0 =	simm.s32 @p2 $0x1  }
0x17: {  	s4 =	simm.s32 $0x1BF5;
	[smem:$0x3FA8] =	sst s0  }
0x18: {  	s0 =	sld [smem:$0x3F8B];
	_ =	swait.ge [sflag:s4], $0x0  }
0x19: {  	s7 =	sld [smem:$0x3F8C]  }
0x1a: {  	s8 =	sadd.s32 $0xFFFFE003, lr  }
0x1b: {  	s9 =	sadd.s32 $0xFFFFFEF7, lr;
	s5 =	simm.s32 $0xFFFFFFFF;
	p2 =	slt.u32 s8, $0xFFFFF086  }
0x1c: {  	p1 =	slt.u32 s9, $0xF7A;
	s5 =	simm.s32 @!p2 $0x0  }
0x1d: {  	s5 =	simm.s32 @p1 $0x1;
	p0 =	seq.s32 s7, s2  }
0x1e: {  	s7 =	smul.u32 @!p0 $0xF7A, s2;
	p2 =	seq.s32 @!p0 s5, $0x0  }
0x1f: {  	s9 =	smul.u32 $0xF7A, s1;
	s8 =	simm.s32 @!p0 $0x1BF5;
	p2 =	por !p2, p0  }
0x20: {  	[sflag:s8] =	ssyncset.s32 @!p0 $0xFFFFF086;
	s6 =	sadd.s32 @!p0 s3, s7;
	s7 =	simm.s32 @!p0 $0x108  }
0x21: {  	s3 =	sadd.s32 s3, s9;
	s6 =	sadd.s32 @!p0 $0x88, s6;
	s7 =	simm.s32 @p2 $0x1082  }
0x22: {  	[simem:s7], [sflag:s8] =	dma.local @!p0 [hbm:s6], $0xF7A  }
0x23: {  	s9 =	sor.u32 $0xD0000000, s2;
	s6 =	simm.s32 $0x108;
	_ =	swait.ge @!p0 [sflag:s8], $0x0  }
0x24: {  	s3 =	sadd.s32 $0x88, s3;
	s6 =	simm.s32 @!p1 $0x1082;
	[sflag:s4] =	ssyncset.s32 $0xFFFFF086  }
0x25: {  	[simem:s6], [sflag:s4] =	dma.local [hbm:s3], $0xF7A  }
0x26: {  	[smem:$0x3F8C] =	sst s1;
	(tag) =	ssettag s2;
	_ =	strace s9  }
0x27: {  	s1 =	sld [smem:$0x3F9C]  }
0x28: {  	s2 =	sld [smem:$0x3F9D]  }
0x29: {  	s4 =	sld [smem:$0x3F9F]  }
0x2a: {  	p0 =	seq.s32 s5, $0x0;
	s5 =	sld [smem:$0x3FA0]  }
0x2b: {  	s6 =	sld [smem:$0x3FA1]  }
0x2c: {  	s7 =	sld [smem:$0x3FA2]  }
0x2d: {  	s3 =	simm.s32 $0x108;
	s8 =	sld [smem:$0x3FA3]  }
0x2e: {  	s3 =	simm.s32 @!p0 $0x1082;
	s9 =	sld [smem:$0x3FA4]  }
0x2f: {  	lr =	sadd.s32 s0, s3;
	s0 =	sld [smem:$0x3F9B]  }
0x30: {  	s3 =	sld [smem:$0x3F9E]  }
0x31: {  	[smem:$0x3FA7] =	sst s10  }
0x32: {  	s10 =	sld [smem:$0x3FA5];
	_ =	sdelay $0x3  }
0x33: {  	p0 =	seq.s32 s10, $0x1;
	s10 =	sld [smem:$0x3FA7];
	_ =	sdelay $0x3  }
0x34: {  	[smem:$0x3FA7] =	sst s10  }
0x35: {  	s10 =	sld [smem:$0x3FA6];
	_ =	sdelay $0x3  }
0x36: {  	p1 =	seq.s32 s10, $0x1;
	s10 =	sld [smem:$0x3FA7];
	_ =	sdelay $0x3  }
0x37: {  	[smem:$0x3FA7] =	sst s10  }
0x38: {  	s10 =	sld [smem:$0x3FA8]  }
0x39: {  	_ = 	snop;
	(pc) =	sbr.ind lr, $3  }
0x3a: {  	_ = 	snop  }
0x3b: {  	_ = 	snop  }
0x3c: {  	p2 =	seq.s32 s10, $0x1;
	s10 =	sld [smem:$0x3FA7]  }
0x3d: {  	_ =	shalt  }
0x3e: {  	_ =	shalt  }
0x3f: {  	_ =	shalt  }
0x40: {  	_ =	shalt  }
0x41: {  	_ =	shalt  }
0x42: {  	_ =	shalt  }
0x43: {  	_ =	shalt  }
0x44: {  	_ =	shalt  }
0x45: {  	_ =	shalt  }
0x46: {  	_ =	shalt  }
0x47: {  	_ =	shalt  }
0x48: {  	_ =	shalt  }
0x49: {  	_ =	shalt  }
0x4a: {  	_ =	shalt  }
0x4b: {  	_ =	shalt  }
0x4c: {  	_ =	shalt  }
0x4d: {  	_ =	shalt  }
0x4e: {  	_ =	shalt  }
0x4f: {  	_ =	shalt  }
0x50: {  	_ =	shalt  }
0x51: {  	_ =	shalt  }
0x52: {  	_ =	shalt  }
0x53: {  	_ =	shalt  }
0x54: {  	_ =	shalt  }
0x55: {  	_ =	shalt  }
0x56: {  	_ =	shalt  }
0x57: {  	_ =	shalt  }
0x58: {  	_ =	shalt  }
0x59: {  	_ =	shalt  }
0x5a: {  	_ =	shalt  }
0x5b: {  	_ =	shalt  }
0x5c: {  	_ =	shalt  }
0x5d: {  	_ =	shalt  }
0x5e: {  	_ =	shalt  }
0x5f: {  	_ =	shalt  }
0x60: {  	_ =	shalt  }
0x61: {  	_ =	shalt  }
0x62: {  	_ =	shalt  }
0x63: {  	_ =	shalt  }
0x64: {  	_ =	shalt  }
0x65: {  	_ =	shalt  }
0x66: {  	_ =	shalt  }
0x67: {  	_ =	shalt  }
0x68: {  	_ =	shalt  }
0x69: {  	_ =	shalt  }
0x6a: {  	_ =	shalt  }
0x6b: {  	_ =	shalt  }
0x6c: {  	_ =	shalt  }
0x6d: {  	_ =	shalt  }
0x6e: {  	_ =	shalt  }
0x6f: {  	_ =	shalt  }
0x70: {  	_ =	shalt  }
0x71: {  	_ =	shalt  }
0x72: {  	_ =	shalt  }
0x73: {  	_ =	shalt  }
0x74: {  	_ =	shalt  }
0x75: {  	_ =	shalt  }
0x76: {  	_ =	shalt  }
0x77: {  	_ =	shalt  }
0x78: {  	_ =	shalt  }
0x79: {  	_ =	shalt  }
0x7a: {  	_ =	shalt  }
0x7b: {  	_ =	shalt  }
0x7c: {  	_ =	shalt  }
0x7d: {  	_ =	shalt  }
0x7e: {  	_ =	shalt  }
0x7f: {  	_ =	shalt  }
0x80: {  	_ =	shalt  }
0x81: {  	_ =	shalt  }
0x82: {  	_ =	shalt  }
0x83: {  	_ =	shalt  }
0x84: {  	_ =	shalt  }
0x85: {  	_ =	shalt  }
0x86: {  	_ =	shalt  }
0x87: {  	_ =	shalt  }
.Lfunc_end0:
.L_simem_size_0:
called_computation.1_lowered:
.L_overlay_start_0:
0x88: {  	s2 =	sld [smem:$0x3FD9]  }
0x89: {  	s3 =	sld [smem:$0x3FFE];
	_ =	sdelay $0x1  }
0x8a: {  	s1 =	srdreg.scid  }
0x8b: {  	s0 =	sand.u32 $0x1, s1  }
0x8c: {  	s16 =	sshll.u32 s0, $0xA;
	s2 =	sadd.s32 s3, s2  }
0x8d: {  	s2 =	sadd.s32 s2, s16  }
0x8e: {  	[smem:$0x3FB3] =	sst s2  }
0x8f: {  	_ = 	snop  }
0x90: {  	(tm) =	ssettm $0x1  }
0x91: {  	s17 =	sld [smem:$0x3FFB];
	_ =	sdelay $0x3  }
0x92: {  	_ =	strace s17  }
0x93: {  	s2 =	sld [smem:$0x3FFC];
	_ =	sdelay $0x3  }
0x94: {  	_ =	strace s2  }
0x95: {  	s2 =	sld [smem:$0x3FFD];
	_ =	sdelay $0x3  }
0x96: {  	_ =	strace s2  }
0x97: {  	_ =	strace $0x8FFFFFFF  }
0x98: {  	s18 =	sld [smem:$0x3FDB];
	_ =	sdelay $0x1  }
0x99: {  	s19 =	simm.s32 $_scs_section_size  }
0x9a: {  	s4 =	simm.s32 $_size__tile_overlayer_lowered;
	s5 =	simm.s32 $_tile_overlayer_lowered  }
0x9b: {  	s22 =	simm.s32 $0x1BFF;
	s21 =	sshll.u32 s5, $0x1;
	s2 =	sadd.s32 s19, s18  }
0x9c: {  	s6 =	simm.s32 $0x0;
	s20 =	sshll.u32 s4, $0x1;
	s4 =	sadd.s32 s21, s2  }
0x9d: {  	[timem:s6], [sflag:s22] =	dma.local [hbm:s4], s20  }
0x9e: {  	_ =	swait.ge [sflag:s22], s20  }
0x9f: {  	s3 =	ssub.s32 $0x0, s20;
	[sflag:s22] =	ssyncset.done $0x0  }
0xa0: {  	[sflag:s22] =	ssyncadd.s32 s3;
	_ =	sdelay $0x1  }
0xa1: {  	s23 =	simm.s32 $0x1B8B  }
0xa2: {  	_ =	swait.ge [sflag:s23], $0x1  }
0xa3: {  	[sflag:s23] =	ssyncset.done $0x0  }
0xa4: {  	s25 =	simm.s32 $0x1B8E;
	s24 =	sld [smem:$0x3FFE];
	[sflag:s23] =	ssyncadd.s32 $0xFFFFFFFF  }
0xa5: {  	s26 =	simm.s32 $execute0_lowered;
	[smem:$0x3FD2] =	sst s25  }
0xa6: {  	s4 =	sshll.u32 s26, $0x1;
	_ =	strace $0x80000046;
	[dreg:$0x1] =	wrdreg $0xFFFFFFFF  }
0xa7: {  	s28 =	simm.s32 $_size_execute0_lowered;
	s2 =	sadd.s32 s2, s4;
	[dreg:$0x0] =	wrdreg $0x0  }
0xa8: {  	s4 =	sshll.u32 s28, $0x1;
	[dreg:$0x2] =	wrdreg s2  }
0xa9: {  	[dreg:$0x3] =	wrdreg s4  }
0xaa: {  	[dreg:$0x4] =	wrdreg $0xC0  }
0xab: {  	_ =	task [dreg:s6], $0x5FFFF  }
0xac: {  	[dreg:$0x1] =	wrdreg $0xFFFFFFFF  }
0xad: {  	[dreg:$0x0] =	wrdreg $0x60  }
0xae: {  	[dreg:$0x2] =	wrdreg s24  }
0xaf: {  	[dreg:$0x3] =	wrdreg $0x9  }
0xb0: {  	_ =	task.clear_ibuf [dreg:s6], $0x4FFFF;
	_ =	strace $0x90000046  }
0xb1: {  	s29 =	simm.s32 $0x9;
	_ =	strace $0x80000048  }
0xb2: {  	_ =	swait.ge [sflag:s29], $0x1  }
0xb3: {  	[sflag:s29] =	ssyncadd.s32 $0xFFFFFFFF  }
0xb4: {  	_ =	strace $0x90000048  }
0xb5: {  	_ =	sfence  }
0xb6: {  	s30 =	sld [smem:$0x0];
	_ =	sdelay $0x2  }
0xb7: {  	s31 =	sshll.u32 s1, $0xD;
	s1 =	sshrl.u32 s1, $0x2  }
0xb8: {  	s3 =	sand.u32 $0x4000, s31;
	s1 =	sadd.s32 s1, s30  }
0xb9: {  	s0 =	sor.u32 s3, s0;
	s1 =	sshll.u32 s1, $0x11  }
0xba: {  	s0 =	sor.u32 s1, s0  }
0xbb: {  	s0 =	sadd.s32 $0x8F2B, s0  }
0xbc: {  	[sflag:s0] =	ssyncadd.remote.s32 $0x1  }
0xbd: {  	_ =	sfence.sel $0xFFFF  }
0xbe: {  	[dreg:$0x0] =	wrdreg $0xFFFFFFFF;
	(pc) =	sbr.abs _section_cstart, $3  }
0xbf: {  	[dreg:$0x1] =	wrdreg $0xFFFFFFFF  }
0xc0: {  	_ =	task.clear_ibuf [dreg:s6], $0x2FFFF;
	_ =	strace $0x9FFFFFFF  }
0xc1: {  	(tm) =	ssettm $0x7FFFFFFF  }
tec
execute0_lowered:
.L_overlay_start_1:
0x0: {  	(tag) =	ssettag $0x1  }
0x1: {  	s0 =	rddreg [dreg:$0x0];
	s1 =	srdreg.scid  }
0x2: {  	s3 =	stileid.u32;
	s2 =	simm.s32 $0x0;
	s15 =	simm.s32 $0x3  }
0x3: {  	s17 =	simm.s32 $0x3200;
	s18 =	simm.s32 $0x4B00;
	s19 =	simm.s32 $0x80  }
0x4: {  	s20 =	simm.s32 $0x6400;
	s24 =	simm.s32 $0x8400;
	s25 =	simm.s32 $0xC400  }
0x5: {  	s28 =	simm.s32 $0x14400;
	s1 =	sand.u32 $0x1, s1;
	s3 =	sshll.u32 s3, $0x1  }
0x6: {  	s29 =	simm.s32 $0x1;
	s30 =	simm.s32 $0x2;
	s13 =	sor.u32 s1, s3  }
0x7: {  	[smem:$0x7FF] =	sst s2;
	s4 =	sadd.s32 $0x1A6800, s0;
	s3 =	smul.u32 $0x1900, s13  }
0x8: {  	s5 =	sadd.s32 $0x6C00, s0;
	s6 =	sadd.s32 $0xCA200, s0;
	s7 =	sadd.s32 $0xCC200, s0  }
0x9: {  	_ =	strace $0x80000047;
	s26 =	ssub.s32 $0x2, s1;
	s8 =	sshrl.u32 s3, $0x3  }
0xa: {  	s1 =	sshrl.u32 s26, $0x1;
	s13 =	smul.u32 $0x64000, s13;
	s12 =	sadd.s32 s8, s0  }
0xb: {  	s8 =	sadd.s32 $0x269E00, s0;
	s0 =	ssub.s32 s26, s1;
	s26 =	simm.s32 $0x10400  }
0xc: {  	s31 =	simm.s32 $0x0;
	s9 =	sadd.s32 $0x18D800, s12;
	s10 =	sadd.s32 $0x193C00, s12  }
0xd: {  	s11 =	sadd.s32 $0x19A000, s12;
	s12 =	sadd.s32 $0x1A0400, s12;
	s14 =	smax.u32 s0, $0x1  }
.LBB2_1:
0xe: {  	[tilespmem:s2], [sflag:$0x3] =	stream.linear.gather [hbm4b:s9+s2], $0x1900, $0x38;
	[tilespmem:$0x16400] =	vst v63  }
0xf: {  	_ =	swait.ge [sflag:s15], $0x1900  }
0x10: {  	[sflag:s15] =	ssyncset.done $0x0  }
0x11: {  	s0 =	simm.s32 $0x1900;
	[sflag:s15] =	ssyncadd.s32 $0xFFFFE700  }
0x12: {  	[tilespmem:s0], [sflag:$0x3] =	stream.linear.gather [hbm4b:s10+s2], $0x1900, $0x38;
	[tilespmem:$0x16400] =	vst v63  }
0x13: {  	_ =	swait.ge [sflag:s15], $0x1900  }
0x14: {  	[sflag:s15] =	ssyncset.done $0x0  }
0x15: {  	[sflag:s15] =	ssyncadd.s32 $0xFFFFE700  }
0x16: {  	[tilespmem:s17], [sflag:$0x3] =	stream.linear.gather [hbm4b:s11+s2], $0x1900, $0x38;
	[tilespmem:$0x16400] =	vst v63  }
0x17: {  	_ =	swait.ge [sflag:s15], $0x1900  }
0x18: {  	[sflag:s15] =	ssyncset.done $0x0  }
0x19: {  	[sflag:s15] =	ssyncadd.s32 $0xFFFFE700  }
0x1a: {  	[tilespmem:s18], [sflag:$0x3] =	stream.linear.gather [hbm4b:s12+s2], $0x1900, $0x38;
	[tilespmem:$0x16400] =	vst v63  }
0x1b: {  	_ =	swait.ge [sflag:s15], $0x1900  }
0x1c: {  	[sflag:s15] =	ssyncset.done $0x0  }
0x1d: {  	[sflag:s15] =	ssyncadd.s32 $0xFFFFE700  }
0x1e: {  	[tilespmem:s20], [sflag:$0x1] =	stream.indirect.gather [hbm4b:s4+s19], $0x40, s2, s19, $0xb8;
	[tilespmem:$0x16400] =	vst v63  }
0x1f: {  	s1 =	simm.s32 $0xA400  }
0x20: {  	[tilespmem:s1], [sflag:$0x1] =	stream.indirect.gather [hbm4b:s5+s19], $0x40, s0, s19, $0xb8;
	[tilespmem:$0x16400] =	vst v63  }
0x21: {  	s22 =	simm.s32 $0xE400  }
0x22: {  	[tilespmem:s22], [sflag:$0x1] =	stream.indirect.gather [hbm4b:s6+s19], $0x40, s17, s19, $0xb8;
	[tilespmem:$0x16400] =	vst v63  }
0x23: {  	s23 =	simm.s32 $0x12400;
	s0 =	simm.s32 $0x0  }
0x24: {  	[tilespmem:s23], [sflag:$0x1] =	stream.indirect.gather [hbm4b:s7+s19], $0x40, s18, s19, $0xb8;
	[tilespmem:$0x16400] =	vst v63  }
.LBB2_2:
0x25: {  	s21 =	sshll.u32 s0, $0x8  }
0x26: {  	s1 =	sor.u32 $0x80, s21  }
0x27: {  	[tilespmem:s24], [sflag:$0x2] =	stream.indirect.gather [hbm4b:s4+s19], $0x40, s1, s19, $0xb8;
	[tilespmem:$0x16400] =	vst v63  }
0x28: {  	s22 =	sadd.s32 $0x1980, s21  }
0x29: {  	[tilespmem:s25], [sflag:$0x2] =	stream.indirect.gather [hbm4b:s5+s19], $0x40, s22, s19, $0xb8;
	[tilespmem:$0x16400] =	vst v63  }
0x2a: {  	s16 =	sadd.s32 $0x3280, s21  }
0x2b: {  	[tilespmem:s26], [sflag:$0x2] =	stream.indirect.gather [hbm4b:s6+s19], $0x40, s16, s19, $0xb8;
	[tilespmem:$0x16400] =	vst v63  }
0x2c: {  	s23 =	sadd.s32 $0x4B80, s21  }
0x2d: {  	[tilespmem:s28], [sflag:$0x2] =	stream.indirect.gather [hbm4b:s7+s19], $0x40, s23, s19, $0xb8;
	[tilespmem:$0x16400] =	vst v63  }
0x2e: {  	_ =	swait.ge [sflag:s29], $0x2000  }
0x2f: {  	[sflag:s29] =	ssyncset.done $0x0  }
0x30: {  	[sflag:s29] =	ssyncadd.s32 $0xFFFFE000  }
0x31: {  	_ =	swait.ge [sflag:s29], $0x2000  }
0x32: {  	[sflag:s29] =	ssyncset.done $0x0  }
0x33: {  	[sflag:s29] =	ssyncadd.s32 $0xFFFFE000  }
0x34: {  	_ =	swait.ge [sflag:s29], $0x2000  }
0x35: {  	[sflag:s29] =	ssyncset.done $0x0  }
0x36: {  	[sflag:s29] =	ssyncadd.s32 $0xFFFFE000  }
0x37: {  	_ =	swait.ge [sflag:s29], $0x2000  }
0x38: {  	[sflag:s29] =	ssyncset.done $0x0  }
0x39: {  	s22 =	simm.s32 $0x0;
	[sflag:s29] =	ssyncadd.s32 $0xFFFFE000  }
0x3a: {  	s23 =	simm.s32 $0x800;
	v0 =	vld [tilespmem:s22+$0xA5F0]  }
.LBB2_3:
0x3b: {  	p0 =	sne.s32 s23, $0x7800;
	v1 =	vld [tilespmem:s22+$0xE5F0]  }
0x3c: {  	v2 =	vld [tilespmem:s22+$0xA400]  }
0x3d: {  	v3 =	vld [tilespmem:s22+$0x125F0]  }
0x3e: {  	v4 =	vld [tilespmem:s22+$0xE400]  }
0x3f: {  	v5 =	vld [tilespmem:s22+$0xA410]  }
0x40: {  	v6 =	vld [tilespmem:s22+$0xE410];
	v0 =	vadd.f32 v1, v0  }
0x41: {  	v7 =	vld [tilespmem:s22+$0xA420]  }
0x42: {  	v8 =	vld [tilespmem:s22+$0xE420];
	v1 =	vadd.f32 v3, v0  }
0x43: {  	v0 =	vadd.f32 v4, v2;
	v3 =	vld [tilespmem:s22+$0xA430]  }
0x44: {  	[tilespmem:s22+$0x65F0] =	vst.add.f32.msk $0xffff, v1  }
0x45: {  	v1 =	vadd.f32 v6, v5;
	v4 =	vld [tilespmem:s22+$0xE430]  }
0x46: {  	v5 =	vld [tilespmem:s22+$0xA440]  }
0x47: {  	v2 =	vadd.f32 v8, v7;
	v6 =	vld [tilespmem:s22+$0xE440]  }
0x48: {  	v7 =	vld [tilespmem:s22+$0xA450]  }
0x49: {  	v8 =	vld [tilespmem:s22+$0xE450]  }
0x4a: {  	v3 =	vadd.f32 v4, v3;
	v9 =	vld [tilespmem:s22+$0xA460]  }
0x4b: {  	v10 =	vld [tilespmem:s22+$0xE460]  }
0x4c: {  	v4 =	vadd.f32 v6, v5;
	v11 =	vld [tilespmem:s22+$0xA470]  }
0x4d: {  	v12 =	vld [tilespmem:s22+$0xE470]  }
0x4e: {  	v5 =	vadd.f32 v8, v7;
	v8 =	vld [tilespmem:s22+$0xA480]  }
0x4f: {  	v13 =	vld [tilespmem:s22+$0xE480]  }
0x50: {  	v6 =	vadd.f32 v10, v9;
	v9 =	vld [tilespmem:s22+$0xA490]  }
0x51: {  	v10 =	vld [tilespmem:s22+$0xE490]  }
0x52: {  	v7 =	vadd.f32 v12, v11;
	v11 =	vld [tilespmem:s22+$0xA4A0]  }
0x53: {  	v12 =	vld [tilespmem:s22+$0xE4A0]  }
0x54: {  	v8 =	vadd.f32 v13, v8;
	v13 =	vld [tilespmem:s22+$0xA4B0]  }
0x55: {  	v14 =	vld [tilespmem:s22+$0xE4B0]  }
0x56: {  	v9 =	vadd.f32 v10, v9;
	v15 =	vld [tilespmem:s22+$0xA4C0]  }
0x57: {  	v16 =	vld [tilespmem:s22+$0xE4C0]  }
0x58: {  	v10 =	vadd.f32 v12, v11;
	v17 =	vld [tilespmem:s22+$0xA4D0]  }
0x59: {  	v18 =	vld [tilespmem:s22+$0xE4D0]  }
0x5a: {  	v11 =	vadd.f32 v14, v13;
	v13 =	vld [tilespmem:s22+$0xA4E0]  }
0x5b: {  	v14 =	vld [tilespmem:s22+$0xE4E0]  }
0x5c: {  	v12 =	vadd.f32 v16, v15;
	v15 =	vld [tilespmem:s22+$0xA4F0]  }
0x5d: {  	v16 =	vld [tilespmem:s22+$0xE4F0]  }
0x5e: {  	v17 =	vadd.f32 v18, v17;
	v18 =	vld [tilespmem:s22+$0xA500]  }
0x5f: {  	v19 =	vld [tilespmem:s22+$0xE500]  }
0x60: {  	v13 =	vadd.f32 v14, v13;
	v14 =	vld [tilespmem:s22+$0xA510]  }
0x61: {  	v20 =	vld [tilespmem:s22+$0xE510]  }
0x62: {  	v15 =	vadd.f32 v16, v15;
	v16 =	vld [tilespmem:s22+$0xA520]  }
0x63: {  	v21 =	vld [tilespmem:s22+$0xE520]  }
0x64: {  	v18 =	vadd.f32 v19, v18;
	v19 =	vld [tilespmem:s22+$0xA530]  }
0x65: {  	v22 =	vld [tilespmem:s22+$0xE530]  }
0x66: {  	v14 =	vadd.f32 v20, v14;
	v20 =	vld [tilespmem:s22+$0xA540]  }
0x67: {  	v23 =	vld [tilespmem:s22+$0xE540]  }
0x68: {  	v16 =	vadd.f32 v21, v16;
	v21 =	vld [tilespmem:s22+$0xA550]  }
0x69: {  	v24 =	vld [tilespmem:s22+$0xE550]  }
0x6a: {  	v19 =	vadd.f32 v22, v19;
	v22 =	vld [tilespmem:s22+$0xA560]  }
0x6b: {  	v25 =	vld [tilespmem:s22+$0xE560]  }
0x6c: {  	v20 =	vadd.f32 v23, v20;
	v23 =	vld [tilespmem:s22+$0xA570]  }
0x6d: {  	v26 =	vld [tilespmem:s22+$0xE570]  }
0x6e: {  	v21 =	vadd.f32 v24, v21;
	v24 =	vld [tilespmem:s22+$0xA580]  }
0x6f: {  	v27 =	vld [tilespmem:s22+$0xE580]  }
0x70: {  	v22 =	vadd.f32 v25, v22;
	v25 =	vld [tilespmem:s22+$0xA590]  }
0x71: {  	v28 =	vld [tilespmem:s22+$0xE590]  }
0x72: {  	v23 =	vadd.f32 v26, v23;
	v26 =	vld [tilespmem:s22+$0xA5A0]  }
0x73: {  	v29 =	vld [tilespmem:s22+$0xE5A0]  }
0x74: {  	v24 =	vadd.f32 v27, v24;
	v27 =	vld [tilespmem:s22+$0xA5B0]  }
0x75: {  	v30 =	vld [tilespmem:s22+$0xE5B0]  }
0x76: {  	v25 =	vadd.f32 v28, v25;
	v28 =	vld [tilespmem:s22+$0xA5C0]  }
0x77: {  	v31 =	vld [tilespmem:s22+$0xE5C0]  }
0x78: {  	v26 =	vadd.f32 v29, v26;
	v29 =	vld [tilespmem:s22+$0xA5D0]  }
0x79: {  	v32 =	vld [tilespmem:s22+$0xE5D0]  }
0x7a: {  	v27 =	vadd.f32 v30, v27;
	v30 =	vld [tilespmem:s22+$0xA5E0]  }
0x7b: {  	v33 =	vld [tilespmem:s22+$0xE5E0]  }
0x7c: {  	v34 =	vld [tilespmem:s22+$0x12400];
	v28 =	vadd.f32 v31, v28  }
0x7d: {  	v31 =	vld [tilespmem:s22+$0x12410]  }
0x7e: {  	v35 =	vld [tilespmem:s22+$0x12420];
	v29 =	vadd.f32 v32, v29  }
0x7f: {  	v32 =	vld [tilespmem:s22+$0x12430]  }
0x80: {  	v36 =	vld [tilespmem:s22+$0x12440];
	v30 =	vadd.f32 v33, v30  }
0x81: {  	v0 =	vadd.f32 v34, v0;
	v33 =	vld [tilespmem:s22+$0x12450]  }
0x82: {  	v1 =	vadd.f32 v31, v1;
	v31 =	vld [tilespmem:s22+$0x12460]  }
0x83: {  	v2 =	vadd.f32 v35, v2;
	v34 =	vld [tilespmem:s22+$0x12470]  }
0x84: {  	v3 =	vadd.f32 v32, v3;
	v32 =	vld [tilespmem:s22+$0x12480]  }
0x85: {  	v4 =	vadd.f32 v36, v4;
	v35 =	vld [tilespmem:s22+$0x12490]  }
0x86: {  	v5 =	vadd.f32 v33, v5;
	v33 =	vld [tilespmem:s22+$0x124A0]  }
0x87: {  	v6 =	vadd.f32 v31, v6;
	v31 =	vld [tilespmem:s22+$0x124B0]  }
0x88: {  	v7 =	vadd.f32 v34, v7;
	v34 =	vld [tilespmem:s22+$0x124C0]  }
0x89: {  	v8 =	vadd.f32 v32, v8;
	v32 =	vld [tilespmem:s22+$0x124D0]  }
0x8a: {  	v9 =	vadd.f32 v35, v9;
	v35 =	vld [tilespmem:s22+$0x124E0]  }
0x8b: {  	v10 =	vadd.f32 v33, v10;
	v33 =	vld [tilespmem:s22+$0x124F0]  }
0x8c: {  	v11 =	vadd.f32 v31, v11;
	v31 =	vld [tilespmem:s22+$0x12500]  }
0x8d: {  	v12 =	vadd.f32 v34, v12;
	v34 =	vld [tilespmem:s22+$0x12510]  }
0x8e: {  	v17 =	vadd.f32 v32, v17;
	v32 =	vld [tilespmem:s22+$0x12520]  }
0x8f: {  	v13 =	vadd.f32 v35, v13;
	v35 =	vld [tilespmem:s22+$0x12530]  }
0x90: {  	v15 =	vadd.f32 v33, v15;
	v33 =	vld [tilespmem:s22+$0x12540]  }
0x91: {  	v18 =	vadd.f32 v31, v18;
	v31 =	vld [tilespmem:s22+$0x12550]  }
0x92: {  	v14 =	vadd.f32 v34, v14;
	v34 =	vld [tilespmem:s22+$0x12560]  }
0x93: {  	v16 =	vadd.f32 v32, v16;
	v32 =	vld [tilespmem:s22+$0x12570]  }
0x94: {  	v19 =	vadd.f32 v35, v19;
	v35 =	vld [tilespmem:s22+$0x12580]  }
0x95: {  	v20 =	vadd.f32 v33, v20;
	v33 =	vld [tilespmem:s22+$0x12590]  }
0x96: {  	v21 =	vadd.f32 v31, v21;
	v31 =	vld [tilespmem:s22+$0x125A0]  }
0x97: {  	v22 =	vadd.f32 v34, v22;
	v34 =	vld [tilespmem:s22+$0x125B0]  }
0x98: {  	v23 =	vadd.f32 v32, v23;
	v32 =	vld [tilespmem:s22+$0x125C0]  }
0x99: {  	v24 =	vadd.f32 v35, v24;
	v35 =	vld [tilespmem:s22+$0x125D0]  }
0x9a: {  	v25 =	vadd.f32 v33, v25;
	v33 =	vld [tilespmem:s22+$0x125E0]  }
0x9b: {  	[tilespmem:s22+$0x6400] =	vst.add.f32.msk $0xffff, v0;
	v0 =	vadd.f32 v31, v26  }
0x9c: {  	[tilespmem:s22+$0x6410] =	vst.add.f32.msk $0xffff, v1;
	v1 =	vadd.f32 v34, v27  }
0x9d: {  	[tilespmem:s22+$0x6420] =	vst.add.f32.msk $0xffff, v2;
	v2 =	vadd.f32 v32, v28  }
0x9e: {  	[tilespmem:s22+$0x6430] =	vst.add.f32.msk $0xffff, v3;
	v3 =	vadd.f32 v35, v29  }
0x9f: {  	[tilespmem:s22+$0x6440] =	vst.add.f32.msk $0xffff, v4;
	v4 =	vadd.f32 v33, v30  }
0xa0: {  	[tilespmem:s22+$0x6450] =	vst.add.f32.msk $0xffff, v5  }
0xa1: {  	[tilespmem:s22+$0x6460] =	vst.add.f32.msk $0xffff, v6  }
0xa2: {  	[tilespmem:s22+$0x6470] =	vst.add.f32.msk $0xffff, v7  }
0xa3: {  	[tilespmem:s22+$0x6480] =	vst.add.f32.msk $0xffff, v8  }
0xa4: {  	[tilespmem:s22+$0x6490] =	vst.add.f32.msk $0xffff, v9  }
0xa5: {  	[tilespmem:s22+$0x64A0] =	vst.add.f32.msk $0xffff, v10  }
0xa6: {  	[tilespmem:s22+$0x64B0] =	vst.add.f32.msk $0xffff, v11  }
0xa7: {  	[tilespmem:s22+$0x64C0] =	vst.add.f32.msk $0xffff, v12  }
0xa8: {  	[tilespmem:s22+$0x64D0] =	vst.add.f32.msk $0xffff, v17  }
0xa9: {  	[tilespmem:s22+$0x64E0] =	vst.add.f32.msk $0xffff, v13  }
0xaa: {  	[tilespmem:s22+$0x64F0] =	vst.add.f32.msk $0xffff, v15  }
0xab: {  	[tilespmem:s22+$0x6500] =	vst.add.f32.msk $0xffff, v18  }
0xac: {  	[tilespmem:s22+$0x6510] =	vst.add.f32.msk $0xffff, v14  }
0xad: {  	[tilespmem:s22+$0x6520] =	vst.add.f32.msk $0xffff, v16  }
0xae: {  	[tilespmem:s22+$0x6530] =	vst.add.f32.msk $0xffff, v19  }
0xaf: {  	[tilespmem:s22+$0x6540] =	vst.add.f32.msk $0xffff, v20  }
0xb0: {  	[tilespmem:s22+$0x6550] =	vst.add.f32.msk $0xffff, v21  }
0xb1: {  	[tilespmem:s22+$0x6560] =	vst.add.f32.msk $0xffff, v22  }
0xb2: {  	[tilespmem:s22+$0x6570] =	vst.add.f32.msk $0xffff, v23  }
0xb3: {  	[tilespmem:s22+$0x6580] =	vst.add.f32.msk $0xffff, v24  }
0xb4: {  	[tilespmem:s22+$0x6590] =	vst.add.f32.msk $0xffff, v25  }
0xb5: {  	[tilespmem:s22+$0x65A0] =	vst.add.f32.msk $0xffff, v0  }
.Ltmp0:
0xb6: {  	[tilespmem:s22+$0x65B0] =	vst.add.f32.msk $0xffff, v1;
	(pc) =	sbr.rel @p0 .LBB2_3-.Ltmp0, $4  }
0xb7: {  	[tilespmem:s22+$0x65C0] =	vst.add.f32.msk $0xffff, v2  }
0xb8: {  	[tilespmem:s22+$0x65D0] =	vst.add.f32.msk $0xffff, v3  }
0xb9: {  	[tilespmem:s22+$0x65E0] =	vst.add.f32.msk $0xffff, v4;
	s22 =	sshra.s32 s23, $0x2  }
0xba: {  	s23 =	sadd.s32 $0x800, s23;
	v0 =	vld [tilespmem:s22+$0xA5F0]  }
0xbb: {  	v1 =	vld [tilespmem:s22+$0xE5F0];
	_ =	sdelay $0x1  }
0xbc: {  	v3 =	vld [tilespmem:s22+$0x125F0];
	_ =	sdelay $0x2  }
0xbd: {  	v0 =	vadd.f32 v1, v0;
	_ =	sdelay $0x1  }
0xbe: {  	v0 =	vadd.f32 v3, v0;
	_ =	sdelay $0x1  }
0xbf: {  	[tilespmem:s22+$0x65F0] =	vst.add.f32.msk $0xffff, v0  }
0xc0: {  	v0 =	vld [tilespmem:s22+$0xA520];
	_ =	sdelay $0x4  }
0xc1: {  	[tilespmem:$0x1FE70] =	vst v0;
	v0 =	vld [tilespmem:s22+$0xA530];
	_ =	sdelay $0x4  }
0xc2: {  	[tilespmem:$0x1FE80] =	vst v0;
	v0 =	vld [tilespmem:s22+$0xE530];
	_ =	sdelay $0x4  }
0xc3: {  	[tilespmem:$0x1FE90] =	vst v0;
	v0 =	vld [tilespmem:s22+$0xA540];
	_ =	sdelay $0x4  }
0xc4: {  	[tilespmem:$0x1FEA0] =	vst v0;
	v0 =	vld [tilespmem:s22+$0xE540];
	_ =	sdelay $0x2  }
0xc5: {  	v38 =	vld [tilespmem:s22+$0xA400]  }
0xc6: {  	v30 =	vld [tilespmem:s22+$0xE400]  }
0xc7: {  	[tilespmem:$0x1FEB0] =	vst v0;
	v0 =	vld [tilespmem:s22+$0xA550]  }
0xc8: {  	v36 =	vld [tilespmem:s22+$0xA410]  }
0xc9: {  	v32 =	vld [tilespmem:s22+$0xE410]  }
0xca: {  	v31 =	vld [tilespmem:s22+$0xA420]  }
0xcb: {  	v26 =	vld [tilespmem:s22+$0xE420]  }
0xcc: {  	[tilespmem:$0x1FEC0] =	vst v0;
	v0 =	vld [tilespmem:s22+$0xE550]  }
0xcd: {  	v28 =	vld [tilespmem:s22+$0xA430]  }
0xce: {  	v25 =	vld [tilespmem:s22+$0xE430]  }
0xcf: {  	v33 =	vld [tilespmem:s22+$0xA440]  }
0xd0: {  	v27 =	vld [tilespmem:s22+$0xE440]  }
0xd1: {  	[tilespmem:$0x1FED0] =	vst v0;
	v0 =	vld [tilespmem:s22+$0xA560]  }
0xd2: {  	v35 =	vld [tilespmem:s22+$0xA450]  }
0xd3: {  	v29 =	vld [tilespmem:s22+$0xE450]  }
0xd4: {  	v37 =	vld [tilespmem:s22+$0xA460]  }
0xd5: {  	v34 =	vld [tilespmem:s22+$0xE460]  }
0xd6: {  	[tilespmem:$0x1FEE0] =	vst v0;
	v0 =	vld [tilespmem:s22+$0xE560]  }
0xd7: {  	v40 =	vld [tilespmem:s22+$0xA470]  }
0xd8: {  	v39 =	vld [tilespmem:s22+$0xE470]  }
0xd9: {  	v42 =	vld [tilespmem:s22+$0xA480]  }
0xda: {  	v41 =	vld [tilespmem:s22+$0xE480]  }
0xdb: {  	[tilespmem:$0x1FEF0] =	vst v0;
	v0 =	vld [tilespmem:s22+$0xA570]  }
0xdc: {  	v44 =	vld [tilespmem:s22+$0xA490]  }
0xdd: {  	v43 =	vld [tilespmem:s22+$0xE490]  }
0xde: {  	v46 =	vld [tilespmem:s22+$0xA4A0]  }
0xdf: {  	v45 =	vld [tilespmem:s22+$0xE4A0]  }
0xe0: {  	[tilespmem:$0x1FF00] =	vst v0;
	v0 =	vld [tilespmem:s22+$0xE570]  }
0xe1: {  	v48 =	vld [tilespmem:s22+$0xA4B0]  }
0xe2: {  	v47 =	vld [tilespmem:s22+$0xE4B0]  }
0xe3: {  	v50 =	vld [tilespmem:s22+$0xA4C0]  }
0xe4: {  	v49 =	vld [tilespmem:s22+$0xE4C0]  }
0xe5: {  	[tilespmem:$0x1FF10] =	vst v0;
	v0 =	vld [tilespmem:s22+$0xA580]  }
0xe6: {  	v52 =	vld [tilespmem:s22+$0xA4D0]  }
0xe7: {  	v51 =	vld [tilespmem:s22+$0xE4D0]  }
0xe8: {  	v54 =	vld [tilespmem:s22+$0xA4E0]  }
0xe9: {  	v53 =	vld [tilespmem:s22+$0xE4E0]  }
0xea: {  	[tilespmem:$0x1FF20] =	vst v0;
	v0 =	vld [tilespmem:s22+$0xE580]  }
0xeb: {  	v56 =	vld [tilespmem:s22+$0xA4F0]  }
0xec: {  	v55 =	vld [tilespmem:s22+$0xE4F0]  }
0xed: {  	v58 =	vld [tilespmem:s22+$0xA500]  }
0xee: {  	v57 =	vld [tilespmem:s22+$0xE500]  }
0xef: {  	[tilespmem:$0x1FF30] =	vst v0;
	v0 =	vld [tilespmem:s22+$0xA590]  }
0xf0: {  	v60 =	vld [tilespmem:s22+$0xA510]  }
0xf1: {  	v59 =	vld [tilespmem:s22+$0xE510]  }
0xf2: {  	v61 =	vld [tilespmem:s22+$0xE520]  }
0xf3: {  	v62 =	vld [tilespmem:s22+$0x12400]  }
0xf4: {  	[tilespmem:$0x1FF40] =	vst v0;
	v0 =	vld [tilespmem:s22+$0xE590]  }
0xf5: {  	v63 =	vld [tilespmem:s22+$0x12410]  }
0xf6: {  	v2 =	vld [tilespmem:s22+$0x12440]  }
0xf7: {  	v4 =	vld [tilespmem:s22+$0x12460]  }
0xf8: {  	v5 =	vld [tilespmem:s22+$0x12470]  }
0xf9: {  	[tilespmem:$0x1FF50] =	vst v0;
	v0 =	vld [tilespmem:s22+$0xA5A0]  }
0xfa: {  	v6 =	vld [tilespmem:s22+$0x12480]  }
0xfb: {  	v7 =	vld [tilespmem:s22+$0x12490]  }
0xfc: {  	v8 =	vld [tilespmem:s22+$0x124A0]  }
0xfd: {  	v9 =	vld [tilespmem:s22+$0x124B0]  }
0xfe: {  	[tilespmem:$0x1FF60] =	vst v0;
	v0 =	vld [tilespmem:s22+$0xE5A0]  }
0xff: {  	v10 =	vld [tilespmem:s22+$0x124C0]  }
0x100: {  	v11 =	vld [tilespmem:s22+$0x124D0]  }
0x101: {  	v12 =	vld [tilespmem:s22+$0x124E0]  }
0x102: {  	v13 =	vld [tilespmem:s22+$0x124F0]  }
0x103: {  	[tilespmem:$0x1FF70] =	vst v0;
	v0 =	vld [tilespmem:s22+$0xA5B0]  }
0x104: {  	v14 =	vld [tilespmem:s22+$0x12500]  }
0x105: {  	v15 =	vld [tilespmem:s22+$0x12510]  }
0x106: {  	v16 =	vld [tilespmem:s22+$0x12520]  }
0x107: {  	v17 =	vld [tilespmem:s22+$0x12530]  }
0x108: {  	[tilespmem:$0x1FF80] =	vst v0;
	v0 =	vld [tilespmem:s22+$0xE5B0]  }
0x109: {  	v18 =	vld [tilespmem:s22+$0x12540]  }
0x10a: {  	v19 =	vld [tilespmem:s22+$0x12550]  }
0x10b: {  	v20 =	vld [tilespmem:s22+$0x12560]  }
0x10c: {  	v21 =	vld [tilespmem:s22+$0x12570]  }
0x10d: {  	[tilespmem:$0x1FF90] =	vst v0;
	v0 =	vld [tilespmem:s22+$0xA5C0]  }
0x10e: {  	v22 =	vld [tilespmem:s22+$0x12580]  }
0x10f: {  	v1 =	vld [tilespmem:s22+$0x12430]  }
0x110: {  	v23 =	vld [tilespmem:s22+$0x12590]  }
0x111: {  	v24 =	vld [tilespmem:s22+$0x125A0]  }
0x112: {  	v25 =	vadd.f32 v25, v28;
	[tilespmem:$0x1FFA0] =	vst v0;
	v0 =	vld [tilespmem:s22+$0xE5C0]  }
0x113: {  	v30 =	vadd.f32 v30, v38;
	v38 =	vld [tilespmem:s22+$0x125B0]  }
0x114: {  	v3 =	vld [tilespmem:s22+$0x12450];
	v1 =	vadd.f32 v1, v25  }
0x115: {  	v32 =	vadd.f32 v32, v36;
	v36 =	vld [tilespmem:s22+$0x125C0]  }
0x116: {  	[tilespmem:s22+$0x6430] =	vst.add.f32.msk $0xffff, v1;
	v1 =	vadd.f32 v41, v42  }
0x117: {  	v35 =	vadd.f32 v29, v35;
	v63 =	vadd.f32 v63, v32;
	[tilespmem:$0x1FFB0] =	vst v0;
	v0 =	vld [tilespmem:s22+$0xA5D0]  }
0x118: {  	v26 =	vadd.f32 v26, v31;
	v31 =	vld [tilespmem:s22+$0x125D0];
	v1 =	vadd.f32 v6, v1  }
0x119: {  	v27 =	vadd.f32 v27, v33;
	[tilespmem:s22+$0x6410] =	vst.add.f32.msk $0xffff, v63;
	v3 =	vadd.f32 v3, v35  }
0x11a: {  	[tilespmem:s22+$0x6480] =	vst.add.f32.msk $0xffff, v1;
	v1 =	vadd.f32 v51, v52  }
0x11b: {  	v2 =	vadd.f32 v2, v27;
	[tilespmem:s22+$0x6450] =	vst.add.f32.msk $0xffff, v3  }
0x11c: {  	v3 =	vadd.f32 v45, v46;
	v1 =	vadd.f32 v11, v1;
	[tilespmem:$0x1FFC0] =	vst v0;
	v0 =	vld [tilespmem:s22+$0xE5D0]  }
0x11d: {  	[tilespmem:s22+$0x6440] =	vst.add.f32.msk $0xffff, v2  }
0x11e: {  	v37 =	vadd.f32 v34, v37;
	v3 =	vadd.f32 v8, v3;
	[tilespmem:s22+$0x64D0] =	vst.add.f32.msk $0xffff, v1  }
0x11f: {  	v2 =	vadd.f32 v43, v44;
	v1 =	vld [tilespmem:$0x1FE70]  }
0x120: {  	v4 =	vadd.f32 v4, v37;
	[tilespmem:s22+$0x64A0] =	vst.add.f32.msk $0xffff, v3;
	v3 =	vadd.f32 v55, v56  }
0x121: {  	v2 =	vadd.f32 v7, v2;
	[tilespmem:$0x1FFD0] =	vst v0;
	v0 =	vld [tilespmem:s22+$0xA5E0]  }
0x122: {  	[tilespmem:s22+$0x6460] =	vst.add.f32.msk $0xffff, v4;
	v3 =	vadd.f32 v13, v3  }
0x123: {  	[tilespmem:s22+$0x6490] =	vst.add.f32.msk $0xffff, v2  }
0x124: {  	[tilespmem:s22+$0x64F0] =	vst.add.f32.msk $0xffff, v3;
	v1 =	vadd.f32 v61, v1  }
0x125: {  	v3 =	vld [tilespmem:$0x1FEA0]  }
0x126: {  	v1 =	vadd.f32 v16, v1;
	[tilespmem:$0x1FFE0] =	vst v0;
	v0 =	vld [tilespmem:s22+$0xE5E0]  }
0x127: {  	v51 =	vld [tilespmem:$0x1FEB0]  }
0x128: {  	v48 =	vadd.f32 v47, v48;
	[tilespmem:s22+$0x6520] =	vst.add.f32.msk $0xffff, v1  }
0x129: {  	v2 =	vadd.f32 v53, v54;
	v1 =	vld [tilespmem:$0x1FF00]  }
0x12a: {  	v4 =	vadd.f32 v9, v48;
	v55 =	vld [tilespmem:$0x1FF10]  }
0x12b: {  	v2 =	vadd.f32 v12, v2;
	[tilespmem:$0x1FFF0] =	vst v0;
	v0 =	vld [tilespmem:s22+$0x12420]  }
0x12c: {  	[tilespmem:s22+$0x64B0] =	vst.add.f32.msk $0xffff, v4;
	v3 =	vadd.f32 v51, v3  }
0x12d: {  	[tilespmem:s22+$0x64E0] =	vst.add.f32.msk $0xffff, v2  }
0x12e: {  	v2 =	vld [tilespmem:$0x1FE80];
	v3 =	vadd.f32 v18, v3  }
0x12f: {  	v52 =	vld [tilespmem:$0x1FEC0]  }
0x130: {  	[tilespmem:s22+$0x6540] =	vst.add.f32.msk $0xffff, v3;
	v1 =	vadd.f32 v55, v1;
	v0 =	vadd.f32 v0, v26  }
0x131: {  	v53 =	vld [tilespmem:$0x1FED0]  }
0x132: {  	v1 =	vadd.f32 v21, v1;
	[tilespmem:s22+$0x6420] =	vst.add.f32.msk $0xffff, v0;
	v0 =	vadd.f32 v39, v40  }
0x133: {  	v54 =	vld [tilespmem:$0x1FEF0]  }
0x134: {  	[tilespmem:s22+$0x6570] =	vst.add.f32.msk $0xffff, v1;
	v0 =	vadd.f32 v5, v0  }
0x135: {  	v56 =	vld [tilespmem:$0x1FF30]  }
0x136: {  	[tilespmem:s22+$0x6470] =	vst.add.f32.msk $0xffff, v0;
	v0 =	vadd.f32 v49, v50  }
0x137: {  	v50 =	vld [tilespmem:$0x1FE90]  }
0x138: {  	v3 =	vld [tilespmem:$0x1FF40];
	v0 =	vadd.f32 v10, v0  }
0x139: {  	v1 =	vld [tilespmem:$0x1FFA0]  }
0x13a: {  	[tilespmem:s22+$0x64C0] =	vst.add.f32.msk $0xffff, v0;
	v0 =	vadd.f32 v59, v60  }
0x13b: {  	v30 =	vadd.f32 v62, v30;
	v61 =	vld [tilespmem:$0x1FFB0]  }
0x13c: {  	v62 =	vld [tilespmem:$0x1FFD0];
	v2 =	vadd.f32 v50, v2;
	v0 =	vadd.f32 v15, v0  }
0x13d: {  	v49 =	vadd.f32 v57, v58;
	v57 =	vld [tilespmem:$0x1FF50]  }
0x13e: {  	v2 =	vadd.f32 v17, v2;
	[tilespmem:s22+$0x6510] =	vst.add.f32.msk $0xffff, v0  }
0x13f: {  	v0 =	vld [tilespmem:$0x1FEE0]  }
0x140: {  	[tilespmem:s22+$0x6530] =	vst.add.f32.msk $0xffff, v2  }
0x141: {  	v2 =	vld [tilespmem:$0x1FF20]  }
0x142: {  	v63 =	vld [tilespmem:$0x1FFF0];
	v4 =	vadd.f32 v14, v49  }
0x143: {  	v58 =	vld [tilespmem:$0x1FF60];
	v3 =	vadd.f32 v57, v3  }
0x144: {  	[tilespmem:s22+$0x6500] =	vst.add.f32.msk $0xffff, v4;
	v0 =	vadd.f32 v54, v0  }
0x145: {  	v59 =	vld [tilespmem:$0x1FF70];
	v3 =	vadd.f32 v23, v3  }
0x146: {  	v60 =	vld [tilespmem:$0x1FF90];
	v2 =	vadd.f32 v56, v2;
	v0 =	vadd.f32 v20, v0  }
0x147: {  	[tilespmem:s22+$0x6590] =	vst.add.f32.msk $0xffff, v3  }
0x148: {  	v2 =	vadd.f32 v22, v2;
	[tilespmem:s22+$0x6560] =	vst.add.f32.msk $0xffff, v0  }
0x149: {  	v0 =	vld [tilespmem:$0x1FF80]  }
0x14a: {  	v4 =	vadd.f32 v53, v52;
	[tilespmem:s22+$0x6580] =	vst.add.f32.msk $0xffff, v2  }
0x14b: {  	v2 =	vld [tilespmem:$0x1FFC0]  }
0x14c: {  	v4 =	vadd.f32 v19, v4;
	v3 =	vld [tilespmem:$0x1FFE0]  }
0x14d: {  	v32 =	vld [tilespmem:s22+$0x125E0];
	v1 =	vadd.f32 v61, v1  }
0x14e: {  	[tilespmem:s22+$0x6550] =	vst.add.f32.msk $0xffff, v4;
	v4 =	vadd.f32 v59, v58  }
0x14f: {  	v1 =	vadd.f32 v36, v1;
	v0 =	vadd.f32 v60, v0  }
0x150: {  	[tilespmem:s22+$0x6400] =	vst.add.f32.msk $0xffff, v30;
	v4 =	vadd.f32 v24, v4;
	v2 =	vadd.f32 v62, v2  }
0x151: {  	[tilespmem:s22+$0x65C0] =	vst.add.f32.msk $0xffff, v1;
	v3 =	vadd.f32 v63, v3;
	v0 =	vadd.f32 v38, v0  }
0x152: {  	s23 =	sshll.u32 s0, $0xE;
	[tilespmem:s22+$0x65A0] =	vst.add.f32.msk $0xffff, v4;
	v2 =	vadd.f32 v31, v2  }
0x153: {  	s23 =	sadd.s32 s13, s23;
	[tilespmem:s22+$0x65B0] =	vst.add.f32.msk $0xffff, v0;
	v0 =	vadd.f32 v32, v3  }
0x154: {  	s23 =	sshrl.u32 s23, $0x3;
	[tilespmem:s22+$0x65D0] =	vst.add.f32.msk $0xffff, v2  }
0x155: {  	s23 =	sadd.s32 s8, s23;
	[tilespmem:s22+$0x65E0] =	vst.add.f32.msk $0xffff, v0  }
0x156: {  	[hbm4b:s23+s2] =	stream.linear.scatter [tilespmem:s20], [sflag:$0x3], $0x2000, $0x38;
	[tilespmem:$0x16400] =	vst v63  }
0x157: {  	p0 =	seq.s32 s0, $0x18;
	_ =	swait.ge [sflag:s15], $0x2000  }
0x158: {  	s16 =	simm.s32 @!p0 $0x6400;
	[sflag:s15] =	ssyncset.done $0x0  }
0x159: {  	s22 =	sadd.s32 @!p0 $0x100, s21;
	s23 =	simm.s32 @!p0 $0x80;
	[sflag:s15] =	ssyncadd.s32 $0xFFFFE000  }
0x15a: {  	[tilespmem:s16], [sflag:$0x1] =	stream.indirect.gather @!p0 [hbm4b:s4+s23], $0x40, s22, s23, $0xb8;
	[tilespmem:$0x16400] =	vst v63  }
0x15b: {  	s16 =	sadd.s32 @!p0 $0x1A00, s21;
	s22 =	simm.s32 @!p0 $0xA400  }
0x15c: {  	[tilespmem:s22], [sflag:$0x1] =	stream.indirect.gather @!p0 [hbm4b:s5+s23], $0x40, s16, s23, $0xb8;
	[tilespmem:$0x16400] =	vst v63  }
0x15d: {  	s16 =	sadd.s32 @!p0 $0x3300, s21;
	s22 =	simm.s32 @!p0 $0xE400  }
0x15e: {  	[tilespmem:s22], [sflag:$0x1] =	stream.indirect.gather @!p0 [hbm4b:s6+s23], $0x40, s16, s23, $0xb8;
	[tilespmem:$0x16400] =	vst v63  }
0x15f: {  	s16 =	sadd.s32 @!p0 $0x4C00, s21;
	s21 =	simm.s32 @!p0 $0x12400  }
0x160: {  	[tilespmem:s21], [sflag:$0x1] =	stream.indirect.gather @!p0 [hbm4b:s7+s23], $0x40, s16, s23, $0xb8;
	[tilespmem:$0x16400] =	vst v63  }
0x161: {  	_ =	swait.ge [sflag:s30], $0x2000  }
0x162: {  	[sflag:s30] =	ssyncset.done $0x0  }
0x163: {  	[sflag:s30] =	ssyncadd.s32 $0xFFFFE000  }
0x164: {  	_ =	swait.ge [sflag:s30], $0x2000  }
0x165: {  	[sflag:s30] =	ssyncset.done $0x0  }
0x166: {  	[sflag:s30] =	ssyncadd.s32 $0xFFFFE000  }
0x167: {  	_ =	swait.ge [sflag:s30], $0x2000  }
0x168: {  	[sflag:s30] =	ssyncset.done $0x0  }
0x169: {  	[sflag:s30] =	ssyncadd.s32 $0xFFFFE000  }
0x16a: {  	_ =	swait.ge [sflag:s30], $0x2000  }
0x16b: {  	[sflag:s30] =	ssyncset.done $0x0  }
0x16c: {  	s21 =	simm.s32 $0x0;
	[sflag:s30] =	ssyncadd.s32 $0xFFFFE000  }
0x16d: {  	s22 =	simm.s32 $0x800;
	v0 =	vld [tilespmem:s21+$0xC5F0]  }
.LBB2_5:
0x16e: {  	p0 =	sne.s32 s22, $0x7800;
	v1 =	vld [tilespmem:s21+$0x105F0]  }
0x16f: {  	v2 =	vld [tilespmem:s21+$0xC400]  }
0x170: {  	v3 =	vld [tilespmem:s21+$0x145F0]  }
0x171: {  	v4 =	vld [tilespmem:s21+$0x10400]  }
0x172: {  	v5 =	vld [tilespmem:s21+$0xC410]  }
0x173: {  	v6 =	vld [tilespmem:s21+$0x10410];
	v0 =	vadd.f32 v1, v0  }
0x174: {  	v7 =	vld [tilespmem:s21+$0xC420]  }
0x175: {  	v8 =	vld [tilespmem:s21+$0x10420];
	v1 =	vadd.f32 v3, v0  }
0x176: {  	v0 =	vadd.f32 v4, v2;
	v3 =	vld [tilespmem:s21+$0xC430]  }
0x177: {  	[tilespmem:s21+$0x85F0] =	vst.add.f32.msk $0xffff, v1  }
0x178: {  	v1 =	vadd.f32 v6, v5;
	v4 =	vld [tilespmem:s21+$0x10430]  }
0x179: {  	v5 =	vld [tilespmem:s21+$0xC440]  }
0x17a: {  	v2 =	vadd.f32 v8, v7;
	v6 =	vld [tilespmem:s21+$0x10440]  }
0x17b: {  	v7 =	vld [tilespmem:s21+$0xC450]  }
0x17c: {  	v8 =	vld [tilespmem:s21+$0x10450]  }
0x17d: {  	v3 =	vadd.f32 v4, v3;
	v9 =	vld [tilespmem:s21+$0xC460]  }
0x17e: {  	v10 =	vld [tilespmem:s21+$0x10460]  }
0x17f: {  	v4 =	vadd.f32 v6, v5;
	v11 =	vld [tilespmem:s21+$0xC470]  }
0x180: {  	v12 =	vld [tilespmem:s21+$0x10470]  }
0x181: {  	v5 =	vadd.f32 v8, v7;
	v8 =	vld [tilespmem:s21+$0xC480]  }
0x182: {  	v13 =	vld [tilespmem:s21+$0x10480]  }
0x183: {  	v6 =	vadd.f32 v10, v9;
	v9 =	vld [tilespmem:s21+$0xC490]  }
0x184: {  	v10 =	vld [tilespmem:s21+$0x10490]  }
0x185: {  	v7 =	vadd.f32 v12, v11;
	v11 =	vld [tilespmem:s21+$0xC4A0]  }
0x186: {  	v12 =	vld [tilespmem:s21+$0x104A0]  }
0x187: {  	v8 =	vadd.f32 v13, v8;
	v13 =	vld [tilespmem:s21+$0xC4B0]  }
0x188: {  	v14 =	vld [tilespmem:s21+$0x104B0]  }
0x189: {  	v9 =	vadd.f32 v10, v9;
	v15 =	vld [tilespmem:s21+$0xC4C0]  }
0x18a: {  	v16 =	vld [tilespmem:s21+$0x104C0]  }
0x18b: {  	v10 =	vadd.f32 v12, v11;
	v17 =	vld [tilespmem:s21+$0xC4D0]  }
0x18c: {  	v18 =	vld [tilespmem:s21+$0x104D0]  }
0x18d: {  	v11 =	vadd.f32 v14, v13;
	v13 =	vld [tilespmem:s21+$0xC4E0]  }
0x18e: {  	v14 =	vld [tilespmem:s21+$0x104E0]  }
0x18f: {  	v12 =	vadd.f32 v16, v15;
	v15 =	vld [tilespmem:s21+$0xC4F0]  }
0x190: {  	v16 =	vld [tilespmem:s21+$0x104F0]  }
0x191: {  	v17 =	vadd.f32 v18, v17;
	v18 =	vld [tilespmem:s21+$0xC500]  }
0x192: {  	v19 =	vld [tilespmem:s21+$0x10500]  }
0x193: {  	v13 =	vadd.f32 v14, v13;
	v14 =	vld [tilespmem:s21+$0xC510]  }
0x194: {  	v20 =	vld [tilespmem:s21+$0x10510]  }
0x195: {  	v15 =	vadd.f32 v16, v15;
	v16 =	vld [tilespmem:s21+$0xC520]  }
0x196: {  	v21 =	vld [tilespmem:s21+$0x10520]  }
0x197: {  	v18 =	vadd.f32 v19, v18;
	v19 =	vld [tilespmem:s21+$0xC530]  }
0x198: {  	v22 =	vld [tilespmem:s21+$0x10530]  }
0x199: {  	v14 =	vadd.f32 v20, v14;
	v20 =	vld [tilespmem:s21+$0xC540]  }
0x19a: {  	v23 =	vld [tilespmem:s21+$0x10540]  }
0x19b: {  	v16 =	vadd.f32 v21, v16;
	v21 =	vld [tilespmem:s21+$0xC550]  }
0x19c: {  	v24 =	vld [tilespmem:s21+$0x10550]  }
0x19d: {  	v19 =	vadd.f32 v22, v19;
	v22 =	vld [tilespmem:s21+$0xC560]  }
0x19e: {  	v25 =	vld [tilespmem:s21+$0x10560]  }
0x19f: {  	v20 =	vadd.f32 v23, v20;
	v23 =	vld [tilespmem:s21+$0xC570]  }
0x1a0: {  	v26 =	vld [tilespmem:s21+$0x10570]  }
0x1a1: {  	v21 =	vadd.f32 v24, v21;
	v24 =	vld [tilespmem:s21+$0xC580]  }
0x1a2: {  	v27 =	vld [tilespmem:s21+$0x10580]  }
0x1a3: {  	v22 =	vadd.f32 v25, v22;
	v25 =	vld [tilespmem:s21+$0xC590]  }
0x1a4: {  	v28 =	vld [tilespmem:s21+$0x10590]  }
0x1a5: {  	v23 =	vadd.f32 v26, v23;
	v26 =	vld [tilespmem:s21+$0xC5A0]  }
0x1a6: {  	v29 =	vld [tilespmem:s21+$0x105A0]  }
0x1a7: {  	v24 =	vadd.f32 v27, v24;
	v27 =	vld [tilespmem:s21+$0xC5B0]  }
0x1a8: {  	v30 =	vld [tilespmem:s21+$0x105B0]  }
0x1a9: {  	v25 =	vadd.f32 v28, v25;
	v28 =	vld [tilespmem:s21+$0xC5C0]  }
0x1aa: {  	v31 =	vld [tilespmem:s21+$0x105C0]  }
0x1ab: {  	v26 =	vadd.f32 v29, v26;
	v29 =	vld [tilespmem:s21+$0xC5D0]  }
0x1ac: {  	v32 =	vld [tilespmem:s21+$0x105D0]  }
0x1ad: {  	v27 =	vadd.f32 v30, v27;
	v30 =	vld [tilespmem:s21+$0xC5E0]  }
0x1ae: {  	v33 =	vld [tilespmem:s21+$0x105E0]  }
0x1af: {  	v34 =	vld [tilespmem:s21+$0x14400];
	v28 =	vadd.f32 v31, v28  }
0x1b0: {  	v31 =	vld [tilespmem:s21+$0x14410]  }
0x1b1: {  	v35 =	vld [tilespmem:s21+$0x14420];
	v29 =	vadd.f32 v32, v29  }
0x1b2: {  	v32 =	vld [tilespmem:s21+$0x14430]  }
0x1b3: {  	v36 =	vld [tilespmem:s21+$0x14440];
	v30 =	vadd.f32 v33, v30  }
0x1b4: {  	v0 =	vadd.f32 v34, v0;
	v33 =	vld [tilespmem:s21+$0x14450]  }
0x1b5: {  	v1 =	vadd.f32 v31, v1;
	v31 =	vld [tilespmem:s21+$0x14460]  }
0x1b6: {  	v2 =	vadd.f32 v35, v2;
	v34 =	vld [tilespmem:s21+$0x14470]  }
0x1b7: {  	v3 =	vadd.f32 v32, v3;
	v32 =	vld [tilespmem:s21+$0x14480]  }
0x1b8: {  	v4 =	vadd.f32 v36, v4;
	v35 =	vld [tilespmem:s21+$0x14490]  }
0x1b9: {  	v5 =	vadd.f32 v33, v5;
	v33 =	vld [tilespmem:s21+$0x144A0]  }
0x1ba: {  	v6 =	vadd.f32 v31, v6;
	v31 =	vld [tilespmem:s21+$0x144B0]  }
0x1bb: {  	v7 =	vadd.f32 v34, v7;
	v34 =	vld [tilespmem:s21+$0x144C0]  }
0x1bc: {  	v8 =	vadd.f32 v32, v8;
	v32 =	vld [tilespmem:s21+$0x144D0]  }
0x1bd: {  	v9 =	vadd.f32 v35, v9;
	v35 =	vld [tilespmem:s21+$0x144E0]  }
0x1be: {  	v10 =	vadd.f32 v33, v10;
	v33 =	vld [tilespmem:s21+$0x144F0]  }
0x1bf: {  	v11 =	vadd.f32 v31, v11;
	v31 =	vld [tilespmem:s21+$0x14500]  }
0x1c0: {  	v12 =	vadd.f32 v34, v12;
	v34 =	vld [tilespmem:s21+$0x14510]  }
0x1c1: {  	v17 =	vadd.f32 v32, v17;
	v32 =	vld [tilespmem:s21+$0x14520]  }
0x1c2: {  	v13 =	vadd.f32 v35, v13;
	v35 =	vld [tilespmem:s21+$0x14530]  }
0x1c3: {  	v15 =	vadd.f32 v33, v15;
	v33 =	vld [tilespmem:s21+$0x14540]  }
0x1c4: {  	v18 =	vadd.f32 v31, v18;
	v31 =	vld [tilespmem:s21+$0x14550]  }
0x1c5: {  	v14 =	vadd.f32 v34, v14;
	v34 =	vld [tilespmem:s21+$0x14560]  }
0x1c6: {  	v16 =	vadd.f32 v32, v16;
	v32 =	vld [tilespmem:s21+$0x14570]  }
0x1c7: {  	v19 =	vadd.f32 v35, v19;
	v35 =	vld [tilespmem:s21+$0x14580]  }
0x1c8: {  	v20 =	vadd.f32 v33, v20;
	v33 =	vld [tilespmem:s21+$0x14590]  }
0x1c9: {  	v21 =	vadd.f32 v31, v21;
	v31 =	vld [tilespmem:s21+$0x145A0]  }
0x1ca: {  	v22 =	vadd.f32 v34, v22;
	v34 =	vld [tilespmem:s21+$0x145B0]  }
0x1cb: {  	v23 =	vadd.f32 v32, v23;
	v32 =	vld [tilespmem:s21+$0x145C0]  }
0x1cc: {  	v24 =	vadd.f32 v35, v24;
	v35 =	vld [tilespmem:s21+$0x145D0]  }
0x1cd: {  	v25 =	vadd.f32 v33, v25;
	v33 =	vld [tilespmem:s21+$0x145E0]  }
0x1ce: {  	[tilespmem:s21+$0x8400] =	vst.add.f32.msk $0xffff, v0;
	v0 =	vadd.f32 v31, v26  }
0x1cf: {  	[tilespmem:s21+$0x8410] =	vst.add.f32.msk $0xffff, v1;
	v1 =	vadd.f32 v34, v27  }
0x1d0: {  	[tilespmem:s21+$0x8420] =	vst.add.f32.msk $0xffff, v2;
	v2 =	vadd.f32 v32, v28  }
0x1d1: {  	[tilespmem:s21+$0x8430] =	vst.add.f32.msk $0xffff, v3;
	v3 =	vadd.f32 v35, v29  }
0x1d2: {  	[tilespmem:s21+$0x8440] =	vst.add.f32.msk $0xffff, v4;
	v4 =	vadd.f32 v33, v30  }
0x1d3: {  	[tilespmem:s21+$0x8450] =	vst.add.f32.msk $0xffff, v5  }
0x1d4: {  	[tilespmem:s21+$0x8460] =	vst.add.f32.msk $0xffff, v6  }
0x1d5: {  	[tilespmem:s21+$0x8470] =	vst.add.f32.msk $0xffff, v7  }
0x1d6: {  	[tilespmem:s21+$0x8480] =	vst.add.f32.msk $0xffff, v8  }
0x1d7: {  	[tilespmem:s21+$0x8490] =	vst.add.f32.msk $0xffff, v9  }
0x1d8: {  	[tilespmem:s21+$0x84A0] =	vst.add.f32.msk $0xffff, v10  }
0x1d9: {  	[tilespmem:s21+$0x84B0] =	vst.add.f32.msk $0xffff, v11  }
0x1da: {  	[tilespmem:s21+$0x84C0] =	vst.add.f32.msk $0xffff, v12  }
0x1db: {  	[tilespmem:s21+$0x84D0] =	vst.add.f32.msk $0xffff, v17  }
0x1dc: {  	[tilespmem:s21+$0x84E0] =	vst.add.f32.msk $0xffff, v13  }
0x1dd: {  	[tilespmem:s21+$0x84F0] =	vst.add.f32.msk $0xffff, v15  }
0x1de: {  	[tilespmem:s21+$0x8500] =	vst.add.f32.msk $0xffff, v18  }
0x1df: {  	[tilespmem:s21+$0x8510] =	vst.add.f32.msk $0xffff, v14  }
0x1e0: {  	[tilespmem:s21+$0x8520] =	vst.add.f32.msk $0xffff, v16  }
0x1e1: {  	[tilespmem:s21+$0x8530] =	vst.add.f32.msk $0xffff, v19  }
0x1e2: {  	[tilespmem:s21+$0x8540] =	vst.add.f32.msk $0xffff, v20  }
0x1e3: {  	[tilespmem:s21+$0x8550] =	vst.add.f32.msk $0xffff, v21  }
0x1e4: {  	[tilespmem:s21+$0x8560] =	vst.add.f32.msk $0xffff, v22  }
0x1e5: {  	[tilespmem:s21+$0x8570] =	vst.add.f32.msk $0xffff, v23  }
0x1e6: {  	[tilespmem:s21+$0x8580] =	vst.add.f32.msk $0xffff, v24  }
0x1e7: {  	[tilespmem:s21+$0x8590] =	vst.add.f32.msk $0xffff, v25  }
0x1e8: {  	[tilespmem:s21+$0x85A0] =	vst.add.f32.msk $0xffff, v0  }
.Ltmp1:
0x1e9: {  	[tilespmem:s21+$0x85B0] =	vst.add.f32.msk $0xffff, v1;
	(pc) =	sbr.rel @p0 .LBB2_5-.Ltmp1, $4  }
0x1ea: {  	[tilespmem:s21+$0x85C0] =	vst.add.f32.msk $0xffff, v2  }
0x1eb: {  	[tilespmem:s21+$0x85D0] =	vst.add.f32.msk $0xffff, v3  }
0x1ec: {  	[tilespmem:s21+$0x85E0] =	vst.add.f32.msk $0xffff, v4;
	s21 =	sshra.s32 s22, $0x2  }
0x1ed: {  	s22 =	sadd.s32 $0x800, s22;
	v0 =	vld [tilespmem:s21+$0xC5F0]  }
0x1ee: {  	v1 =	vld [tilespmem:s21+$0x105F0]  }
0x1ef: {  	v38 =	vld [tilespmem:s21+$0xC400]  }
0x1f0: {  	v3 =	vld [tilespmem:s21+$0x145F0]  }
0x1f1: {  	v30 =	vld [tilespmem:s21+$0x10400]  }
0x1f2: {  	v36 =	vld [tilespmem:s21+$0xC410]  }
0x1f3: {  	v32 =	vld [tilespmem:s21+$0x10410]  }
0x1f4: {  	v31 =	vld [tilespmem:s21+$0xC420]  }
0x1f5: {  	v26 =	vld [tilespmem:s21+$0x10420]  }
0x1f6: {  	v28 =	vld [tilespmem:s21+$0xC430]  }
0x1f7: {  	v25 =	vld [tilespmem:s21+$0x10430]  }
0x1f8: {  	v33 =	vld [tilespmem:s21+$0xC440]  }
0x1f9: {  	v27 =	vld [tilespmem:s21+$0x10440]  }
0x1fa: {  	v35 =	vld [tilespmem:s21+$0xC450]  }
0x1fb: {  	v29 =	vld [tilespmem:s21+$0x10450]  }
0x1fc: {  	v37 =	vld [tilespmem:s21+$0xC460]  }
0x1fd: {  	v34 =	vld [tilespmem:s21+$0x10460]  }
0x1fe: {  	v40 =	vld [tilespmem:s21+$0xC470]  }
0x1ff: {  	v39 =	vld [tilespmem:s21+$0x10470]  }
0x200: {  	v42 =	vld [tilespmem:s21+$0xC480]  }
0x201: {  	v41 =	vld [tilespmem:s21+$0x10480]  }
0x202: {  	v44 =	vld [tilespmem:s21+$0xC490]  }
0x203: {  	v43 =	vld [tilespmem:s21+$0x10490]  }
0x204: {  	v46 =	vld [tilespmem:s21+$0xC4A0]  }
0x205: {  	v45 =	vld [tilespmem:s21+$0x104A0]  }
0x206: {  	v48 =	vld [tilespmem:s21+$0xC4B0]  }
0x207: {  	v47 =	vld [tilespmem:s21+$0x104B0]  }
0x208: {  	v50 =	vld [tilespmem:s21+$0xC4C0]  }
0x209: {  	v49 =	vld [tilespmem:s21+$0x104C0]  }
0x20a: {  	v52 =	vld [tilespmem:s21+$0xC4D0]  }
0x20b: {  	v51 =	vld [tilespmem:s21+$0x104D0]  }
0x20c: {  	v54 =	vld [tilespmem:s21+$0xC4E0]  }
0x20d: {  	v53 =	vld [tilespmem:s21+$0x104E0]  }
0x20e: {  	v56 =	vld [tilespmem:s21+$0xC4F0]  }
0x20f: {  	v55 =	vld [tilespmem:s21+$0x104F0]  }
0x210: {  	v58 =	vld [tilespmem:s21+$0xC500]  }
0x211: {  	v57 =	vld [tilespmem:s21+$0x10500]  }
0x212: {  	v60 =	vld [tilespmem:s21+$0xC510]  }
0x213: {  	v59 =	vld [tilespmem:s21+$0x10510]  }
0x214: {  	v61 =	vld [tilespmem:s21+$0xC520]  }
0x215: {  	v62 =	vld [tilespmem:s21+$0xC530]  }
0x216: {  	v63 =	vld [tilespmem:s21+$0x10530]  }
0x217: {  	v4 =	vld [tilespmem:s21+$0xC540]  }
0x218: {  	v5 =	vld [tilespmem:s21+$0x10540]  }
0x219: {  	v6 =	vld [tilespmem:s21+$0xC550]  }
0x21a: {  	v7 =	vld [tilespmem:s21+$0x10550]  }
0x21b: {  	v8 =	vld [tilespmem:s21+$0xC560]  }
0x21c: {  	v9 =	vld [tilespmem:s21+$0x10560]  }
0x21d: {  	v10 =	vld [tilespmem:s21+$0xC570]  }
0x21e: {  	v11 =	vld [tilespmem:s21+$0x10570]  }
0x21f: {  	v12 =	vld [tilespmem:s21+$0xC580]  }
0x220: {  	v13 =	vld [tilespmem:s21+$0x10580]  }
0x221: {  	v14 =	vld [tilespmem:s21+$0xC590]  }
0x222: {  	v15 =	vld [tilespmem:s21+$0x10590]  }
0x223: {  	v16 =	vld [tilespmem:s21+$0xC5A0]  }
0x224: {  	v17 =	vld [tilespmem:s21+$0x105A0]  }
0x225: {  	v18 =	vld [tilespmem:s21+$0xC5B0]  }
0x226: {  	v19 =	vld [tilespmem:s21+$0x105B0]  }
0x227: {  	v20 =	vld [tilespmem:s21+$0xC5C0]  }
0x228: {  	v21 =	vld [tilespmem:s21+$0x105C0]  }
0x229: {  	v22 =	vld [tilespmem:s21+$0xC5D0]  }
0x22a: {  	v23 =	vld [tilespmem:s21+$0x105D0]  }
0x22b: {  	v24 =	vld [tilespmem:s21+$0xC5E0]  }
0x22c: {  	v2 =	vld [tilespmem:s21+$0x14440]  }
0x22d: {  	[tilespmem:$0x1FCE0] =	vst v61;
	v61 =	vld [tilespmem:s21+$0x10520]  }
0x22e: {  	[tilespmem:$0x1FCF0] =	vst v62;
	v62 =	vld [tilespmem:s21+$0x105E0]  }
0x22f: {  	[tilespmem:$0x1FD00] =	vst v63;
	v63 =	vld [tilespmem:s21+$0x14410]  }
0x230: {  	v0 =	vadd.f32 v1, v0;
	v1 =	vld [tilespmem:s21+$0x14430]  }
0x231: {  	[tilespmem:$0x1FD10] =	vst v4;
	v4 =	vld [tilespmem:s21+$0x14460]  }
0x232: {  	[tilespmem:$0x1FD20] =	vst v5;
	v5 =	vld [tilespmem:s21+$0x14470]  }
0x233: {  	[tilespmem:$0x1FD30] =	vst v6;
	v6 =	vld [tilespmem:s21+$0x14480]  }
0x234: {  	[tilespmem:$0x1FD40] =	vst v7;
	v7 =	vld [tilespmem:s21+$0x14490]  }
0x235: {  	[tilespmem:$0x1FD50] =	vst v8;
	v8 =	vld [tilespmem:s21+$0x144A0]  }
0x236: {  	[tilespmem:$0x1FD60] =	vst v9;
	v9 =	vld [tilespmem:s21+$0x144B0]  }
0x237: {  	[tilespmem:$0x1FD70] =	vst v10;
	v10 =	vld [tilespmem:s21+$0x144C0]  }
0x238: {  	[tilespmem:$0x1FD80] =	vst v11;
	v11 =	vld [tilespmem:s21+$0x144D0]  }
0x239: {  	[tilespmem:$0x1FD90] =	vst v12;
	v12 =	vld [tilespmem:s21+$0x144E0]  }
0x23a: {  	[tilespmem:$0x1FDA0] =	vst v13;
	v13 =	vld [tilespmem:s21+$0x144F0]  }
0x23b: {  	[tilespmem:$0x1FDB0] =	vst v14;
	v14 =	vld [tilespmem:s21+$0x14500]  }
0x23c: {  	[tilespmem:$0x1FDC0] =	vst v15;
	v15 =	vld [tilespmem:s21+$0x14510]  }
0x23d: {  	[tilespmem:$0x1FDD0] =	vst v16;
	v16 =	vld [tilespmem:s21+$0x14520]  }
0x23e: {  	[tilespmem:$0x1FDE0] =	vst v17;
	v17 =	vld [tilespmem:s21+$0x14530]  }
0x23f: {  	[tilespmem:$0x1FDF0] =	vst v18;
	v18 =	vld [tilespmem:s21+$0x14540]  }
0x240: {  	[tilespmem:$0x1FE00] =	vst v19;
	v19 =	vld [tilespmem:s21+$0x14550]  }
0x241: {  	[tilespmem:$0x1FE10] =	vst v20;
	v20 =	vld [tilespmem:s21+$0x14560]  }
0x242: {  	[tilespmem:$0x1FE20] =	vst v21;
	v21 =	vld [tilespmem:s21+$0x14570]  }
0x243: {  	[tilespmem:$0x1FE30] =	vst v22;
	v22 =	vld [tilespmem:s21+$0x14580]  }
0x244: {  	[tilespmem:$0x1FE40] =	vst v23;
	v23 =	vld [tilespmem:s21+$0x14590]  }
0x245: {  	[tilespmem:$0x1FE50] =	vst v24;
	v24 =	vld [tilespmem:s21+$0x145A0]  }
0x246: {  	v30 =	vadd.f32 v30, v38;
	v38 =	vld [tilespmem:s21+$0x145B0]  }
0x247: {  	v32 =	vadd.f32 v32, v36;
	v36 =	vld [tilespmem:s21+$0x145C0]  }
0x248: {  	v26 =	vadd.f32 v26, v31;
	v31 =	vld [tilespmem:s21+$0x145D0]  }
0x249: {  	v25 =	vadd.f32 v25, v28;
	v28 =	vadd.f32 v49, v50;
	v49 =	vld [tilespmem:$0x1FD90]  }
0x24a: {  	v50 =	vld [tilespmem:$0x1FDA0]  }
0x24b: {  	v35 =	vadd.f32 v29, v35;
	v29 =	vadd.f32 v51, v52;
	v51 =	vld [tilespmem:$0x1FDB0]  }
0x24c: {  	v52 =	vld [tilespmem:$0x1FDC0]  }
0x24d: {  	v27 =	vadd.f32 v27, v33;
	v33 =	vadd.f32 v55, v56;
	v55 =	vld [tilespmem:$0x1FDF0]  }
0x24e: {  	v56 =	vld [tilespmem:$0x1FE00]  }
0x24f: {  	v37 =	vadd.f32 v34, v37;
	v34 =	vadd.f32 v57, v58;
	v57 =	vld [tilespmem:$0x1FE10]  }
0x250: {  	v58 =	vld [tilespmem:$0x1FE20]  }
0x251: {  	v0 =	vadd.f32 v3, v0;
	v3 =	vld [tilespmem:s21+$0x14450]  }
0x252: {  	v2 =	vadd.f32 v2, v27;
	v27 =	vadd.f32 v47, v48;
	v47 =	vld [tilespmem:$0x1FD70]  }
0x253: {  	v48 =	vld [tilespmem:$0x1FD80]  }
0x254: {  	[tilespmem:s21+$0x85F0] =	vst.add.f32.msk $0xffff, v0  }
0x255: {  	v0 =	vld [tilespmem:s21+$0x14420]  }
0x256: {  	[tilespmem:s21+$0x8440] =	vst.add.f32.msk $0xffff, v2  }
0x257: {  	[tilespmem:$0x1FE60] =	vst v62;
	v62 =	vld [tilespmem:s21+$0x14400]  }
0x258: {  	v63 =	vadd.f32 v63, v32;
	v32 =	vld [tilespmem:s21+$0x145E0]  }
0x259: {  	v4 =	vadd.f32 v4, v37;
	v37 =	vld [tilespmem:$0x1FCE0]  }
0x25a: {  	v1 =	vadd.f32 v1, v25;
	v25 =	vadd.f32 v43, v44;
	v43 =	vld [tilespmem:$0x1FD30]  }
0x25b: {  	v44 =	vld [tilespmem:$0x1FD40]  }
0x25c: {  	[tilespmem:s21+$0x8410] =	vst.add.f32.msk $0xffff, v63  }
0x25d: {  	[tilespmem:s21+$0x8430] =	vst.add.f32.msk $0xffff, v1  }
0x25e: {  	[tilespmem:s21+$0x8460] =	vst.add.f32.msk $0xffff, v4  }
0x25f: {  	v63 =	vadd.f32 v41, v42;
	v41 =	vld [tilespmem:$0x1FD10]  }
0x260: {  	v42 =	vld [tilespmem:$0x1FD20]  }
0x261: {  	v3 =	vadd.f32 v3, v35;
	v35 =	vadd.f32 v59, v60;
	v59 =	vld [tilespmem:$0x1FE30]  }
0x262: {  	v2 =	vadd.f32 v7, v25;
	v60 =	vld [tilespmem:$0x1FE40]  }
0x263: {  	v4 =	vadd.f32 v9, v27;
	[tilespmem:s21+$0x8450] =	vst.add.f32.msk $0xffff, v3  }
0x264: {  	[tilespmem:s21+$0x8490] =	vst.add.f32.msk $0xffff, v2  }
0x265: {  	[tilespmem:s21+$0x84B0] =	vst.add.f32.msk $0xffff, v4  }
0x266: {  	v0 =	vadd.f32 v0, v26;
	v26 =	vadd.f32 v45, v46;
	v45 =	vld [tilespmem:$0x1FD50]  }
0x267: {  	v46 =	vld [tilespmem:$0x1FD60]  }
0x268: {  	v30 =	vadd.f32 v62, v30;
	v62 =	vadd.f32 v39, v40;
	v39 =	vld [tilespmem:$0x1FCF0]  }
0x269: {  	v1 =	vadd.f32 v6, v63;
	v40 =	vld [tilespmem:$0x1FD00]  }
0x26a: {  	v4 =	vadd.f32 v14, v34;
	[tilespmem:s21+$0x8420] =	vst.add.f32.msk $0xffff, v0  }
0x26b: {  	[tilespmem:s21+$0x8480] =	vst.add.f32.msk $0xffff, v1  }
0x26c: {  	[tilespmem:s21+$0x8500] =	vst.add.f32.msk $0xffff, v4  }
0x26d: {  	[tilespmem:s21+$0x8400] =	vst.add.f32.msk $0xffff, v30  }
0x26e: {  	v30 =	vadd.f32 v53, v54;
	v53 =	vld [tilespmem:$0x1FDD0]  }
0x26f: {  	v3 =	vadd.f32 v8, v26;
	v54 =	vld [tilespmem:$0x1FDE0]  }
0x270: {  	v1 =	vadd.f32 v11, v29;
	v0 =	vadd.f32 v5, v62;
	v62 =	vld [tilespmem:$0x1FE60]  }
0x271: {  	[tilespmem:s21+$0x84A0] =	vst.add.f32.msk $0xffff, v3  }
0x272: {  	v4 =	vadd.f32 v44, v43;
	[tilespmem:s21+$0x84D0] =	vst.add.f32.msk $0xffff, v1  }
0x273: {  	v3 =	vadd.f32 v13, v33;
	v1 =	vadd.f32 v61, v37;
	v61 =	vld [tilespmem:$0x1FE50]  }
0x274: {  	v4 =	vadd.f32 v19, v4;
	[tilespmem:s21+$0x8470] =	vst.add.f32.msk $0xffff, v0  }
0x275: {  	v0 =	vadd.f32 v10, v28;
	[tilespmem:s21+$0x84F0] =	vst.add.f32.msk $0xffff, v3  }
0x276: {  	v2 =	vadd.f32 v12, v30;
	[tilespmem:s21+$0x8550] =	vst.add.f32.msk $0xffff, v4  }
0x277: {  	v3 =	vadd.f32 v42, v41;
	v1 =	vadd.f32 v16, v1;
	[tilespmem:s21+$0x84C0] =	vst.add.f32.msk $0xffff, v0  }
0x278: {  	[tilespmem:s21+$0x84E0] =	vst.add.f32.msk $0xffff, v2;
	v2 =	vadd.f32 v40, v39;
	v0 =	vadd.f32 v15, v35  }
0x279: {  	v3 =	vadd.f32 v18, v3;
	[tilespmem:s21+$0x8520] =	vst.add.f32.msk $0xffff, v1;
	v1 =	vadd.f32 v48, v47  }
0x27a: {  	v4 =	vadd.f32 v54, v53;
	v2 =	vadd.f32 v17, v2;
	[tilespmem:s21+$0x8510] =	vst.add.f32.msk $0xffff, v0  }
0x27b: {  	v0 =	vadd.f32 v46, v45;
	[tilespmem:s21+$0x8540] =	vst.add.f32.msk $0xffff, v3;
	v1 =	vadd.f32 v21, v1  }
0x27c: {  	v3 =	vadd.f32 v52, v51;
	v4 =	vadd.f32 v24, v4;
	[tilespmem:s21+$0x8530] =	vst.add.f32.msk $0xffff, v2  }
0x27d: {  	v2 =	vadd.f32 v50, v49;
	v0 =	vadd.f32 v20, v0;
	[tilespmem:s21+$0x8570] =	vst.add.f32.msk $0xffff, v1  }
0x27e: {  	v3 =	vadd.f32 v23, v3;
	v1 =	vadd.f32 v58, v57;
	[tilespmem:s21+$0x85A0] =	vst.add.f32.msk $0xffff, v4  }
0x27f: {  	v2 =	vadd.f32 v22, v2;
	[tilespmem:s21+$0x8560] =	vst.add.f32.msk $0xffff, v0;
	v0 =	vadd.f32 v56, v55  }
0x280: {  	[tilespmem:s21+$0x8590] =	vst.add.f32.msk $0xffff, v3;
	v3 =	vadd.f32 v62, v61;
	v1 =	vadd.f32 v36, v1  }
0x281: {  	[tilespmem:s21+$0x8580] =	vst.add.f32.msk $0xffff, v2;
	v2 =	vadd.f32 v60, v59;
	v0 =	vadd.f32 v38, v0  }
0x282: {  	s1 =	sadd.s32 s3, s1;
	v63 =	vadd.f32 v32, v3;
	[tilespmem:s21+$0x85C0] =	vst.add.f32.msk $0xffff, v1  }
0x283: {  	s0 =	sadd.s32 $0x1, s0;
	s1 =	sshll.u32 s1, $0x3;
	v2 =	vadd.f32 v31, v2;
	[tilespmem:s21+$0x85B0] =	vst.add.f32.msk $0xffff, v0  }
0x284: {  	p0 =	sne.s32 s0, $0x19;
	s1 =	sand.u32 $0x1FFFFC00, s1;
	[tilespmem:s21+$0x85E0] =	vst.add.f32.msk $0xffff, v63  }
.Ltmp2:
0x285: {  	s1 =	sadd.s32 s8, s1;
	[tilespmem:s21+$0x85D0] =	vst.add.f32.msk $0xffff, v2;
	(pc) =	sbr.rel @p0 .LBB2_2-.Ltmp2, $4  }
0x286: {  	[hbm4b:s1+s2] =	stream.linear.scatter [tilespmem:s24], [sflag:$0x3], $0x2000, $0x38;
	[tilespmem:$0x16400] =	vst v63  }
0x287: {  	_ =	swait.ge [sflag:s15], $0x2000  }
0x288: {  	[sflag:s15] =	ssyncset.done $0x0  }
0x289: {  	[sflag:s15] =	ssyncadd.s32 $0xFFFFE000  }
0x28a: {  	s31 =	sadd.s32 $0x1, s31  }
0x28b: {  	p0 =	sne.s32 s31, s14  }
.Ltmp3:
0x28c: {  	_ = 	snop;
	(pc) =	sbr.rel @p0 .LBB2_1-.Ltmp3, $1  }
0x28d: {  	_ =	sdelay $0x3  }
0x28e: {  	_ =	sfence.sel $0x180000  }
0x28f: {  	[bflag:$0x0] =	sbarrier.arrive $0xFFFF  }
0x290: {  	_ =	strace $0x90000047  }
0x291: {  	s0 =	stileid.u32;
	[bflag:$0x2] =	sbarrier.arrive $0xFFFF  }
0x292: {  	p0 =	sne.s32 s0, $0x0;
	s0 =	rddreg [dreg:$0x1]  }
0x293: {  	s0 =	sadd.s32 @!p0 $0x100000, s0  }
0x294: {  	[sflag:s0] =	ssyncadd.tile.s32 @!p0 $0x1;
	_ =	shalt  }
.Lfunc_end2:
_tile_overlayer_lowered:
.L_overlay_start_2:
0x295: {  	(tag) =	ssettag $0x2  }
0x296: {  	s0 =	rddreg [dreg:$0x0];
	s2 =	stileid.u32  }
0x297: {  	s1 =	rddreg [dreg:$0x1];
	p0 =	sne.s32 s2, $0x0  }
0x298: {  	s3 =	rddreg [dreg:$0x2];
	[bflag:$0x3] =	sbarrier.arrive $0xFFFF;
	s2 =	simm.s32 @!p0 $0x1C03  }
0x299: {  	[timem:s3], [sflag:s2] =	dma.local @!p0 [hbm:s0], s1  }
0x29a: {  	s0 =	simm.s32 @!p0 $0x3  }
0x29b: {  	_ =	swait.ge @!p0 [sflag:s0], s1  }
0x29c: {  	s1 =	ssub.s32 @!p0 $0x0, s1;
	[sflag:s0] =	ssyncset.done @!p0 $0x0  }
0x29d: {  	[sflag:s0] =	ssyncadd.s32 @!p0 s1  }
0x29e: {  	[bflag:$0x3] =	sbarrier.arrive $0xFFFF  }
0x29f: {  	_ =	shalt  }

// kernel: sparse-core-data-format-call.cloned.1.call-start
scs
called_computation_lowered:
.L_overlay_start_0:
0x0: {  	s2 =	sld [smem:$0x3FD9]  }
0x1: {  	s3 =	sld [smem:$0x3FFE];
	_ =	sdelay $0x1  }
0x2: {  	s1 =	srdreg.scid  }
0x3: {  	s0 =	sand.u32 $0x1, s1  }
0x4: {  	s18 =	sshll.u32 s0, $0xA;
	s2 =	sadd.s32 s3, s2  }
0x5: {  	s2 =	sadd.s32 s2, s18  }
0x6: {  	[smem:$0x3FB3] =	sst s2  }
0x7: {  	_ = 	snop  }
0x8: {  	s2 =	sld [smem:$0x3FD0];
	(tm) =	ssettm $0x1  }
0x9: {  	s19 =	sld [smem:$0x3FFB];
	_ =	sdelay $0x3  }
0xa: {  	_ =	strace s19  }
0xb: {  	s3 =	sld [smem:$0x3FFC];
	_ =	sdelay $0x3  }
0xc: {  	_ =	strace s3  }
0xd: {  	s3 =	sld [smem:$0x3FFD];
	_ =	sdelay $0x3  }
0xe: {  	_ =	strace s3  }
0xf: {  	_ =	strace $0x8FFFFFFF  }
0x10: {  	s20 =	sld [smem:$0x3FDB];
	_ =	sdelay $0x1  }
0x11: {  	s4 =	simm.s32 $_scs_section_size  }
0x12: {  	s5 =	simm.s32 $_size__tile_overlayer_lowered;
	s6 =	simm.s32 $_tile_overlayer_lowered  }
0x13: {  	s23 =	simm.s32 $0x1BFF;
	s22 =	sshll.u32 s6, $0x1;
	s3 =	sadd.s32 s4, s20  }
0x14: {  	s7 =	simm.s32 $0x0;
	s21 =	sshll.u32 s5, $0x1;
	s5 =	sadd.s32 s22, s3  }
0x15: {  	[timem:s7], [sflag:s23] =	dma.local [hbm:s5], s21  }
0x16: {  	_ =	swait.ge [sflag:s23], s21  }
0x17: {  	s4 =	ssub.s32 $0x0, s21;
	[sflag:s23] =	ssyncset.done $0x0  }
0x18: {  	[sflag:s23] =	ssyncadd.s32 s4;
	_ =	sdelay $0x1  }
0x19: {  	s24 =	simm.s32 $0x1B8B  }
0x1a: {  	_ =	swait.ge [sflag:s24], $0x1  }
0x1b: {  	[sflag:s24] =	ssyncset.done $0x0  }
0x1c: {  	s26 =	simm.s32 $0x1B8E;
	s25 =	sld [smem:$0x3FFE];
	[sflag:s24] =	ssyncadd.s32 $0xFFFFFFFF  }
0x1d: {  	s27 =	simm.s32 $execute0_lowered;
	[smem:$0x3FD2] =	sst s26  }
0x1e: {  	s5 =	sshll.u32 s27, $0x1;
	_ =	strace $0x80000049;
	[dreg:$0x1] =	wrdreg $0xFFFFFFFF  }
0x1f: {  	s28 =	simm.s32 $_size_execute0_lowered;
	s3 =	sadd.s32 s3, s5;
	[dreg:$0x0] =	wrdreg $0x0  }
0x20: {  	s5 =	sshll.u32 s28, $0x1;
	[dreg:$0x2] =	wrdreg s3  }
0x21: {  	[dreg:$0x3] =	wrdreg s5  }
0x22: {  	[dreg:$0x4] =	wrdreg $0xC0  }
0x23: {  	_ =	task [dreg:s7], $0x5FFFF  }
0x24: {  	[dreg:$0x1] =	wrdreg $0xFFFFFFFF  }
0x25: {  	[dreg:$0x0] =	wrdreg $0x60  }
0x26: {  	[dreg:$0x2] =	wrdreg s25  }
0x27: {  	[dreg:$0x3] =	wrdreg s2  }
0x28: {  	[dreg:$0x4] =	wrdreg $0x9  }
0x29: {  	_ =	task.clear_ibuf [dreg:s7], $0x5FFFF;
	_ =	strace $0x90000049  }
0x2a: {  	s29 =	simm.s32 $0x9;
	_ =	strace $0x8000004B  }
0x2b: {  	_ =	swait.ge [sflag:s29], $0x1  }
0x2c: {  	[sflag:s29] =	ssyncadd.s32 $0xFFFFFFFF  }
0x2d: {  	_ =	strace $0x9000004B  }
0x2e: {  	_ =	sfence  }
0x2f: {  	s30 =	sld [smem:$0x0];
	_ =	sdelay $0x2  }
0x30: {  	s31 =	sshll.u32 s1, $0xD;
	s1 =	sshrl.u32 s1, $0x2  }
0x31: {  	s3 =	sand.u32 $0x4000, s31;
	s1 =	sadd.s32 s1, s30  }
0x32: {  	s0 =	sor.u32 s3, s0;
	s1 =	sshll.u32 s1, $0x11  }
0x33: {  	s0 =	sor.u32 s1, s0  }
0x34: {  	s0 =	sadd.s32 $0x8F2B, s0  }
0x35: {  	[sflag:s0] =	ssyncadd.remote.s32 $0x1  }
0x36: {  	_ =	sfence.sel $0xFFFF  }
0x37: {  	[dreg:$0x0] =	wrdreg $0xFFFFFFFF;
	(pc) =	sbr.abs _section_cstart, $3  }
0x38: {  	[dreg:$0x1] =	wrdreg $0xFFFFFFFF  }
0x39: {  	_ =	task.clear_ibuf [dreg:s7], $0x2FFFF;
	_ =	strace $0x9FFFFFFF  }
0x3a: {  	(tm) =	ssettm $0x7FFFFFFF  }
0x3b: {  	_ =	shalt  }
tec
execute0_lowered:
.L_overlay_start_1:
0x0: {  	(tag) =	ssettag $0x1  }
0x1: {  	s7 =	rddreg [dreg:$0x0]  }
0x2: {  	s2 =	rddreg [dreg:$0x1]  }
0x3: {  	s0 =	stileid.u32;
	s1 =	srdreg.scid;
	s31 =	simm.s32 $0x2  }
0x4: {  	s14 =	simm.s32 $0x0;
	s15 =	simm.s32 $0x0;
	s13 =	simm.s32 $0x0  }
0x5: {  	s3 =	sshll.u32 s0, $0x5;
	s4 =	sshll.u32 s1, $0x9;
	s5 =	sshll.u32 s0, $0x1  }
0x6: {  	s1 =	rddreg [dreg:$0x2];
	s4 =	sor.u32 s3, s4;
	s3 =	sand.u32 $0x6, s5  }
0x7: {  	_ =	strace $0x8000004A;
	s4 =	sand.u32 $0x380, s4;
	s5 =	ssub.s32 $0xC8, s3  }
0x8: {  	s12 =	smov.u32 s3;
	s8 =	sshll.u32 s4, $0x4;
	s6 =	sand.u32 $0x6, s5  }
0x9: {  	s9 =	ssub.s32 $0x400, s4;
	s11 =	sshrl.u32 s5, $0x3;
	s5 =	simm.s32 $0x1  }
0xa: {  	p0 =	sne.s32 s6, $0x0;
	s6 =	simm.s32 $0x1;
	s10 =	sand.u32 $0x380, s9  }
0xb: {  	s6 =	simm.s32 @!p0 $0x0;
	p0 =	sne.s32 s10, $0x0;
	s10 =	simm.s32 $0x1  }
.Ltmp0:
0xc: {  	s9 =	sshrl.u32 s9, $0xA;
	s10 =	simm.s32 @!p0 $0x0;
	(pc) =	sbr.rel .LBB1_1-.Ltmp0, $4  }
0xd: {  	[sflag:s5] =	ssyncpa.u1 $0x0;
	s6 =	sadd.s32 s6, s11;
	s9 =	sadd.s32 s10, s9  }
0xe: {  	s8 =	sadd.s32 s8, s7;
	[sflag:s31] =	ssyncpa.u1 $0x0;
	s6 =	smul.u32 s6, s9  }
0xf: {  	s7 =	sadd.s32 $0x196C00, s8;
	s8 =	sadd.s32 $0x19AC00, s8;
	p0 =	por $0x0, $0x0  }
0x10: {  	s11 =	simm.s32 $0x2000;
	s10 =	simm.s32 $0x400;
	s9 =	sadd.s32 $0x1, s6  }
.LBB1_7:
0x11: {  	s16 =	sadd.s32 $0x8, s12  }
0x12: {  	p2 =	sgt.s32 s16, $0xC7  }
0x13: {  	s16 =	smov.u32 @p2 s3;
	p2 =	sne.s32 s13, s9  }
.Ltmp1:
0x14: {  	p1 =	slt.u32 s13, $0x2;
	(pc) =	sbr.rel @!p2 .LBB1_8-.Ltmp1, $4  }
0x15: {  	s14 =	simm.s32 @!p1 $0x2  }
0x16: {  	s17 =	sadd.s32 $0x1, s13;
	s15 =	smov.u32 s12;
	_ =	swait.ge @!p1 [sflag:s14], $0x4000  }
0x17: {  	p0 =	por !p0, !p0;
	s13 =	smov.u32 s17;
	[sflag:s14] =	ssyncset.done @!p1 $0x0  }
0x18: {  	s12 =	smov.u32 s16;
	[sflag:s14] =	ssyncadd.s32 @!p1 $0xFFFFC000;
	s14 =	smov.u32 s4  }
.LBB1_1:
0x19: {  	p1 =	sge.u32 s13, s6  }
0x1a: {  	s16 =	sxor.u32 @!p1 $0xFFFFFFFF, s13  }
0x1b: {  	s17 =	sshll.u32 @!p1 s12, $0xE;
	s19 =	simm.s32 @!p1 $0x40;
	s16 =	sshll.u32 @!p1 s16, $0xE  }
0x1c: {  	s20 =	simm.s32 @!p1 $0x80;
	s18 =	sadd.s32 @!p1 s17, s7;
	s16 =	sand.u32 @!p1 $0x4000, s16  }
0x1d: {  	[tilespmem:s16], [sflag:$0x1] =	stream.strided.gather @!p1 [hbm4b:s18+s19], $0x2000, s20, s19, $0x38;
	[tilespmem:$0x10100] =	vst v63  }
0x1e: {  	s31 =	sadd.s32 $0xFFFFFFFF, s13;
	s17 =	sadd.s32 @!p1 s17, s8;
	s16 =	sor.u32 @!p1 $0x2000, s16  }
0x1f: {  	[tilespmem:s16], [sflag:$0x1] =	stream.strided.gather @!p1 [hbm4b:s17+s19], $0x2000, s20, s19, $0x38;
	[tilespmem:$0x10100] =	vst v63  }
0x20: {  	p1 =	sge.u32 s31, s6  }
.Ltmp2:
0x21: {  	_ = 	snop;
	(pc) =	sbr.rel @p1 .LBB1_7-.Ltmp2, $1  }
0x22: {  	_ =	sdelay $0x3  }
0x23: {  	s16 =	simm.s32 $0x1;
	s18 =	sand.u32 $0x1, s13  }
0x24: {  	_ =	swait.ge [sflag:s5], $0x4000;
	s16 =	simm.s32 @!p0 $0x0;
	s18 =	smul.u32 $0x10200, s18  }
0x25: {  	p2 =	por $0x1, $0x1;
	[sflag:s5] =	ssyncset.done $0x0;
	s17 =	smul.u32 $0x10200, s16  }
0x26: {  	s19 =	sshll.u32 s16, $0x10;
	[sflag:s5] =	ssyncadd.s32 $0xFFFFC000;
	s30 =	sshrl.u32 s18, $0x2  }
0x27: {  	s31 =	sshrl.u32 s19, $0x2;
	s19 =	simm.s32 $0x0;
	s17 =	sshrl.u32 s17, $0x2  }
0x28: {  	s16 =	sor.u32 $0x8000, s30;
	s18 =	sadd.s32 $0x20, s31;
	s17 =	sor.u32 $0x8000, s17  }
.LBB1_3:
0x29: {  	s20 =	sshll.u32 s19, $0xD  }
0x2a: {  	s20 =	sand.u32 $0x3FFFE000, s20  }
0x2b: {  	s22 =	sadd.s32 s20, s18  }
0x2c: {  	s31 =	smul.u32 $0x8100, s19;
	v3 =	vld [tilespmem:s22+$0x10]  }
0x2d: {  	v1 =	vld [tilespmem:s22+$0xFFFFFFF0]  }
0x2e: {  	s19 =	sshra.s32 s31, $0x2;
	v0 =	vld [tilespmem:s22+$0x0]  }
0x2f: {  	s19 =	sadd.s32 s19, s17;
	v2 =	vld [tilespmem:s22+$0xFFFFFFE0]  }
0x30: {  	s20 =	sadd.s32 $0x0, s19  }
0x31: {  	p1 =	por p2, p2;
	s21 =	simm.s32 $0x4;
	s22 =	sadd.s32 $0x40, s22;
	[tilespmem:s20+$0x1830 ss:$0x81] =	vst.msk $0xffff, v3  }
.LBB1_4:
0x32: {  	v3 =	vld [tilespmem:s22+$0x10];
	p2 =	sne.s32 s21, $0x1FC;
	[tilespmem:s20+$0x810 ss:$0x81] =	vst.msk $0xffff, v1;
	s23 =	smov.u32 s21;
	s21 =	sadd.s32 $0x4, s21  }
.Ltmp3:
0x33: {  	v1 =	vld [tilespmem:s22+$0xFFFFFFF0];
	[tilespmem:s20+$0x1020 ss:$0x81] =	vst.msk $0xffff, v0;
	(pc) =	sbr.rel @p2 .LBB1_4-.Ltmp3, $4  }
0x34: {  	v0 =	vld [tilespmem:s22+$0x0];
	[tilespmem:s20+$0x0 ss:$0x81] =	vst.msk $0xffff, v2  }
0x35: {  	s20 =	sshra.s32 s23, $0x2;
	v2 =	vld [tilespmem:s22+$0xFFFFFFE0]  }
0x36: {  	s20 =	sadd.s32 s20, s19  }
0x37: {  	s22 =	sadd.s32 $0x40, s22;
	[tilespmem:s20+$0x1830 ss:$0x81] =	vst.msk $0xffff, v3  }
.Ltmp4:
0x38: {  	(pc) =	sbr.rel @p1 .LBB1_3-.Ltmp4, $4  }
0x39: {  	_ = 	snop  }
0x3a: {  	[tilespmem:s20+$0x810 ss:$0x81] =	vst.msk $0xffff, v1  }
0x3b: {  	[tilespmem:s20+$0x1020 ss:$0x81] =	vst.msk $0xffff, v0  }
0x3c: {  	s19 =	simm.s32 $0x1;
	p2 =	por $0x0, $0x0;
	[tilespmem:s20+$0x0 ss:$0x81] =	vst.msk $0xffff, v2  }
.Ltmp5:
0x3d: {  	(pc) =	sbr.rel .LBB1_7-.Ltmp5, $4  }
0x3e: {  	_ = 	snop  }
0x3f: {  	s15 =	sshll.u32 s15, $0xD;
	s14 =	sadd.s32 s2, s14  }
0x40: {  	s14 =	sadd.s32 s15, s14  }
0x41: {  	[hbm4b:s14+s10] =	stream.strided.scatter [tilespmem:s16], [sflag:$0x2], $0x4000, s11, s10, $0x20;
	[tilespmem:$0x10100] =	vst v63  }
.LBB1_8:
0x42: {  	_ =	sfence.sel $0x180000  }
0x43: {  	s2 =	simm.s32 $0x1;
	[bflag:$0x0] =	sbarrier.arrive $0xFFFF  }
0x44: {  	s31 =	simm.s32 $0x2;
	[sflag:s2] =	ssyncpa.u1 $0x1  }
0x45: {  	[sflag:s31] =	ssyncpa.u1 $0x1  }
0x46: {  	p0 =	sne.s32 s0, $0x0;
	_ =	strace $0x9000004A  }
0x47: {  	s0 =	sadd.s32 @!p0 $0x100000, s1;
	[bflag:$0x2] =	sbarrier.arrive $0xFFFF  }
0x48: {  	[sflag:s0] =	ssyncadd.tile.s32 @!p0 $0x1;
	_ =	shalt  }
.Lfunc_end1:
_tile_overlayer_lowered:
.L_overlay_start_2:
0x49: {  	(tag) =	ssettag $0x2  }
0x4a: {  	s0 =	rddreg [dreg:$0x0];
	s2 =	stileid.u32  }
0x4b: {  	s1 =	rddreg [dreg:$0x1];
	p0 =	sne.s32 s2, $0x0  }
0x4c: {  	s3 =	rddreg [dreg:$0x2];
	[bflag:$0x3] =	sbarrier.arrive $0xFFFF;
	s2 =	simm.s32 @!p0 $0x1C01  }
0x4d: {  	[timem:s3], [sflag:s2] =	dma.local @!p0 [hbm:s0], s1  }
0x4e: {  	s0 =	simm.s32 @!p0 $0x1  }
0x4f: {  	_ =	swait.ge @!p0 [sflag:s0], s1  }
0x50: {  	s1 =	ssub.s32 @!p0 $0x0, s1;
	[sflag:s0] =	ssyncset.done @!p0 $0x0  }
0x51: {  	[sflag:s0] =	ssyncadd.s32 @!p0 s1  }
0x52: {  	[bflag:$0x3] =	sbarrier.arrive $0xFFFF  }
0x53: {  	_ =	shalt  }

</sc_bundles>
